<compile_context>
chip_gen: v7x
topology: tpu7x:2x2x1
jax: 0.10.2.dev20260603
libtpu: 0.0.44.dev20260713+nightly
codegen_flags: <defaults>
</compile_context>

<pallas_src>
import functools

import jax
import jax.numpy as jnp
from jax import lax
from jax.experimental import pallas as pl
from jax.experimental.pallas import tpu as pltpu
from jax.experimental.pallas import tpu_sc as plsc

EMB = 16
VOCABS = (5, 6, 2)
NCODES = VOCABS[0] * VOCABS[1] * VOCABS[2]
LANES = 16
CHUNKT = 20
CHUNK = CHUNKT * 128
TILE_W = 8 * 128
TSTRIDE = 17
OUT_W = 2 * CHUNKT * TILE_W


@functools.cache
def _build_sc_kernel(E: int):
    NC, NS = 2, 16
    NW = NC * NS
    ntile = E // 128
    assert E % 128 == 0 and ntile % CHUNKT == 0
    nchunk = ntile // CHUNKT
    niter = -(-nchunk // NW)
    niter += niter % 2

    mesh = plsc.VectorSubcoreMesh(core_axis_name="c", subcore_axis_name="s")

    @functools.partial(
        pl.kernel,
        out_type=jax.ShapeDtypeStruct((2, ntile * TILE_W), jnp.float32),
        mesh=mesh,
        compiler_params=pltpu.CompilerParams(
            needs_layout_passes=False, use_tc_tiling_on_sc=False),
        scratch_types=[
            pltpu.VMEM((13 * EMB,), jnp.float32),
            pltpu.VMEM((NCODES * TSTRIDE,), jnp.float32),
            pltpu.VMEM((2 * CHUNK,), jnp.int32),
            pltpu.VMEM((2 * OUT_W,), jnp.float32),
            pltpu.SemaphoreType.DMA,
            pltpu.SemaphoreType.DMA,
            pltpu.SemaphoreType.DMA,
            pltpu.SemaphoreType.DMA,
        ],
    )
    def body(edge_hbm, w_hbm, out_hbm, w_v, table_v, in_v, out_v,
             in_sem0, in_sem1, out_sem0, out_sem1):
        wid = lax.axis_index("s") * NC + lax.axis_index("c")
        in_sems = (in_sem0, in_sem1)
        out_sems = (out_sem0, out_sem1)
        nw_chunks = (nchunk - wid + NW - 1) // NW

        pltpu.sync_copy(w_hbm, w_v)
        off1 = VOCABS[0] * EMB
        off2 = (VOCABS[0] + VOCABS[1]) * EMB
        for a in range(VOCABS[0]):
            for b in range(VOCABS[1]):
                ab = w_v[pl.ds(a * EMB, EMB)] + w_v[pl.ds(off1 + b * EMB, EMB)]
                for c in range(VOCABS[2]):
                    k = (a * VOCABS[1] + b) * VOCABS[2] + c
                    table_v[pl.ds(k * TSTRIDE, EMB)] = ab + w_v[pl.ds(off2 + c * EMB, EMB)]

        def in_copy(ii, s):
            cid = wid + ii * NW
            return pltpu.make_async_copy(
                edge_hbm.at[pl.ds(cid * CHUNK, CHUNK)],
                in_v.at[pl.ds(s * CHUNK, CHUNK)],
                in_sems[s])

        def out_copy(ii, s, dt):
            cid = wid + ii * NW
            return pltpu.make_async_copy(
                out_v.at[pl.ds(s * OUT_W + dt * (CHUNKT * TILE_W),
                               CHUNKT * TILE_W)],
                out_hbm.at[dt, pl.ds(cid * CHUNKT * TILE_W, CHUNKT * TILE_W)],
                out_sems[s])

        def compute(s):
            ibase = s * CHUNK
            obase0 = s * OUT_W

            @plsc.parallel_loop(0, CHUNK // LANES, unroll=4)
            def _grp(j):
                v = in_v[pl.ds(ibase + j * LANES, LANES)]
                a = v & 0xFF
                b = (v >> 8) & 0xFF
                c = (v >> 16) & 0xFF
                code16 = ((a * VOCABS[1] + b) * VOCABS[2] + c) * TSTRIDE
                obase = obase0 + (j >> 3) * TILE_W + (j & 7) * LANES
                vals = [plsc.load_gather(table_v, [code16 + d])
                        for d in range(EMB)]
                for d in range(EMB):
                    dt, ds = d // 8, d % 8
                    off = obase + dt * (CHUNKT * TILE_W) + ds * 128
                    out_v[pl.ds(off, LANES)] = vals[d]

        in_copy(0, 0).start()

        @pl.when(nw_chunks > 1)
        def _():
            in_copy(1, 1).start()

        @pl.loop(0, niter, step=2)
        def _it(i):
            for s in range(2):
                ii = i + s

                @pl.when(ii < nw_chunks)
                def _():
                    in_copy(ii, s).wait()

                    @pl.when(ii >= 2)
                    def _():
                        out_copy(ii - 2, s, 0).wait()
                        out_copy(ii - 2, s, 1).wait()

                    compute(s)
                    out_copy(ii, s, 0).start()
                    out_copy(ii, s, 1).start()

                    @pl.when(ii + 2 < nw_chunks)
                    def _():
                        in_copy(ii + 2, s).start()

        for s in range(2):
            last = nw_chunks - 1 - (nw_chunks - 1 + s) % 2
            out_copy(last, s, 0).wait()
            out_copy(last, s, 1).wait()

    def run(edge_packed, w_packed):
        x = body(edge_packed, w_packed)
        return x.reshape(2, ntile, 8, 128).transpose(1, 3, 0, 2).reshape(E, EMB)

    return run


def kernel(edge_attr, W0, W1, W2):
    E = edge_attr.shape[0]
    et = edge_attr.T
    edge_packed = et[0] | (et[1] << 8) | (et[2] << 16)
    w_packed = jnp.concatenate(
        [W0.reshape(-1), W1.reshape(-1), W2.reshape(-1)])
    return _build_sc_kernel(E)(edge_packed, w_packed)

# --- scband reference (transcript-rebuilt; emitter-appended) ---
"""Pipeline reference for scband-bond-encoder-42485816492502 (READ-ONLY COPY).

The authoritative reference and input builder live on the scoring server;
editing this copy changes nothing except your own understanding.
"""

import jax, jax.numpy as jnp
import numpy as np

E = 3200000
EMB_DIM = 16
EDGE_FEAT_DIMS = [5, 6, 2]  # OGB molecule bond feature vocab sizes (e_map)

def _xavier(key, fan_in, fan_out):
    limit = np.sqrt(6.0 / (fan_in + fan_out))
    return jax.random.uniform(key, (fan_in, fan_out), dtype=jnp.float32, minval=-limit, maxval=limit)

def setup_inputs(seed: int = 0) -> dict:
    key = jax.random.key(seed)
    k_idx, k0, k1, k2 = jax.random.split(key, 4)
    edge_attr = jax.random.randint(k_idx, (E, 3), 0, 2, dtype=jnp.int64)
    W0 = _xavier(k0, EDGE_FEAT_DIMS[0], EMB_DIM)
    W1 = _xavier(k1, EDGE_FEAT_DIMS[1], EMB_DIM)
    W2 = _xavier(k2, EDGE_FEAT_DIMS[2], EMB_DIM)
    return {"edge_attr": edge_attr, "W0": W0, "W1": W1, "W2": W2}

def reference(edge_attr, W0, W1, W2):
    # BondEncoder embedding path: edge_attr.shape[1] == 3 != bond_feature_dim,
    # so sum per-column embedding lookups.
    bond_embedding = jnp.take(W0, edge_attr[:, 0], axis=0)
    bond_embedding = bond_embedding + jnp.take(W1, edge_attr[:, 1], axis=0)
    bond_embedding = bond_embedding + jnp.take(W2, edge_attr[:, 2], axis=0)
    return bond_embedding

if __name__ == "__main__":
    import jax
    _d = setup_inputs()
    print(jax.jit(kernel)(*tuple(_d.values())))

</pallas_src>

<mosaic_0001>
#map = affine_map<(d0, d1) -> (0)>
#map1 = affine_map<(d0, d1) -> (0, 0)>
module attributes {stable_mosaic.version = 14 : i64} {
  func.func @body(%arg0: i32, %arg1: i32, %arg2: memref<3200000xi32, #tpu.memory_space<hbm>>, %arg3: memref<208xf32, #tpu.memory_space<hbm>>, %arg4: memref<2x25600000xf32, #tpu.memory_space<hbm>>, %arg5: memref<208xf32, #tpu.memory_space<vmem>>, %arg6: memref<1020xf32, #tpu.memory_space<vmem>>, %arg7: memref<5120xi32, #tpu.memory_space<vmem>>, %arg8: memref<81920xf32, #tpu.memory_space<vmem>>, %arg9: memref<!tpu.dma_semaphore, #tpu.memory_space<semaphore_mem>>, %arg10: memref<!tpu.dma_semaphore, #tpu.memory_space<semaphore_mem>>, %arg11: memref<!tpu.dma_semaphore, #tpu.memory_space<semaphore_mem>>, %arg12: memref<!tpu.dma_semaphore, #tpu.memory_space<semaphore_mem>>) attributes {dimension_semantics = [#tpu.dimension_semantics<core_parallel>, #tpu.dimension_semantics<subcore_parallel>], iteration_bounds = array<i64: 2, 16>, scalar_prefetch = 0 : i64, scratch_operands = 8 : i64, tpu.core_type = #tpu.core_type<sc_vector_subcore>, window_params = [{transform_indices = #map}, {transform_indices = #map}, {transform_indices = #map1}]} {
    %mul3A = arith.constant 2 : i32
    %mul3A_0 = arith.muli %arg1, %mul3A : i32
    %add3A = arith.addi %mul3A_0, %arg0 : i32
    %sub3A = arith.constant 1250 : i32
    %sub3A_1 = arith.subi %sub3A, %add3A : i32
    %add3A_2 = arith.constant 32 : i32
    %add3A_3 = arith.addi %sub3A_1, %add3A_2 : i32
    %sub3A_4 = arith.constant 1 : i32
    %sub3A_5 = arith.subi %add3A_3, %sub3A_4 : i32
    %jit3A = arith.constant 32 : i32
    %div3A = arith.divsi %sub3A_5, %jit3A : i32
    %sign3A = arith.constant 0 : i32
    %sign3A_6 = arith.cmpi sgt, %sub3A_5, %sign3A : i32
    %sign3A_7 = arith.extui %sign3A_6 : i1 to i32
    %sign3A_8 = arith.constant 0 : i32
    %sign3A_9 = arith.cmpi slt, %sub3A_5, %sign3A_8 : i32
    %sign3A_10 = arith.extui %sign3A_9 : i1 to i32
    %sign3A_11 = arith.subi %sign3A_7, %sign3A_10 : i32
    %sign3A_12 = arith.constant 0 : i32
    %sign3A_13 = arith.cmpi sgt, %jit3A, %sign3A_12 : i32
    %sign3A_14 = arith.extui %sign3A_13 : i1 to i32
    %sign3A_15 = arith.constant 0 : i32
    %sign3A_16 = arith.cmpi slt, %jit3A, %sign3A_15 : i32
    %sign3A_17 = arith.extui %sign3A_16 : i1 to i32
    %sign3A_18 = arith.subi %sign3A_14, %sign3A_17 : i32
    %ne3A = arith.cmpi ne, %sign3A_11, %sign3A_18 : i32
    %rem3A = arith.remsi %sub3A_5, %jit3A : i32
    %ne3A_19 = arith.constant 0 : i32
    %ne3A_20 = arith.cmpi ne, %rem3A, %ne3A_19 : i32
    %and3A = arith.andi %ne3A, %ne3A_20 : i1
    %sub3A_21 = arith.constant 1 : i32
    %sub3A_22 = arith.subi %div3A, %sub3A_21 : i32
    %select_n3A = arith.select %and3A, %sub3A_22, %div3A : i32
    "tpu.region"() ({
      %run_scoped3A = tpu.sem_alloc : memref<!tpu.dma_semaphore, #tpu.memory_space<semaphore_mem>>
      tpu.enqueue_dma source(%arg3 : memref<208xf32, #tpu.memory_space<hbm>>) target(%arg5 : memref<208xf32, #tpu.memory_space<vmem>>) target_semaphore(%run_scoped3A : memref<!tpu.dma_semaphore, #tpu.memory_space<semaphore_mem>>)
      tpu.wait_dma2 semaphore(%run_scoped3A : memref<!tpu.dma_semaphore, #tpu.memory_space<semaphore_mem>>) src(%arg3 : memref<208xf32, #tpu.memory_space<hbm>>) dst(%arg5 : memref<208xf32, #tpu.memory_space<vmem>>)
      tpu.yield
    }) : () -> ()
    %get3A = arith.constant 0 : index
    %get3A_23 = tpu.vector_load %arg5[%get3A] {strides = array<i32>} : memref<208xf32, #tpu.memory_space<vmem>>, vector<16xf32>,
    %get3A_24 = arith.constant 80 : index
    %get3A_25 = tpu.vector_load %arg5[%get3A_24] {strides = array<i32>} : memref<208xf32, #tpu.memory_space<vmem>>, vector<16xf32>,
    %add3A_26 = arith.addf %get3A_23, %get3A_25 : vector<16xf32>
    %get3A_27 = arith.constant 176 : index
    %get3A_28 = tpu.vector_load %arg5[%get3A_27] {strides = array<i32>} : memref<208xf32, #tpu.memory_space<vmem>>, vector<16xf32>,
    %add3A_29 = arith.addf %add3A_26, %get3A_28 : vector<16xf32>
    %swap3A = arith.constant 0 : index
    %swap3A_30 = tpu.vector_load %arg6[%swap3A] {strides = array<i32>} : memref<1020xf32, #tpu.memory_space<vmem>>, vector<16xf32>,
    tpu.vector_store %arg6[%swap3A], %add3A_29 {strides = array<i32>} : memref<1020xf32, #tpu.memory_space<vmem>>, vector<16xf32>,
    %get3A_31 = arith.constant 192 : index
    %get3A_32 = tpu.vector_load %arg5[%get3A_31] {strides = array<i32>} : memref<208xf32, #tpu.memory_space<vmem>>, vector<16xf32>,
    %add3A_33 = arith.addf %add3A_26, %get3A_32 : vector<16xf32>
    %swap3A_34 = arith.constant 17 : index
    %swap3A_35 = tpu.vector_load %arg6[%swap3A_34] {strides = array<i32>} : memref<1020xf32, #tpu.memory_space<vmem>>, vector<16xf32>,
    tpu.vector_store %arg6[%swap3A_34], %add3A_33 {strides = array<i32>} : memref<1020xf32, #tpu.memory_space<vmem>>, vector<16xf32>,
    %get3A_36 = arith.constant 0 : index
    %get3A_37 = tpu.vector_load %arg5[%get3A_36] {strides = array<i32>} : memref<208xf32, #tpu.memory_space<vmem>>, vector<16xf32>,
    %get3A_38 = arith.constant 96 : index
    %get3A_39 = tpu.vector_load %arg5[%get3A_38] {strides = array<i32>} : memref<208xf32, #tpu.memory_space<vmem>>, vector<16xf32>,
    %add3A_40 = arith.addf %get3A_37, %get3A_39 : vector<16xf32>
    %get3A_41 = arith.constant 176 : index
    %get3A_42 = tpu.vector_load %arg5[%get3A_41] {strides = array<i32>} : memref<208xf32, #tpu.memory_space<vmem>>, vector<16xf32>,
    %add3A_43 = arith.addf %add3A_40, %get3A_42 : vector<16xf32>
    %swap3A_44 = arith.constant 34 : index
    %swap3A_45 = tpu.vector_load %arg6[%swap3A_44] {strides = array<i32>} : memref<1020xf32, #tpu.memory_space<vmem>>, vector<16xf32>,
    tpu.vector_store %arg6[%swap3A_44], %add3A_43 {strides = array<i32>} : memref<1020xf32, #tpu.memory_space<vmem>>, vector<16xf32>,
    %get3A_46 = arith.constant 192 : index
    %get3A_47 = tpu.vector_load %arg5[%get3A_46] {strides = array<i32>} : memref<208xf32, #tpu.memory_space<vmem>>, vector<16xf32>,
    %add3A_48 = arith.addf %add3A_40, %get3A_47 : vector<16xf32>
    %swap3A_49 = arith.constant 51 : index
    %swap3A_50 = tpu.vector_load %arg6[%swap3A_49] {strides = array<i32>} : memref<1020xf32, #tpu.memory_space<vmem>>, vector<16xf32>,
    tpu.vector_store %arg6[%swap3A_49], %add3A_48 {strides = array<i32>} : memref<1020xf32, #tpu.memory_space<vmem>>, vector<16xf32>,
    %get3A_51 = arith.constant 0 : index
    %get3A_52 = tpu.vector_load %arg5[%get3A_51] {strides = array<i32>} : memref<208xf32, #tpu.memory_space<vmem>>, vector<16xf32>,
    %get3A_53 = arith.constant 112 : index
    %get3A_54 = tpu.vector_load %arg5[%get3A_53] {strides = array<i32>} : memref<208xf32, #tpu.memory_space<vmem>>, vector<16xf32>,
    %add3A_55 = arith.addf %get3A_52, %get3A_54 : vector<16xf32>
    %get3A_56 = arith.constant 176 : index
    %get3A_57 = tpu.vector_load %arg5[%get3A_56] {strides = array<i32>} : memref<208xf32, #tpu.memory_space<vmem>>, vector<16xf32>,
    %add3A_58 = arith.addf %add3A_55, %get3A_57 : vector<16xf32>
    %swap3A_59 = arith.constant 68 : index
    %swap3A_60 = tpu.vector_load %arg6[%swap3A_59] {strides = array<i32>} : memref<1020xf32, #tpu.memory_space<vmem>>, vector<16xf32>,
    tpu.vector_store %arg6[%swap3A_59], %add3A_58 {strides = array<i32>} : memref<1020xf32, #tpu.memory_space<vmem>>, vector<16xf32>,
    %get3A_61 = arith.constant 192 : index
    %get3A_62 = tpu.vector_load %arg5[%get3A_61] {strides = array<i32>} : memref<208xf32, #tpu.memory_space<vmem>>, vector<16xf32>,
    %add3A_63 = arith.addf %add3A_55, %get3A_62 : vector<16xf32>
    %swap3A_64 = arith.constant 85 : index
    %swap3A_65 = tpu.vector_load %arg6[%swap3A_64] {strides = array<i32>} : memref<1020xf32, #tpu.memory_space<vmem>>, vector<16xf32>,
    tpu.vector_store %arg6[%swap3A_64], %add3A_63 {strides = array<i32>} : memref<1020xf32, #tpu.memory_space<vmem>>, vector<16xf32>,
    %get3A_66 = arith.constant 0 : index
    %get3A_67 = tpu.vector_load %arg5[%get3A_66] {strides = array<i32>} : memref<208xf32, #tpu.memory_space<vmem>>, vector<16xf32>,
    %get3A_68 = arith.constant 128 : index
    %get3A_69 = tpu.vector_load %arg5[%get3A_68] {strides = array<i32>} : memref<208xf32, #tpu.memory_space<vmem>>, vector<16xf32>,
    %add3A_70 = arith.addf %get3A_67, %get3A_69 : vector<16xf32>
    %get3A_71 = arith.constant 176 : index
    %get3A_72 = tpu.vector_load %arg5[%get3A_71] {strides = array<i32>} : memref<208xf32, #tpu.memory_space<vmem>>, vector<16xf32>,
    %add3A_73 = arith.addf %add3A_70, %get3A_72 : vector<16xf32>
    %swap3A_74 = arith.constant 102 : index
    %swap3A_75 = tpu.vector_load %arg6[%swap3A_74] {strides = array<i32>} : memref<1020xf32, #tpu.memory_space<vmem>>, vector<16xf32>,
    tpu.vector_store %arg6[%swap3A_74], %add3A_73 {strides = array<i32>} : memref<1020xf32, #tpu.memory_space<vmem>>, vector<16xf32>,
    %get3A_76 = arith.constant 192 : index
    %get3A_77 = tpu.vector_load %arg5[%get3A_76] {strides = array<i32>} : memref<208xf32, #tpu.memory_space<vmem>>, vector<16xf32>,
    %add3A_78 = arith.addf %add3A_70, %get3A_77 : vector<16xf32>
    %swap3A_79 = arith.constant 119 : index
    %swap3A_80 = tpu.vector_load %arg6[%swap3A_79] {strides = array<i32>} : memref<1020xf32, #tpu.memory_space<vmem>>, vector<16xf32>,
    tpu.vector_store %arg6[%swap3A_79], %add3A_78 {strides = array<i32>} : memref<1020xf32, #tpu.memory_space<vmem>>, vector<16xf32>,
    %get3A_81 = arith.constant 0 : index
    %get3A_82 = tpu.vector_load %arg5[%get3A_81] {strides = array<i32>} : memref<208xf32, #tpu.memory_space<vmem>>, vector<16xf32>,
    %get3A_83 = arith.constant 144 : index
    %get3A_84 = tpu.vector_load %arg5[%get3A_83] {strides = array<i32>} : memref<208xf32, #tpu.memory_space<vmem>>, vector<16xf32>,
    %add3A_85 = arith.addf %get3A_82, %get3A_84 : vector<16xf32>
    %get3A_86 = arith.constant 176 : index
    %get3A_87 = tpu.vector_load %arg5[%get3A_86] {strides = array<i32>} : memref<208xf32, #tpu.memory_space<vmem>>, vector<16xf32>,
    %add3A_88 = arith.addf %add3A_85, %get3A_87 : vector<16xf32>
    %swap3A_89 = arith.constant 136 : index
    %swap3A_90 = tpu.vector_load %arg6[%swap3A_89] {strides = array<i32>} : memref<1020xf32, #tpu.memory_space<vmem>>, vector<16xf32>,
    tpu.vector_store %arg6[%swap3A_89], %add3A_88 {strides = array<i32>} : memref<1020xf32, #tpu.memory_space<vmem>>, vector<16xf32>,
    %get3A_91 = arith.constant 192 : index
    %get3A_92 = tpu.vector_load %arg5[%get3A_91] {strides = array<i32>} : memref<208xf32, #tpu.memory_space<vmem>>, vector<16xf32>,
    %add3A_93 = arith.addf %add3A_85, %get3A_92 : vector<16xf32>
    %swap3A_94 = arith.constant 153 : index
    %swap3A_95 = tpu.vector_load %arg6[%swap3A_94] {strides = array<i32>} : memref<1020xf32, #tpu.memory_space<vmem>>, vector<16xf32>,
    tpu.vector_store %arg6[%swap3A_94], %add3A_93 {strides = array<i32>} : memref<1020xf32, #tpu.memory_space<vmem>>, vector<16xf32>,
    %get3A_96 = arith.constant 0 : index
    %get3A_97 = tpu.vector_load %arg5[%get3A_96] {strides = array<i32>} : memref<208xf32, #tpu.memory_space<vmem>>, vector<16xf32>,
    %get3A_98 = arith.constant 160 : index
    %get3A_99 = tpu.vector_load %arg5[%get3A_98] {strides = array<i32>} : memref<208xf32, #tpu.memory_space<vmem>>, vector<16xf32>,
    %add3A_100 = arith.addf %get3A_97, %get3A_99 : vector<16xf32>
    %get3A_101 = arith.constant 176 : index
    %get3A_102 = tpu.vector_load %arg5[%get3A_101] {strides = array<i32>} : memref<208xf32, #tpu.memory_space<vmem>>, vector<16xf32>,
    %add3A_103 = arith.addf %add3A_100, %get3A_102 : vector<16xf32>
    %swap3A_104 = arith.constant 170 : index
    %swap3A_105 = tpu.vector_load %arg6[%swap3A_104] {strides = array<i32>} : memref<1020xf32, #tpu.memory_space<vmem>>, vector<16xf32>,
    tpu.vector_store %arg6[%swap3A_104], %add3A_103 {strides = array<i32>} : memref<1020xf32, #tpu.memory_space<vmem>>, vector<16xf32>,
    %get3A_106 = arith.constant 192 : index
    %get3A_107 = tpu.vector_load %arg5[%get3A_106] {strides = array<i32>} : memref<208xf32, #tpu.memory_space<vmem>>, vector<16xf32>,
    %add3A_108 = arith.addf %add3A_100, %get3A_107 : vector<16xf32>
    %swap3A_109 = arith.constant 187 : index
    %swap3A_110 = tpu.vector_load %arg6[%swap3A_109] {strides = array<i32>} : memref<1020xf32, #tpu.memory_space<vmem>>, vector<16xf32>,
    tpu.vector_store %arg6[%swap3A_109], %add3A_108 {strides = array<i32>} : memref<1020xf32, #tpu.memory_space<vmem>>, vector<16xf32>,
    %get3A_111 = arith.constant 16 : index
    %get3A_112 = tpu.vector_load %arg5[%get3A_111] {strides = array<i32>} : memref<208xf32, #tpu.memory_space<vmem>>, vector<16xf32>,
    %get3A_113 = arith.constant 80 : index
    %get3A_114 = tpu.vector_load %arg5[%get3A_113] {strides = array<i32>} : memref<208xf32, #tpu.memory_space<vmem>>, vector<16xf32>,
    %add3A_115 = arith.addf %get3A_112, %get3A_114 : vector<16xf32>
    %get3A_116 = arith.constant 176 : index
    %get3A_117 = tpu.vector_load %arg5[%get3A_116] {strides = array<i32>} : memref<208xf32, #tpu.memory_space<vmem>>, vector<16xf32>,
    %add3A_118 = arith.addf %add3A_115, %get3A_117 : vector<16xf32>
    %swap3A_119 = arith.constant 204 : index
    %swap3A_120 = tpu.vector_load %arg6[%swap3A_119] {strides = array<i32>} : memref<1020xf32, #tpu.memory_space<vmem>>, vector<16xf32>,
    tpu.vector_store %arg6[%swap3A_119], %add3A_118 {strides = array<i32>} : memref<1020xf32, #tpu.memory_space<vmem>>, vector<16xf32>,
    %get3A_121 = arith.constant 192 : index
    %get3A_122 = tpu.vector_load %arg5[%get3A_121] {strides = array<i32>} : memref<208xf32, #tpu.memory_space<vmem>>, vector<16xf32>,
    %add3A_123 = arith.addf %add3A_115, %get3A_122 : vector<16xf32>
    %swap3A_124 = arith.constant 221 : index
    %swap3A_125 = tpu.vector_load %arg6[%swap3A_124] {strides = array<i32>} : memref<1020xf32, #tpu.memory_space<vmem>>, vector<16xf32>,
    tpu.vector_store %arg6[%swap3A_124], %add3A_123 {strides = array<i32>} : memref<1020xf32, #tpu.memory_space<vmem>>, vector<16xf32>,
    %get3A_126 = arith.constant 16 : index
    %get3A_127 = tpu.vector_load %arg5[%get3A_126] {strides = array<i32>} : memref<208xf32, #tpu.memory_space<vmem>>, vector<16xf32>,
    %get3A_128 = arith.constant 96 : index
    %get3A_129 = tpu.vector_load %arg5[%get3A_128] {strides = array<i32>} : memref<208xf32, #tpu.memory_space<vmem>>, vector<16xf32>,
    %add3A_130 = arith.addf %get3A_127, %get3A_129 : vector<16xf32>
    %get3A_131 = arith.constant 176 : index
    %get3A_132 = tpu.vector_load %arg5[%get3A_131] {strides = array<i32>} : memref<208xf32, #tpu.memory_space<vmem>>, vector<16xf32>,
    %add3A_133 = arith.addf %add3A_130, %get3A_132 : vector<16xf32>
    %swap3A_134 = arith.constant 238 : index
    %swap3A_135 = tpu.vector_load %arg6[%swap3A_134] {strides = array<i32>} : memref<1020xf32, #tpu.memory_space<vmem>>, vector<16xf32>,
    tpu.vector_store %arg6[%swap3A_134], %add3A_133 {strides = array<i32>} : memref<1020xf32, #tpu.memory_space<vmem>>, vector<16xf32>,
    %get3A_136 = arith.constant 192 : index
    %get3A_137 = tpu.vector_load %arg5[%get3A_136] {strides = array<i32>} : memref<208xf32, #tpu.memory_space<vmem>>, vector<16xf32>,
    %add3A_138 = arith.addf %add3A_130, %get3A_137 : vector<16xf32>
    %swap3A_139 = arith.constant 255 : index
    %swap3A_140 = tpu.vector_load %arg6[%swap3A_139] {strides = array<i32>} : memref<1020xf32, #tpu.memory_space<vmem>>, vector<16xf32>,
    tpu.vector_store %arg6[%swap3A_139], %add3A_138 {strides = array<i32>} : memref<1020xf32, #tpu.memory_space<vmem>>, vector<16xf32>,
    %get3A_141 = arith.constant 16 : index
    %get3A_142 = tpu.vector_load %arg5[%get3A_141] {strides = array<i32>} : memref<208xf32, #tpu.memory_space<vmem>>, vector<16xf32>,
    %get3A_143 = arith.constant 112 : index
    %get3A_144 = tpu.vector_load %arg5[%get3A_143] {strides = array<i32>} : memref<208xf32, #tpu.memory_space<vmem>>, vector<16xf32>,
    %add3A_145 = arith.addf %get3A_142, %get3A_144 : vector<16xf32>
    %get3A_146 = arith.constant 176 : index
    %get3A_147 = tpu.vector_load %arg5[%get3A_146] {strides = array<i32>} : memref<208xf32, #tpu.memory_space<vmem>>, vector<16xf32>,
    %add3A_148 = arith.addf %add3A_145, %get3A_147 : vector<16xf32>
    %swap3A_149 = arith.constant 272 : index
    %swap3A_150 = tpu.vector_load %arg6[%swap3A_149] {strides = array<i32>} : memref<1020xf32, #tpu.memory_space<vmem>>, vector<16xf32>,
    tpu.vector_store %arg6[%swap3A_149], %add3A_148 {strides = array<i32>} : memref<1020xf32, #tpu.memory_space<vmem>>, vector<16xf32>,
    %get3A_151 = arith.constant 192 : index
    %get3A_152 = tpu.vector_load %arg5[%get3A_151] {strides = array<i32>} : memref<208xf32, #tpu.memory_space<vmem>>, vector<16xf32>,
    %add3A_153 = arith.addf %add3A_145, %get3A_152 : vector<16xf32>
    %swap3A_154 = arith.constant 289 : index
    %swap3A_155 = tpu.vector_load %arg6[%swap3A_154] {strides = array<i32>} : memref<1020xf32, #tpu.memory_space<vmem>>, vector<16xf32>,
    tpu.vector_store %arg6[%swap3A_154], %add3A_153 {strides = array<i32>} : memref<1020xf32, #tpu.memory_space<vmem>>, vector<16xf32>,
    %get3A_156 = arith.constant 16 : index
    %get3A_157 = tpu.vector_load %arg5[%get3A_156] {strides = array<i32>} : memref<208xf32, #tpu.memory_space<vmem>>, vector<16xf32>,
    %get3A_158 = arith.constant 128 : index
    %get3A_159 = tpu.vector_load %arg5[%get3A_158] {strides = array<i32>} : memref<208xf32, #tpu.memory_space<vmem>>, vector<16xf32>,
    %add3A_160 = arith.addf %get3A_157, %get3A_159 : vector<16xf32>
    %get3A_161 = arith.constant 176 : index
    %get3A_162 = tpu.vector_load %arg5[%get3A_161] {strides = array<i32>} : memref<208xf32, #tpu.memory_space<vmem>>, vector<16xf32>,
    %add3A_163 = arith.addf %add3A_160, %get3A_162 : vector<16xf32>
    %swap3A_164 = arith.constant 306 : index
    %swap3A_165 = tpu.vector_load %arg6[%swap3A_164] {strides = array<i32>} : memref<1020xf32, #tpu.memory_space<vmem>>, vector<16xf32>,
    tpu.vector_store %arg6[%swap3A_164], %add3A_163 {strides = array<i32>} : memref<1020xf32, #tpu.memory_space<vmem>>, vector<16xf32>,
    %get3A_166 = arith.constant 192 : index
    %get3A_167 = tpu.vector_load %arg5[%get3A_166] {strides = array<i32>} : memref<208xf32, #tpu.memory_space<vmem>>, vector<16xf32>,
    %add3A_168 = arith.addf %add3A_160, %get3A_167 : vector<16xf32>
    %swap3A_169 = arith.constant 323 : index
    %swap3A_170 = tpu.vector_load %arg6[%swap3A_169] {strides = array<i32>} : memref<1020xf32, #tpu.memory_space<vmem>>, vector<16xf32>,
    tpu.vector_store %arg6[%swap3A_169], %add3A_168 {strides = array<i32>} : memref<1020xf32, #tpu.memory_space<vmem>>, vector<16xf32>,
    %get3A_171 = arith.constant 16 : index
    %get3A_172 = tpu.vector_load %arg5[%get3A_171] {strides = array<i32>} : memref<208xf32, #tpu.memory_space<vmem>>, vector<16xf32>,
    %get3A_173 = arith.constant 144 : index
    %get3A_174 = tpu.vector_load %arg5[%get3A_173] {strides = array<i32>} : memref<208xf32, #tpu.memory_space<vmem>>, vector<16xf32>,
    %add3A_175 = arith.addf %get3A_172, %get3A_174 : vector<16xf32>
    %get3A_176 = arith.constant 176 : index
    %get3A_177 = tpu.vector_load %arg5[%get3A_176] {strides = array<i32>} : memref<208xf32, #tpu.memory_space<vmem>>, vector<16xf32>,
    %add3A_178 = arith.addf %add3A_175, %get3A_177 : vector<16xf32>
    %swap3A_179 = arith.constant 340 : index
    %swap3A_180 = tpu.vector_load %arg6[%swap3A_179] {strides = array<i32>} : memref<1020xf32, #tpu.memory_space<vmem>>, vector<16xf32>,
    tpu.vector_store %arg6[%swap3A_179], %add3A_178 {strides = array<i32>} : memref<1020xf32, #tpu.memory_space<vmem>>, vector<16xf32>,
    %get3A_181 = arith.constant 192 : index
    %get3A_182 = tpu.vector_load %arg5[%get3A_181] {strides = array<i32>} : memref<208xf32, #tpu.memory_space<vmem>>, vector<16xf32>,
    %add3A_183 = arith.addf %add3A_175, %get3A_182 : vector<16xf32>
    %swap3A_184 = arith.constant 357 : index
    %swap3A_185 = tpu.vector_load %arg6[%swap3A_184] {strides = array<i32>} : memref<1020xf32, #tpu.memory_space<vmem>>, vector<16xf32>,
    tpu.vector_store %arg6[%swap3A_184], %add3A_183 {strides = array<i32>} : memref<1020xf32, #tpu.memory_space<vmem>>, vector<16xf32>,
    %get3A_186 = arith.constant 16 : index
    %get3A_187 = tpu.vector_load %arg5[%get3A_186] {strides = array<i32>} : memref<208xf32, #tpu.memory_space<vmem>>, vector<16xf32>,
    %get3A_188 = arith.constant 160 : index
    %get3A_189 = tpu.vector_load %arg5[%get3A_188] {strides = array<i32>} : memref<208xf32, #tpu.memory_space<vmem>>, vector<16xf32>,
    %add3A_190 = arith.addf %get3A_187, %get3A_189 : vector<16xf32>
    %get3A_191 = arith.constant 176 : index
    %get3A_192 = tpu.vector_load %arg5[%get3A_191] {strides = array<i32>} : memref<208xf32, #tpu.memory_space<vmem>>, vector<16xf32>,
    %add3A_193 = arith.addf %add3A_190, %get3A_192 : vector<16xf32>
    %swap3A_194 = arith.constant 374 : index
    %swap3A_195 = tpu.vector_load %arg6[%swap3A_194] {strides = array<i32>} : memref<1020xf32, #tpu.memory_space<vmem>>, vector<16xf32>,
    tpu.vector_store %arg6[%swap3A_194], %add3A_193 {strides = array<i32>} : memref<1020xf32, #tpu.memory_space<vmem>>, vector<16xf32>,
    %get3A_196 = arith.constant 192 : index
    %get3A_197 = tpu.vector_load %arg5[%get3A_196] {strides = array<i32>} : memref<208xf32, #tpu.memory_space<vmem>>, vector<16xf32>,
    %add3A_198 = arith.addf %add3A_190, %get3A_197 : vector<16xf32>
    %swap3A_199 = arith.constant 391 : index
    %swap3A_200 = tpu.vector_load %arg6[%swap3A_199] {strides = array<i32>} : memref<1020xf32, #tpu.memory_space<vmem>>, vector<16xf32>,
    tpu.vector_store %arg6[%swap3A_199], %add3A_198 {strides = array<i32>} : memref<1020xf32, #tpu.memory_space<vmem>>, vector<16xf32>,
    %get3A_201 = arith.constant 32 : index
    %get3A_202 = tpu.vector_load %arg5[%get3A_201] {strides = array<i32>} : memref<208xf32, #tpu.memory_space<vmem>>, vector<16xf32>,
    %get3A_203 = arith.constant 80 : index
    %get3A_204 = tpu.vector_load %arg5[%get3A_203] {strides = array<i32>} : memref<208xf32, #tpu.memory_space<vmem>>, vector<16xf32>,
    %add3A_205 = arith.addf %get3A_202, %get3A_204 : vector<16xf32>
    %get3A_206 = arith.constant 176 : index
    %get3A_207 = tpu.vector_load %arg5[%get3A_206] {strides = array<i32>} : memref<208xf32, #tpu.memory_space<vmem>>, vector<16xf32>,
    %add3A_208 = arith.addf %add3A_205, %get3A_207 : vector<16xf32>
    %swap3A_209 = arith.constant 408 : index
    %swap3A_210 = tpu.vector_load %arg6[%swap3A_209] {strides = array<i32>} : memref<1020xf32, #tpu.memory_space<vmem>>, vector<16xf32>,
    tpu.vector_store %arg6[%swap3A_209], %add3A_208 {strides = array<i32>} : memref<1020xf32, #tpu.memory_space<vmem>>, vector<16xf32>,
    %get3A_211 = arith.constant 192 : index
    %get3A_212 = tpu.vector_load %arg5[%get3A_211] {strides = array<i32>} : memref<208xf32, #tpu.memory_space<vmem>>, vector<16xf32>,
    %add3A_213 = arith.addf %add3A_205, %get3A_212 : vector<16xf32>
    %swap3A_214 = arith.constant 425 : index
    %swap3A_215 = tpu.vector_load %arg6[%swap3A_214] {strides = array<i32>} : memref<1020xf32, #tpu.memory_space<vmem>>, vector<16xf32>,
    tpu.vector_store %arg6[%swap3A_214], %add3A_213 {strides = array<i32>} : memref<1020xf32, #tpu.memory_space<vmem>>, vector<16xf32>,
    %get3A_216 = arith.constant 32 : index
    %get3A_217 = tpu.vector_load %arg5[%get3A_216] {strides = array<i32>} : memref<208xf32, #tpu.memory_space<vmem>>, vector<16xf32>,
    %get3A_218 = arith.constant 96 : index
    %get3A_219 = tpu.vector_load %arg5[%get3A_218] {strides = array<i32>} : memref<208xf32, #tpu.memory_space<vmem>>, vector<16xf32>,
    %add3A_220 = arith.addf %get3A_217, %get3A_219 : vector<16xf32>
    %get3A_221 = arith.constant 176 : index
    %get3A_222 = tpu.vector_load %arg5[%get3A_221] {strides = array<i32>} : memref<208xf32, #tpu.memory_space<vmem>>, vector<16xf32>,
    %add3A_223 = arith.addf %add3A_220, %get3A_222 : vector<16xf32>
    %swap3A_224 = arith.constant 442 : index
    %swap3A_225 = tpu.vector_load %arg6[%swap3A_224] {strides = array<i32>} : memref<1020xf32, #tpu.memory_space<vmem>>, vector<16xf32>,
    tpu.vector_store %arg6[%swap3A_224], %add3A_223 {strides = array<i32>} : memref<1020xf32, #tpu.memory_space<vmem>>, vector<16xf32>,
    %get3A_226 = arith.constant 192 : index
    %get3A_227 = tpu.vector_load %arg5[%get3A_226] {strides = array<i32>} : memref<208xf32, #tpu.memory_space<vmem>>, vector<16xf32>,
    %add3A_228 = arith.addf %add3A_220, %get3A_227 : vector<16xf32>
    %swap3A_229 = arith.constant 459 : index
    %swap3A_230 = tpu.vector_load %arg6[%swap3A_229] {strides = array<i32>} : memref<1020xf32, #tpu.memory_space<vmem>>, vector<16xf32>,
    tpu.vector_store %arg6[%swap3A_229], %add3A_228 {strides = array<i32>} : memref<1020xf32, #tpu.memory_space<vmem>>, vector<16xf32>,
    %get3A_231 = arith.constant 32 : index
    %get3A_232 = tpu.vector_load %arg5[%get3A_231] {strides = array<i32>} : memref<208xf32, #tpu.memory_space<vmem>>, vector<16xf32>,
    %get3A_233 = arith.constant 112 : index
    %get3A_234 = tpu.vector_load %arg5[%get3A_233] {strides = array<i32>} : memref<208xf32, #tpu.memory_space<vmem>>, vector<16xf32>,
    %add3A_235 = arith.addf %get3A_232, %get3A_234 : vector<16xf32>
    %get3A_236 = arith.constant 176 : index
    %get3A_237 = tpu.vector_load %arg5[%get3A_236] {strides = array<i32>} : memref<208xf32, #tpu.memory_space<vmem>>, vector<16xf32>,
    %add3A_238 = arith.addf %add3A_235, %get3A_237 : vector<16xf32>
    %swap3A_239 = arith.constant 476 : index
    %swap3A_240 = tpu.vector_load %arg6[%swap3A_239] {strides = array<i32>} : memref<1020xf32, #tpu.memory_space<vmem>>, vector<16xf32>,
    tpu.vector_store %arg6[%swap3A_239], %add3A_238 {strides = array<i32>} : memref<1020xf32, #tpu.memory_space<vmem>>, vector<16xf32>,
    %get3A_241 = arith.constant 192 : index
    %get3A_242 = tpu.vector_load %arg5[%get3A_241] {strides = array<i32>} : memref<208xf32, #tpu.memory_space<vmem>>, vector<16xf32>,
    %add3A_243 = arith.addf %add3A_235, %get3A_242 : vector<16xf32>
    %swap3A_244 = arith.constant 493 : index
    %swap3A_245 = tpu.vector_load %arg6[%swap3A_244] {strides = array<i32>} : memref<1020xf32, #tpu.memory_space<vmem>>, vector<16xf32>,
    tpu.vector_store %arg6[%swap3A_244], %add3A_243 {strides = array<i32>} : memref<1020xf32, #tpu.memory_space<vmem>>, vector<16xf32>,
    %get3A_246 = arith.constant 32 : index
    %get3A_247 = tpu.vector_load %arg5[%get3A_246] {strides = array<i32>} : memref<208xf32, #tpu.memory_space<vmem>>, vector<16xf32>,
    %get3A_248 = arith.constant 128 : index
    %get3A_249 = tpu.vector_load %arg5[%get3A_248] {strides = array<i32>} : memref<208xf32, #tpu.memory_space<vmem>>, vector<16xf32>,
    %add3A_250 = arith.addf %get3A_247, %get3A_249 : vector<16xf32>
    %get3A_251 = arith.constant 176 : index
    %get3A_252 = tpu.vector_load %arg5[%get3A_251] {strides = array<i32>} : memref<208xf32, #tpu.memory_space<vmem>>, vector<16xf32>,
    %add3A_253 = arith.addf %add3A_250, %get3A_252 : vector<16xf32>
    %swap3A_254 = arith.constant 510 : index
    %swap3A_255 = tpu.vector_load %arg6[%swap3A_254] {strides = array<i32>} : memref<1020xf32, #tpu.memory_space<vmem>>, vector<16xf32>,
    tpu.vector_store %arg6[%swap3A_254], %add3A_253 {strides = array<i32>} : memref<1020xf32, #tpu.memory_space<vmem>>, vector<16xf32>,
    %get3A_256 = arith.constant 192 : index
    %get3A_257 = tpu.vector_load %arg5[%get3A_256] {strides = array<i32>} : memref<208xf32, #tpu.memory_space<vmem>>, vector<16xf32>,
    %add3A_258 = arith.addf %add3A_250, %get3A_257 : vector<16xf32>
    %swap3A_259 = arith.constant 527 : index
    %swap3A_260 = tpu.vector_load %arg6[%swap3A_259] {strides = array<i32>} : memref<1020xf32, #tpu.memory_space<vmem>>, vector<16xf32>,
    tpu.vector_store %arg6[%swap3A_259], %add3A_258 {strides = array<i32>} : memref<1020xf32, #tpu.memory_space<vmem>>, vector<16xf32>,
    %get3A_261 = arith.constant 32 : index
    %get3A_262 = tpu.vector_load %arg5[%get3A_261] {strides = array<i32>} : memref<208xf32, #tpu.memory_space<vmem>>, vector<16xf32>,
    %get3A_263 = arith.constant 144 : index
    %get3A_264 = tpu.vector_load %arg5[%get3A_263] {strides = array<i32>} : memref<208xf32, #tpu.memory_space<vmem>>, vector<16xf32>,
    %add3A_265 = arith.addf %get3A_262, %get3A_264 : vector<16xf32>
    %get3A_266 = arith.constant 176 : index
    %get3A_267 = tpu.vector_load %arg5[%get3A_266] {strides = array<i32>} : memref<208xf32, #tpu.memory_space<vmem>>, vector<16xf32>,
    %add3A_268 = arith.addf %add3A_265, %get3A_267 : vector<16xf32>
    %swap3A_269 = arith.constant 544 : index
    %swap3A_270 = tpu.vector_load %arg6[%swap3A_269] {strides = array<i32>} : memref<1020xf32, #tpu.memory_space<vmem>>, vector<16xf32>,
    tpu.vector_store %arg6[%swap3A_269], %add3A_268 {strides = array<i32>} : memref<1020xf32, #tpu.memory_space<vmem>>, vector<16xf32>,
    %get3A_271 = arith.constant 192 : index
    %get3A_272 = tpu.vector_load %arg5[%get3A_271] {strides = array<i32>} : memref<208xf32, #tpu.memory_space<vmem>>, vector<16xf32>,
    %add3A_273 = arith.addf %add3A_265, %get3A_272 : vector<16xf32>
    %swap3A_274 = arith.constant 561 : index
    %swap3A_275 = tpu.vector_load %arg6[%swap3A_274] {strides = array<i32>} : memref<1020xf32, #tpu.memory_space<vmem>>, vector<16xf32>,
    tpu.vector_store %arg6[%swap3A_274], %add3A_273 {strides = array<i32>} : memref<1020xf32, #tpu.memory_space<vmem>>, vector<16xf32>,
    %get3A_276 = arith.constant 32 : index
    %get3A_277 = tpu.vector_load %arg5[%get3A_276] {strides = array<i32>} : memref<208xf32, #tpu.memory_space<vmem>>, vector<16xf32>,
    %get3A_278 = arith.constant 160 : index
    %get3A_279 = tpu.vector_load %arg5[%get3A_278] {strides = array<i32>} : memref<208xf32, #tpu.memory_space<vmem>>, vector<16xf32>,
    %add3A_280 = arith.addf %get3A_277, %get3A_279 : vector<16xf32>
    %get3A_281 = arith.constant 176 : index
    %get3A_282 = tpu.vector_load %arg5[%get3A_281] {strides = array<i32>} : memref<208xf32, #tpu.memory_space<vmem>>, vector<16xf32>,
    %add3A_283 = arith.addf %add3A_280, %get3A_282 : vector<16xf32>
    %swap3A_284 = arith.constant 578 : index
    %swap3A_285 = tpu.vector_load %arg6[%swap3A_284] {strides = array<i32>} : memref<1020xf32, #tpu.memory_space<vmem>>, vector<16xf32>,
    tpu.vector_store %arg6[%swap3A_284], %add3A_283 {strides = array<i32>} : memref<1020xf32, #tpu.memory_space<vmem>>, vector<16xf32>,
    %get3A_286 = arith.constant 192 : index
    %get3A_287 = tpu.vector_load %arg5[%get3A_286] {strides = array<i32>} : memref<208xf32, #tpu.memory_space<vmem>>, vector<16xf32>,
    %add3A_288 = arith.addf %add3A_280, %get3A_287 : vector<16xf32>
    %swap3A_289 = arith.constant 595 : index
    %swap3A_290 = tpu.vector_load %arg6[%swap3A_289] {strides = array<i32>} : memref<1020xf32, #tpu.memory_space<vmem>>, vector<16xf32>,
    tpu.vector_store %arg6[%swap3A_289], %add3A_288 {strides = array<i32>} : memref<1020xf32, #tpu.memory_space<vmem>>, vector<16xf32>,
    %get3A_291 = arith.constant 48 : index
    %get3A_292 = tpu.vector_load %arg5[%get3A_291] {strides = array<i32>} : memref<208xf32, #tpu.memory_space<vmem>>, vector<16xf32>,
    %get3A_293 = arith.constant 80 : index
    %get3A_294 = tpu.vector_load %arg5[%get3A_293] {strides = array<i32>} : memref<208xf32, #tpu.memory_space<vmem>>, vector<16xf32>,
    %add3A_295 = arith.addf %get3A_292, %get3A_294 : vector<16xf32>
    %get3A_296 = arith.constant 176 : index
    %get3A_297 = tpu.vector_load %arg5[%get3A_296] {strides = array<i32>} : memref<208xf32, #tpu.memory_space<vmem>>, vector<16xf32>,
    %add3A_298 = arith.addf %add3A_295, %get3A_297 : vector<16xf32>
    %swap3A_299 = arith.constant 612 : index
    %swap3A_300 = tpu.vector_load %arg6[%swap3A_299] {strides = array<i32>} : memref<1020xf32, #tpu.memory_space<vmem>>, vector<16xf32>,
    tpu.vector_store %arg6[%swap3A_299], %add3A_298 {strides = array<i32>} : memref<1020xf32, #tpu.memory_space<vmem>>, vector<16xf32>,
    %get3A_301 = arith.constant 192 : index
    %get3A_302 = tpu.vector_load %arg5[%get3A_301] {strides = array<i32>} : memref<208xf32, #tpu.memory_space<vmem>>, vector<16xf32>,
    %add3A_303 = arith.addf %add3A_295, %get3A_302 : vector<16xf32>
    %swap3A_304 = arith.constant 629 : index
    %swap3A_305 = tpu.vector_load %arg6[%swap3A_304] {strides = array<i32>} : memref<1020xf32, #tpu.memory_space<vmem>>, vector<16xf32>,
    tpu.vector_store %arg6[%swap3A_304], %add3A_303 {strides = array<i32>} : memref<1020xf32, #tpu.memory_space<vmem>>, vector<16xf32>,
    %get3A_306 = arith.constant 48 : index
    %get3A_307 = tpu.vector_load %arg5[%get3A_306] {strides = array<i32>} : memref<208xf32, #tpu.memory_space<vmem>>, vector<16xf32>,
    %get3A_308 = arith.constant 96 : index
    %get3A_309 = tpu.vector_load %arg5[%get3A_308] {strides = array<i32>} : memref<208xf32, #tpu.memory_space<vmem>>, vector<16xf32>,
    %add3A_310 = arith.addf %get3A_307, %get3A_309 : vector<16xf32>
    %get3A_311 = arith.constant 176 : index
    %get3A_312 = tpu.vector_load %arg5[%get3A_311] {strides = array<i32>} : memref<208xf32, #tpu.memory_space<vmem>>, vector<16xf32>,
    %add3A_313 = arith.addf %add3A_310, %get3A_312 : vector<16xf32>
    %swap3A_314 = arith.constant 646 : index
    %swap3A_315 = tpu.vector_load %arg6[%swap3A_314] {strides = array<i32>} : memref<1020xf32, #tpu.memory_space<vmem>>, vector<16xf32>,
    tpu.vector_store %arg6[%swap3A_314], %add3A_313 {strides = array<i32>} : memref<1020xf32, #tpu.memory_space<vmem>>, vector<16xf32>,
    %get3A_316 = arith.constant 192 : index
    %get3A_317 = tpu.vector_load %arg5[%get3A_316] {strides = array<i32>} : memref<208xf32, #tpu.memory_space<vmem>>, vector<16xf32>,
    %add3A_318 = arith.addf %add3A_310, %get3A_317 : vector<16xf32>
    %swap3A_319 = arith.constant 663 : index
    %swap3A_320 = tpu.vector_load %arg6[%swap3A_319] {strides = array<i32>} : memref<1020xf32, #tpu.memory_space<vmem>>, vector<16xf32>,
    tpu.vector_store %arg6[%swap3A_319], %add3A_318 {strides = array<i32>} : memref<1020xf32, #tpu.memory_space<vmem>>, vector<16xf32>,
    %get3A_321 = arith.constant 48 : index
    %get3A_322 = tpu.vector_load %arg5[%get3A_321] {strides = array<i32>} : memref<208xf32, #tpu.memory_space<vmem>>, vector<16xf32>,
    %get3A_323 = arith.constant 112 : index
    %get3A_324 = tpu.vector_load %arg5[%get3A_323] {strides = array<i32>} : memref<208xf32, #tpu.memory_space<vmem>>, vector<16xf32>,
    %add3A_325 = arith.addf %get3A_322, %get3A_324 : vector<16xf32>
    %get3A_326 = arith.constant 176 : index
    %get3A_327 = tpu.vector_load %arg5[%get3A_326] {strides = array<i32>} : memref<208xf32, #tpu.memory_space<vmem>>, vector<16xf32>,
    %add3A_328 = arith.addf %add3A_325, %get3A_327 : vector<16xf32>
    %swap3A_329 = arith.constant 680 : index
    %swap3A_330 = tpu.vector_load %arg6[%swap3A_329] {strides = array<i32>} : memref<1020xf32, #tpu.memory_space<vmem>>, vector<16xf32>,
    tpu.vector_store %arg6[%swap3A_329], %add3A_328 {strides = array<i32>} : memref<1020xf32, #tpu.memory_space<vmem>>, vector<16xf32>,
    %get3A_331 = arith.constant 192 : index
    %get3A_332 = tpu.vector_load %arg5[%get3A_331] {strides = array<i32>} : memref<208xf32, #tpu.memory_space<vmem>>, vector<16xf32>,
    %add3A_333 = arith.addf %add3A_325, %get3A_332 : vector<16xf32>
    %swap3A_334 = arith.constant 697 : index
    %swap3A_335 = tpu.vector_load %arg6[%swap3A_334] {strides = array<i32>} : memref<1020xf32, #tpu.memory_space<vmem>>, vector<16xf32>,
    tpu.vector_store %arg6[%swap3A_334], %add3A_333 {strides = array<i32>} : memref<1020xf32, #tpu.memory_space<vmem>>, vector<16xf32>,
    %get3A_336 = arith.constant 48 : index
    %get3A_337 = tpu.vector_load %arg5[%get3A_336] {strides = array<i32>} : memref<208xf32, #tpu.memory_space<vmem>>, vector<16xf32>,
    %get3A_338 = arith.constant 128 : index
    %get3A_339 = tpu.vector_load %arg5[%get3A_338] {strides = array<i32>} : memref<208xf32, #tpu.memory_space<vmem>>, vector<16xf32>,
    %add3A_340 = arith.addf %get3A_337, %get3A_339 : vector<16xf32>
    %get3A_341 = arith.constant 176 : index
    %get3A_342 = tpu.vector_load %arg5[%get3A_341] {strides = array<i32>} : memref<208xf32, #tpu.memory_space<vmem>>, vector<16xf32>,
    %add3A_343 = arith.addf %add3A_340, %get3A_342 : vector<16xf32>
    %swap3A_344 = arith.constant 714 : index
    %swap3A_345 = tpu.vector_load %arg6[%swap3A_344] {strides = array<i32>} : memref<1020xf32, #tpu.memory_space<vmem>>, vector<16xf32>,
    tpu.vector_store %arg6[%swap3A_344], %add3A_343 {strides = array<i32>} : memref<1020xf32, #tpu.memory_space<vmem>>, vector<16xf32>,
    %get3A_346 = arith.constant 192 : index
    %get3A_347 = tpu.vector_load %arg5[%get3A_346] {strides = array<i32>} : memref<208xf32, #tpu.memory_space<vmem>>, vector<16xf32>,
    %add3A_348 = arith.addf %add3A_340, %get3A_347 : vector<16xf32>
    %swap3A_349 = arith.constant 731 : index
    %swap3A_350 = tpu.vector_load %arg6[%swap3A_349] {strides = array<i32>} : memref<1020xf32, #tpu.memory_space<vmem>>, vector<16xf32>,
    tpu.vector_store %arg6[%swap3A_349], %add3A_348 {strides = array<i32>} : memref<1020xf32, #tpu.memory_space<vmem>>, vector<16xf32>,
    %get3A_351 = arith.constant 48 : index
    %get3A_352 = tpu.vector_load %arg5[%get3A_351] {strides = array<i32>} : memref<208xf32, #tpu.memory_space<vmem>>, vector<16xf32>,
    %get3A_353 = arith.constant 144 : index
    %get3A_354 = tpu.vector_load %arg5[%get3A_353] {strides = array<i32>} : memref<208xf32, #tpu.memory_space<vmem>>, vector<16xf32>,
    %add3A_355 = arith.addf %get3A_352, %get3A_354 : vector<16xf32>
    %get3A_356 = arith.constant 176 : index
    %get3A_357 = tpu.vector_load %arg5[%get3A_356] {strides = array<i32>} : memref<208xf32, #tpu.memory_space<vmem>>, vector<16xf32>,
    %add3A_358 = arith.addf %add3A_355, %get3A_357 : vector<16xf32>
    %swap3A_359 = arith.constant 748 : index
    %swap3A_360 = tpu.vector_load %arg6[%swap3A_359] {strides = array<i32>} : memref<1020xf32, #tpu.memory_space<vmem>>, vector<16xf32>,
    tpu.vector_store %arg6[%swap3A_359], %add3A_358 {strides = array<i32>} : memref<1020xf32, #tpu.memory_space<vmem>>, vector<16xf32>,
    %get3A_361 = arith.constant 192 : index
    %get3A_362 = tpu.vector_load %arg5[%get3A_361] {strides = array<i32>} : memref<208xf32, #tpu.memory_space<vmem>>, vector<16xf32>,
    %add3A_363 = arith.addf %add3A_355, %get3A_362 : vector<16xf32>
    %swap3A_364 = arith.constant 765 : index
    %swap3A_365 = tpu.vector_load %arg6[%swap3A_364] {strides = array<i32>} : memref<1020xf32, #tpu.memory_space<vmem>>, vector<16xf32>,
    tpu.vector_store %arg6[%swap3A_364], %add3A_363 {strides = array<i32>} : memref<1020xf32, #tpu.memory_space<vmem>>, vector<16xf32>,
    %get3A_366 = arith.constant 48 : index
    %get3A_367 = tpu.vector_load %arg5[%get3A_366] {strides = array<i32>} : memref<208xf32, #tpu.memory_space<vmem>>, vector<16xf32>,
    %get3A_368 = arith.constant 160 : index
    %get3A_369 = tpu.vector_load %arg5[%get3A_368] {strides = array<i32>} : memref<208xf32, #tpu.memory_space<vmem>>, vector<16xf32>,
    %add3A_370 = arith.addf %get3A_367, %get3A_369 : vector<16xf32>
    %get3A_371 = arith.constant 176 : index
    %get3A_372 = tpu.vector_load %arg5[%get3A_371] {strides = array<i32>} : memref<208xf32, #tpu.memory_space<vmem>>, vector<16xf32>,
    %add3A_373 = arith.addf %add3A_370, %get3A_372 : vector<16xf32>
    %swap3A_374 = arith.constant 782 : index
    %swap3A_375 = tpu.vector_load %arg6[%swap3A_374] {strides = array<i32>} : memref<1020xf32, #tpu.memory_space<vmem>>, vector<16xf32>,
    tpu.vector_store %arg6[%swap3A_374], %add3A_373 {strides = array<i32>} : memref<1020xf32, #tpu.memory_space<vmem>>, vector<16xf32>,
    %get3A_376 = arith.constant 192 : index
    %get3A_377 = tpu.vector_load %arg5[%get3A_376] {strides = array<i32>} : memref<208xf32, #tpu.memory_space<vmem>>, vector<16xf32>,
    %add3A_378 = arith.addf %add3A_370, %get3A_377 : vector<16xf32>
    %swap3A_379 = arith.constant 799 : index
    %swap3A_380 = tpu.vector_load %arg6[%swap3A_379] {strides = array<i32>} : memref<1020xf32, #tpu.memory_space<vmem>>, vector<16xf32>,
    tpu.vector_store %arg6[%swap3A_379], %add3A_378 {strides = array<i32>} : memref<1020xf32, #tpu.memory_space<vmem>>, vector<16xf32>,
    %get3A_381 = arith.constant 64 : index
    %get3A_382 = tpu.vector_load %arg5[%get3A_381] {strides = array<i32>} : memref<208xf32, #tpu.memory_space<vmem>>, vector<16xf32>,
    %get3A_383 = arith.constant 80 : index
    %get3A_384 = tpu.vector_load %arg5[%get3A_383] {strides = array<i32>} : memref<208xf32, #tpu.memory_space<vmem>>, vector<16xf32>,
    %add3A_385 = arith.addf %get3A_382, %get3A_384 : vector<16xf32>
    %get3A_386 = arith.constant 176 : index
    %get3A_387 = tpu.vector_load %arg5[%get3A_386] {strides = array<i32>} : memref<208xf32, #tpu.memory_space<vmem>>, vector<16xf32>,
    %add3A_388 = arith.addf %add3A_385, %get3A_387 : vector<16xf32>
    %swap3A_389 = arith.constant 816 : index
    %swap3A_390 = tpu.vector_load %arg6[%swap3A_389] {strides = array<i32>} : memref<1020xf32, #tpu.memory_space<vmem>>, vector<16xf32>,
    tpu.vector_store %arg6[%swap3A_389], %add3A_388 {strides = array<i32>} : memref<1020xf32, #tpu.memory_space<vmem>>, vector<16xf32>,
    %get3A_391 = arith.constant 192 : index
    %get3A_392 = tpu.vector_load %arg5[%get3A_391] {strides = array<i32>} : memref<208xf32, #tpu.memory_space<vmem>>, vector<16xf32>,
    %add3A_393 = arith.addf %add3A_385, %get3A_392 : vector<16xf32>
    %swap3A_394 = arith.constant 833 : index
    %swap3A_395 = tpu.vector_load %arg6[%swap3A_394] {strides = array<i32>} : memref<1020xf32, #tpu.memory_space<vmem>>, vector<16xf32>,
    tpu.vector_store %arg6[%swap3A_394], %add3A_393 {strides = array<i32>} : memref<1020xf32, #tpu.memory_space<vmem>>, vector<16xf32>,
    %get3A_396 = arith.constant 64 : index
    %get3A_397 = tpu.vector_load %arg5[%get3A_396] {strides = array<i32>} : memref<208xf32, #tpu.memory_space<vmem>>, vector<16xf32>,
    %get3A_398 = arith.constant 96 : index
    %get3A_399 = tpu.vector_load %arg5[%get3A_398] {strides = array<i32>} : memref<208xf32, #tpu.memory_space<vmem>>, vector<16xf32>,
    %add3A_400 = arith.addf %get3A_397, %get3A_399 : vector<16xf32>
    %get3A_401 = arith.constant 176 : index
    %get3A_402 = tpu.vector_load %arg5[%get3A_401] {strides = array<i32>} : memref<208xf32, #tpu.memory_space<vmem>>, vector<16xf32>,
    %add3A_403 = arith.addf %add3A_400, %get3A_402 : vector<16xf32>
    %swap3A_404 = arith.constant 850 : index
    %swap3A_405 = tpu.vector_load %arg6[%swap3A_404] {strides = array<i32>} : memref<1020xf32, #tpu.memory_space<vmem>>, vector<16xf32>,
    tpu.vector_store %arg6[%swap3A_404], %add3A_403 {strides = array<i32>} : memref<1020xf32, #tpu.memory_space<vmem>>, vector<16xf32>,
    %get3A_406 = arith.constant 192 : index
    %get3A_407 = tpu.vector_load %arg5[%get3A_406] {strides = array<i32>} : memref<208xf32, #tpu.memory_space<vmem>>, vector<16xf32>,
    %add3A_408 = arith.addf %add3A_400, %get3A_407 : vector<16xf32>
    %swap3A_409 = arith.constant 867 : index
    %swap3A_410 = tpu.vector_load %arg6[%swap3A_409] {strides = array<i32>} : memref<1020xf32, #tpu.memory_space<vmem>>, vector<16xf32>,
    tpu.vector_store %arg6[%swap3A_409], %add3A_408 {strides = array<i32>} : memref<1020xf32, #tpu.memory_space<vmem>>, vector<16xf32>,
    %get3A_411 = arith.constant 64 : index
    %get3A_412 = tpu.vector_load %arg5[%get3A_411] {strides = array<i32>} : memref<208xf32, #tpu.memory_space<vmem>>, vector<16xf32>,
    %get3A_413 = arith.constant 112 : index
    %get3A_414 = tpu.vector_load %arg5[%get3A_413] {strides = array<i32>} : memref<208xf32, #tpu.memory_space<vmem>>, vector<16xf32>,
    %add3A_415 = arith.addf %get3A_412, %get3A_414 : vector<16xf32>
    %get3A_416 = arith.constant 176 : index
    %get3A_417 = tpu.vector_load %arg5[%get3A_416] {strides = array<i32>} : memref<208xf32, #tpu.memory_space<vmem>>, vector<16xf32>,
    %add3A_418 = arith.addf %add3A_415, %get3A_417 : vector<16xf32>
    %swap3A_419 = arith.constant 884 : index
    %swap3A_420 = tpu.vector_load %arg6[%swap3A_419] {strides = array<i32>} : memref<1020xf32, #tpu.memory_space<vmem>>, vector<16xf32>,
    tpu.vector_store %arg6[%swap3A_419], %add3A_418 {strides = array<i32>} : memref<1020xf32, #tpu.memory_space<vmem>>, vector<16xf32>,
    %get3A_421 = arith.constant 192 : index
    %get3A_422 = tpu.vector_load %arg5[%get3A_421] {strides = array<i32>} : memref<208xf32, #tpu.memory_space<vmem>>, vector<16xf32>,
    %add3A_423 = arith.addf %add3A_415, %get3A_422 : vector<16xf32>
    %swap3A_424 = arith.constant 901 : index
    %swap3A_425 = tpu.vector_load %arg6[%swap3A_424] {strides = array<i32>} : memref<1020xf32, #tpu.memory_space<vmem>>, vector<16xf32>,
    tpu.vector_store %arg6[%swap3A_424], %add3A_423 {strides = array<i32>} : memref<1020xf32, #tpu.memory_space<vmem>>, vector<16xf32>,
    %get3A_426 = arith.constant 64 : index
    %get3A_427 = tpu.vector_load %arg5[%get3A_426] {strides = array<i32>} : memref<208xf32, #tpu.memory_space<vmem>>, vector<16xf32>,
    %get3A_428 = arith.constant 128 : index
    %get3A_429 = tpu.vector_load %arg5[%get3A_428] {strides = array<i32>} : memref<208xf32, #tpu.memory_space<vmem>>, vector<16xf32>,
    %add3A_430 = arith.addf %get3A_427, %get3A_429 : vector<16xf32>
    %get3A_431 = arith.constant 176 : index
    %get3A_432 = tpu.vector_load %arg5[%get3A_431] {strides = array<i32>} : memref<208xf32, #tpu.memory_space<vmem>>, vector<16xf32>,
    %add3A_433 = arith.addf %add3A_430, %get3A_432 : vector<16xf32>
    %swap3A_434 = arith.constant 918 : index
    %swap3A_435 = tpu.vector_load %arg6[%swap3A_434] {strides = array<i32>} : memref<1020xf32, #tpu.memory_space<vmem>>, vector<16xf32>,
    tpu.vector_store %arg6[%swap3A_434], %add3A_433 {strides = array<i32>} : memref<1020xf32, #tpu.memory_space<vmem>>, vector<16xf32>,
    %get3A_436 = arith.constant 192 : index
    %get3A_437 = tpu.vector_load %arg5[%get3A_436] {strides = array<i32>} : memref<208xf32, #tpu.memory_space<vmem>>, vector<16xf32>,
    %add3A_438 = arith.addf %add3A_430, %get3A_437 : vector<16xf32>
    %swap3A_439 = arith.constant 935 : index
    %swap3A_440 = tpu.vector_load %arg6[%swap3A_439] {strides = array<i32>} : memref<1020xf32, #tpu.memory_space<vmem>>, vector<16xf32>,
    tpu.vector_store %arg6[%swap3A_439], %add3A_438 {strides = array<i32>} : memref<1020xf32, #tpu.memory_space<vmem>>, vector<16xf32>,
    %get3A_441 = arith.constant 64 : index
    %get3A_442 = tpu.vector_load %arg5[%get3A_441] {strides = array<i32>} : memref<208xf32, #tpu.memory_space<vmem>>, vector<16xf32>,
    %get3A_443 = arith.constant 144 : index
    %get3A_444 = tpu.vector_load %arg5[%get3A_443] {strides = array<i32>} : memref<208xf32, #tpu.memory_space<vmem>>, vector<16xf32>,
    %add3A_445 = arith.addf %get3A_442, %get3A_444 : vector<16xf32>
    %get3A_446 = arith.constant 176 : index
    %get3A_447 = tpu.vector_load %arg5[%get3A_446] {strides = array<i32>} : memref<208xf32, #tpu.memory_space<vmem>>, vector<16xf32>,
    %add3A_448 = arith.addf %add3A_445, %get3A_447 : vector<16xf32>
    %swap3A_449 = arith.constant 952 : index
    %swap3A_450 = tpu.vector_load %arg6[%swap3A_449] {strides = array<i32>} : memref<1020xf32, #tpu.memory_space<vmem>>, vector<16xf32>,
    tpu.vector_store %arg6[%swap3A_449], %add3A_448 {strides = array<i32>} : memref<1020xf32, #tpu.memory_space<vmem>>, vector<16xf32>,
    %get3A_451 = arith.constant 192 : index
    %get3A_452 = tpu.vector_load %arg5[%get3A_451] {strides = array<i32>} : memref<208xf32, #tpu.memory_space<vmem>>, vector<16xf32>,
    %add3A_453 = arith.addf %add3A_445, %get3A_452 : vector<16xf32>
    %swap3A_454 = arith.constant 969 : index
    %swap3A_455 = tpu.vector_load %arg6[%swap3A_454] {strides = array<i32>} : memref<1020xf32, #tpu.memory_space<vmem>>, vector<16xf32>,
    tpu.vector_store %arg6[%swap3A_454], %add3A_453 {strides = array<i32>} : memref<1020xf32, #tpu.memory_space<vmem>>, vector<16xf32>,
    %get3A_456 = arith.constant 64 : index
    %get3A_457 = tpu.vector_load %arg5[%get3A_456] {strides = array<i32>} : memref<208xf32, #tpu.memory_space<vmem>>, vector<16xf32>,
    %get3A_458 = arith.constant 160 : index
    %get3A_459 = tpu.vector_load %arg5[%get3A_458] {strides = array<i32>} : memref<208xf32, #tpu.memory_space<vmem>>, vector<16xf32>,
    %add3A_460 = arith.addf %get3A_457, %get3A_459 : vector<16xf32>
    %get3A_461 = arith.constant 176 : index
    %get3A_462 = tpu.vector_load %arg5[%get3A_461] {strides = array<i32>} : memref<208xf32, #tpu.memory_space<vmem>>, vector<16xf32>,
    %add3A_463 = arith.addf %add3A_460, %get3A_462 : vector<16xf32>
    %swap3A_464 = arith.constant 986 : index
    %swap3A_465 = tpu.vector_load %arg6[%swap3A_464] {strides = array<i32>} : memref<1020xf32, #tpu.memory_space<vmem>>, vector<16xf32>,
    tpu.vector_store %arg6[%swap3A_464], %add3A_463 {strides = array<i32>} : memref<1020xf32, #tpu.memory_space<vmem>>, vector<16xf32>,
    %get3A_466 = arith.constant 192 : index
    %get3A_467 = tpu.vector_load %arg5[%get3A_466] {strides = array<i32>} : memref<208xf32, #tpu.memory_space<vmem>>, vector<16xf32>,
    %add3A_468 = arith.addf %add3A_460, %get3A_467 : vector<16xf32>
    %swap3A_469 = arith.constant 1003 : index
    %swap3A_470 = tpu.vector_load %arg6[%swap3A_469] {strides = array<i32>} : memref<1020xf32, #tpu.memory_space<vmem>>, vector<16xf32>,
    tpu.vector_store %arg6[%swap3A_469], %add3A_468 {strides = array<i32>} : memref<1020xf32, #tpu.memory_space<vmem>>, vector<16xf32>,
    %add3A_471 = arith.constant 0 : i32
    %add3A_472 = arith.addi %add3A, %add3A_471 : i32
    %mul3A_473 = arith.constant 2560 : i32
    %mul3A_474 = arith.muli %add3A_472, %mul3A_473 : i32
    %dma_start3A = arith.constant 0 : i32
    %dma_start3A_475 = tpu.memref_slice %arg7[%dma_start3A] : memref<5120xi32, #tpu.memory_space<vmem>> -> memref<2560xi32, #tpu.memory_space<vmem>>
    %dma_start3A_476 = tpu.memref_slice %arg2[%mul3A_474] : memref<3200000xi32, #tpu.memory_space<hbm>> -> memref<2560xi32, #tpu.memory_space<hbm>>
    %dma_start3A_477 = arith.constant 0 : i32
    %dma_start3A_478 = tpu.memref_slice %arg7[%dma_start3A_477] : memref<5120xi32, #tpu.memory_space<vmem>> -> memref<2560xi32, #tpu.memory_space<vmem>>
    %dma_start3A_479 = tpu.memref_slice %arg2[%mul3A_474] : memref<3200000xi32, #tpu.memory_space<hbm>> -> memref<2560xi32, #tpu.memory_space<hbm>>
    tpu.enqueue_dma source(%dma_start3A_479 : memref<2560xi32, #tpu.memory_space<hbm>>) target(%dma_start3A_478 : memref<2560xi32, #tpu.memory_space<vmem>>) target_semaphore(%arg9 : memref<!tpu.dma_semaphore, #tpu.memory_space<semaphore_mem>>)
    %gt3A = arith.constant 1 : i32
    %gt3A_480 = arith.cmpi sgt, %select_n3A, %gt3A : i32
    %convert_element_type3A = arith.extui %gt3A_480 : i1 to i32
    %cond3A = arith.constant 0 : i32
    %cond3A_481 = arith.cmpi ne, %convert_element_type3A, %cond3A : i32
    scf.if %cond3A_481 {
      %add3A_593 = arith.constant 32 : i32
      %add3A_594 = arith.addi %add3A, %add3A_593 : i32
      %mul3A_595 = arith.constant 2560 : i32
      %mul3A_596 = arith.muli %add3A_594, %mul3A_595 : i32
      %dma_start3A_597 = arith.constant 2560 : i32
      %dma_start3A_598 = tpu.memref_slice %arg7[%dma_start3A_597] : memref<5120xi32, #tpu.memory_space<vmem>> -> memref<2560xi32, #tpu.memory_space<vmem>>
      %dma_start3A_599 = tpu.memref_slice %arg2[%mul3A_596] : memref<3200000xi32, #tpu.memory_space<hbm>> -> memref<2560xi32, #tpu.memory_space<hbm>>
      %dma_start3A_600 = arith.constant 2560 : i32
      %dma_start3A_601 = tpu.memref_slice %arg7[%dma_start3A_600] : memref<5120xi32, #tpu.memory_space<vmem>> -> memref<2560xi32, #tpu.memory_space<vmem>>
      %dma_start3A_602 = tpu.memref_slice %arg2[%mul3A_596] : memref<3200000xi32, #tpu.memory_space<hbm>> -> memref<2560xi32, #tpu.memory_space<hbm>>
      tpu.enqueue_dma source(%dma_start3A_602 : memref<2560xi32, #tpu.memory_space<hbm>>) target(%dma_start3A_601 : memref<2560xi32, #tpu.memory_space<vmem>>) target_semaphore(%arg10 : memref<!tpu.dma_semaphore, #tpu.memory_space<semaphore_mem>>)
    } else {
    }
    %scan3A = arith.constant 0 : i32
    %scan3A_482 = arith.constant 20 : i32
    %scan3A_483 = arith.addi %scan3A, %scan3A_482 : i32
    %scan3A_484 = arith.constant 1 : i32
    scf.for %scan3A_593 = %scan3A to %scan3A_483 step %scan3A_484  : i32 {
      %mul3A_594 = arith.constant 2 : i32
      %mul3A_595 = arith.muli %scan3A_593, %mul3A_594 : i32
      %add3A_596 = arith.constant 0 : i32
      %add3A_597 = arith.addi %add3A_596, %mul3A_595 : i32
      %add3A_598 = arith.constant 0 : i32
      %add3A_599 = arith.addi %add3A_597, %add3A_598 : i32
      %lt3A_600 = arith.cmpi slt, %add3A_599, %select_n3A : i32
      %convert_element_type3A_601 = arith.extui %lt3A_600 : i1 to i32
      %cond3A_602 = arith.constant 0 : i32
      %cond3A_603 = arith.cmpi ne, %convert_element_type3A_601, %cond3A_602 : i32
      scf.if %cond3A_603 {
        %mul3A_610 = arith.constant 32 : i32
        %mul3A_611 = arith.muli %add3A_599, %mul3A_610 : i32
        %add3A_612 = arith.addi %add3A, %mul3A_611 : i32
        %mul3A_613 = arith.constant 2560 : i32
        %mul3A_614 = arith.muli %add3A_612, %mul3A_613 : i32
        %dma_wait3A_615 = arith.constant 0 : i32
        %dma_wait3A_616 = tpu.memref_slice %arg7[%dma_wait3A_615] : memref<5120xi32, #tpu.memory_space<vmem>> -> memref<2560xi32, #tpu.memory_space<vmem>>
        %dma_wait3A_617 = tpu.memref_slice %arg2[%mul3A_614] : memref<3200000xi32, #tpu.memory_space<hbm>> -> memref<2560xi32, #tpu.memory_space<hbm>>
        %dma_wait3A_618 = arith.constant 0 : i32
        %dma_wait3A_619 = tpu.memref_slice %arg7[%dma_wait3A_618] : memref<5120xi32, #tpu.memory_space<vmem>> -> memref<2560xi32, #tpu.memory_space<vmem>>
        %dma_wait3A_620 = tpu.memref_slice %arg2[%mul3A_614] : memref<3200000xi32, #tpu.memory_space<hbm>> -> memref<2560xi32, #tpu.memory_space<hbm>>
        tpu.wait_dma2 semaphore(%arg9 : memref<!tpu.dma_semaphore, #tpu.memory_space<semaphore_mem>>) src(%dma_wait3A_620 : memref<2560xi32, #tpu.memory_space<hbm>>) dst(%dma_wait3A_619 : memref<2560xi32, #tpu.memory_space<vmem>>)
        %ge3A = arith.constant 2 : i32
        %ge3A_621 = arith.cmpi sge, %add3A_599, %ge3A : i32
        %convert_element_type3A_622 = arith.extui %ge3A_621 : i1 to i32
        %cond3A_623 = arith.constant 0 : i32
        %cond3A_624 = arith.cmpi ne, %convert_element_type3A_622, %cond3A_623 : i32
        scf.if %cond3A_624 {
          %sub3A_665 = arith.constant 2 : i32
          %sub3A_666 = arith.subi %add3A_599, %sub3A_665 : i32
          %mul3A_667 = arith.constant 32 : i32
          %mul3A_668 = arith.muli %sub3A_666, %mul3A_667 : i32
          %add3A_669 = arith.addi %add3A, %mul3A_668 : i32
          %mul3A_670 = arith.constant 20 : i32
          %mul3A_671 = arith.muli %add3A_669, %mul3A_670 : i32
          %mul3A_672 = arith.constant 1024 : i32
          %mul3A_673 = arith.muli %mul3A_671, %mul3A_672 : i32
          %dma_wait3A_674 = arith.constant 0 : i32
          %dma_wait3A_675 = arith.constant 0 : i32
          %dma_wait3A_676 = tpu.memref_slice %arg8[%dma_wait3A_675] : memref<81920xf32, #tpu.memory_space<vmem>> -> memref<20480xf32, #tpu.memory_space<vmem>>
          %dma_wait3A_677 = tpu.memref_slice %arg4[%dma_wait3A_674, %mul3A_673] : memref<2x25600000xf32, #tpu.memory_space<hbm>> -> memref<1x20480xf32, #tpu.memory_space<hbm>>
          %dma_wait3A_678 = tpu.memref_squeeze %dma_wait3A_677 : memref<1x20480xf32, #tpu.memory_space<hbm>> -> memref<20480xf32, #tpu.memory_space<hbm>>
          %dma_wait3A_679 = tpu.memref_slice %arg4[%dma_wait3A_674, %mul3A_673] : memref<2x25600000xf32, #tpu.memory_space<hbm>> -> memref<1x20480xf32, #tpu.memory_space<hbm>>
          %dma_wait3A_680 = tpu.memref_squeeze %dma_wait3A_679 : memref<1x20480xf32, #tpu.memory_space<hbm>> -> memref<20480xf32, #tpu.memory_space<hbm>>
          %dma_wait3A_681 = arith.constant 0 : i32
          %dma_wait3A_682 = tpu.memref_slice %arg8[%dma_wait3A_681] : memref<81920xf32, #tpu.memory_space<vmem>> -> memref<20480xf32, #tpu.memory_space<vmem>>
          tpu.wait_dma2 semaphore(%arg11 : memref<!tpu.dma_semaphore, #tpu.memory_space<semaphore_mem>>) src(%dma_wait3A_682 : memref<20480xf32, #tpu.memory_space<vmem>>) dst(%dma_wait3A_680 : memref<20480xf32, #tpu.memory_space<hbm>>)
          %sub3A_683 = arith.constant 2 : i32
          %sub3A_684 = arith.subi %add3A_599, %sub3A_683 : i32
          %mul3A_685 = arith.constant 32 : i32
          %mul3A_686 = arith.muli %sub3A_684, %mul3A_685 : i32
          %add3A_687 = arith.addi %add3A, %mul3A_686 : i32
          %mul3A_688 = arith.constant 20 : i32
          %mul3A_689 = arith.muli %add3A_687, %mul3A_688 : i32
          %mul3A_690 = arith.constant 1024 : i32
          %mul3A_691 = arith.muli %mul3A_689, %mul3A_690 : i32
          %dma_wait3A_692 = arith.constant 1 : i32
          %dma_wait3A_693 = arith.constant 20480 : i32
          %dma_wait3A_694 = tpu.memref_slice %arg8[%dma_wait3A_693] : memref<81920xf32, #tpu.memory_space<vmem>> -> memref<20480xf32, #tpu.memory_space<vmem>>
          %dma_wait3A_695 = tpu.memref_slice %arg4[%dma_wait3A_692, %mul3A_691] : memref<2x25600000xf32, #tpu.memory_space<hbm>> -> memref<1x20480xf32, #tpu.memory_space<hbm>>
          %dma_wait3A_696 = tpu.memref_squeeze %dma_wait3A_695 : memref<1x20480xf32, #tpu.memory_space<hbm>> -> memref<20480xf32, #tpu.memory_space<hbm>>
          %dma_wait3A_697 = tpu.memref_slice %arg4[%dma_wait3A_692, %mul3A_691] : memref<2x25600000xf32, #tpu.memory_space<hbm>> -> memref<1x20480xf32, #tpu.memory_space<hbm>>
          %dma_wait3A_698 = tpu.memref_squeeze %dma_wait3A_697 : memref<1x20480xf32, #tpu.memory_space<hbm>> -> memref<20480xf32, #tpu.memory_space<hbm>>
          %dma_wait3A_699 = arith.constant 20480 : i32
          %dma_wait3A_700 = tpu.memref_slice %arg8[%dma_wait3A_699] : memref<81920xf32, #tpu.memory_space<vmem>> -> memref<20480xf32, #tpu.memory_space<vmem>>
          tpu.wait_dma2 semaphore(%arg11 : memref<!tpu.dma_semaphore, #tpu.memory_space<semaphore_mem>>) src(%dma_wait3A_700 : memref<20480xf32, #tpu.memory_space<vmem>>) dst(%dma_wait3A_698 : memref<20480xf32, #tpu.memory_space<hbm>>)
        } else {
        }
        %parallel_loop3A = arith.constant 0 : i32
        %parallel_loop3A_625 = arith.constant 160 : i32
        %parallel_loop3A_626 = arith.constant 1 : i32
        scf.for %parallel_loop3A_665 = %parallel_loop3A to %parallel_loop3A_625 step %parallel_loop3A_626  : i32 {
          %parallel_loop3A_666 = arith.constant 16 : i32
          %parallel_loop3A_667 = arith.muli %parallel_loop3A_665, %parallel_loop3A_666 : i32
          %parallel_loop3A_668 = arith.constant 0 : i32
          %parallel_loop3A_669 = arith.addi %parallel_loop3A_668, %parallel_loop3A_667 : i32
          %parallel_loop3A_670 = arith.index_cast %parallel_loop3A_669 : i32 to index
          %parallel_loop3A_671 = tpu.vector_load %arg7[%parallel_loop3A_670] {strides = array<i32>} : memref<5120xi32, #tpu.memory_space<vmem>>, vector<16xi32>,
          %parallel_loop3A_672 = arith.constant 255 : i32
          %parallel_loop3A_673 = vector.broadcast %parallel_loop3A_672 : i32 to vector<16xi32>
          %parallel_loop3A_674 = arith.andi %parallel_loop3A_671, %parallel_loop3A_673 : vector<16xi32>
          %parallel_loop3A_675 = arith.constant 8 : i32
          %parallel_loop3A_676 = vector.broadcast %parallel_loop3A_675 : i32 to vector<16xi32>
          %parallel_loop3A_677 = arith.shrsi %parallel_loop3A_671, %parallel_loop3A_676 : vector<16xi32>
          %parallel_loop3A_678 = arith.constant 255 : i32
          %parallel_loop3A_679 = vector.broadcast %parallel_loop3A_678 : i32 to vector<16xi32>
          %parallel_loop3A_680 = arith.andi %parallel_loop3A_677, %parallel_loop3A_679 : vector<16xi32>
          %parallel_loop3A_681 = arith.constant 16 : i32
          %parallel_loop3A_682 = vector.broadcast %parallel_loop3A_681 : i32 to vector<16xi32>
          %parallel_loop3A_683 = arith.shrsi %parallel_loop3A_671, %parallel_loop3A_682 : vector<16xi32>
          %parallel_loop3A_684 = arith.constant 255 : i32
          %parallel_loop3A_685 = vector.broadcast %parallel_loop3A_684 : i32 to vector<16xi32>
          %parallel_loop3A_686 = arith.andi %parallel_loop3A_683, %parallel_loop3A_685 : vector<16xi32>
          %parallel_loop3A_687 = arith.constant 6 : i32
          %parallel_loop3A_688 = vector.broadcast %parallel_loop3A_687 : i32 to vector<16xi32>
          %parallel_loop3A_689 = arith.muli %parallel_loop3A_674, %parallel_loop3A_688 : vector<16xi32>
          %parallel_loop3A_690 = arith.addi %parallel_loop3A_689, %parallel_loop3A_680 : vector<16xi32>
          %parallel_loop3A_691 = arith.constant 2 : i32
          %parallel_loop3A_692 = vector.broadcast %parallel_loop3A_691 : i32 to vector<16xi32>
          %parallel_loop3A_693 = arith.muli %parallel_loop3A_690, %parallel_loop3A_692 : vector<16xi32>
          %parallel_loop3A_694 = arith.addi %parallel_loop3A_693, %parallel_loop3A_686 : vector<16xi32>
          %parallel_loop3A_695 = arith.constant 17 : i32
          %parallel_loop3A_696 = vector.broadcast %parallel_loop3A_695 : i32 to vector<16xi32>
          %parallel_loop3A_697 = arith.muli %parallel_loop3A_694, %parallel_loop3A_696 : vector<16xi32>
          %parallel_loop3A_698 = arith.constant 3 : i32
          %parallel_loop3A_699 = arith.shrsi %parallel_loop3A_665, %parallel_loop3A_698 : i32
          %parallel_loop3A_700 = arith.constant 1024 : i32
          %parallel_loop3A_701 = arith.muli %parallel_loop3A_699, %parallel_loop3A_700 : i32
          %parallel_loop3A_702 = arith.constant 0 : i32
          %parallel_loop3A_703 = arith.addi %parallel_loop3A_702, %parallel_loop3A_701 : i32
          %parallel_loop3A_704 = arith.constant 7 : i32
          %parallel_loop3A_705 = arith.andi %parallel_loop3A_665, %parallel_loop3A_704 : i32
          %parallel_loop3A_706 = arith.constant 16 : i32
          %parallel_loop3A_707 = arith.muli %parallel_loop3A_705, %parallel_loop3A_706 : i32
          %parallel_loop3A_708 = arith.addi %parallel_loop3A_703, %parallel_loop3A_707 : i32
          %parallel_loop3A_709 = arith.constant 0 : i32
          %parallel_loop3A_710 = vector.broadcast %parallel_loop3A_709 : i32 to vector<16xi32>
          %parallel_loop3A_711 = arith.addi %parallel_loop3A_697, %parallel_loop3A_710 : vector<16xi32>
          %parallel_loop3A_712 = tpu.vector_load_idx %arg6[%parallel_loop3A_711] : memref<1020xf32, #tpu.memory_space<vmem>>[vector<16xi32>], vector<16xf32>,
          %parallel_loop3A_713 = arith.constant 1 : i32
          %parallel_loop3A_714 = vector.broadcast %parallel_loop3A_713 : i32 to vector<16xi32>
          %parallel_loop3A_715 = arith.addi %parallel_loop3A_697, %parallel_loop3A_714 : vector<16xi32>
          %parallel_loop3A_716 = tpu.vector_load_idx %arg6[%parallel_loop3A_715] : memref<1020xf32, #tpu.memory_space<vmem>>[vector<16xi32>], vector<16xf32>,
          %parallel_loop3A_717 = arith.constant 2 : i32
          %parallel_loop3A_718 = vector.broadcast %parallel_loop3A_717 : i32 to vector<16xi32>
          %parallel_loop3A_719 = arith.addi %parallel_loop3A_697, %parallel_loop3A_718 : vector<16xi32>
          %parallel_loop3A_720 = tpu.vector_load_idx %arg6[%parallel_loop3A_719] : memref<1020xf32, #tpu.memory_space<vmem>>[vector<16xi32>], vector<16xf32>,
          %parallel_loop3A_721 = arith.constant 3 : i32
          %parallel_loop3A_722 = vector.broadcast %parallel_loop3A_721 : i32 to vector<16xi32>
          %parallel_loop3A_723 = arith.addi %parallel_loop3A_697, %parallel_loop3A_722 : vector<16xi32>
          %parallel_loop3A_724 = tpu.vector_load_idx %arg6[%parallel_loop3A_723] : memref<1020xf32, #tpu.memory_space<vmem>>[vector<16xi32>], vector<16xf32>,
          %parallel_loop3A_725 = arith.constant 4 : i32
          %parallel_loop3A_726 = vector.broadcast %parallel_loop3A_725 : i32 to vector<16xi32>
          %parallel_loop3A_727 = arith.addi %parallel_loop3A_697, %parallel_loop3A_726 : vector<16xi32>
          %parallel_loop3A_728 = tpu.vector_load_idx %arg6[%parallel_loop3A_727] : memref<1020xf32, #tpu.memory_space<vmem>>[vector<16xi32>], vector<16xf32>,
          %parallel_loop3A_729 = arith.constant 5 : i32
          %parallel_loop3A_730 = vector.broadcast %parallel_loop3A_729 : i32 to vector<16xi32>
          %parallel_loop3A_731 = arith.addi %parallel_loop3A_697, %parallel_loop3A_730 : vector<16xi32>
          %parallel_loop3A_732 = tpu.vector_load_idx %arg6[%parallel_loop3A_731] : memref<1020xf32, #tpu.memory_space<vmem>>[vector<16xi32>], vector<16xf32>,
          %parallel_loop3A_733 = arith.constant 6 : i32
          %parallel_loop3A_734 = vector.broadcast %parallel_loop3A_733 : i32 to vector<16xi32>
          %parallel_loop3A_735 = arith.addi %parallel_loop3A_697, %parallel_loop3A_734 : vector<16xi32>
          %parallel_loop3A_736 = tpu.vector_load_idx %arg6[%parallel_loop3A_735] : memref<1020xf32, #tpu.memory_space<vmem>>[vector<16xi32>], vector<16xf32>,
          %parallel_loop3A_737 = arith.constant 7 : i32
          %parallel_loop3A_738 = vector.broadcast %parallel_loop3A_737 : i32 to vector<16xi32>
          %parallel_loop3A_739 = arith.addi %parallel_loop3A_697, %parallel_loop3A_738 : vector<16xi32>
          %parallel_loop3A_740 = tpu.vector_load_idx %arg6[%parallel_loop3A_739] : memref<1020xf32, #tpu.memory_space<vmem>>[vector<16xi32>], vector<16xf32>,
          %parallel_loop3A_741 = arith.constant 8 : i32
          %parallel_loop3A_742 = vector.broadcast %parallel_loop3A_741 : i32 to vector<16xi32>
          %parallel_loop3A_743 = arith.addi %parallel_loop3A_697, %parallel_loop3A_742 : vector<16xi32>
          %parallel_loop3A_744 = tpu.vector_load_idx %arg6[%parallel_loop3A_743] : memref<1020xf32, #tpu.memory_space<vmem>>[vector<16xi32>], vector<16xf32>,
          %parallel_loop3A_745 = arith.constant 9 : i32
          %parallel_loop3A_746 = vector.broadcast %parallel_loop3A_745 : i32 to vector<16xi32>
          %parallel_loop3A_747 = arith.addi %parallel_loop3A_697, %parallel_loop3A_746 : vector<16xi32>
          %parallel_loop3A_748 = tpu.vector_load_idx %arg6[%parallel_loop3A_747] : memref<1020xf32, #tpu.memory_space<vmem>>[vector<16xi32>], vector<16xf32>,
          %parallel_loop3A_749 = arith.constant 10 : i32
          %parallel_loop3A_750 = vector.broadcast %parallel_loop3A_749 : i32 to vector<16xi32>
          %parallel_loop3A_751 = arith.addi %parallel_loop3A_697, %parallel_loop3A_750 : vector<16xi32>
          %parallel_loop3A_752 = tpu.vector_load_idx %arg6[%parallel_loop3A_751] : memref<1020xf32, #tpu.memory_space<vmem>>[vector<16xi32>], vector<16xf32>,
          %parallel_loop3A_753 = arith.constant 11 : i32
          %parallel_loop3A_754 = vector.broadcast %parallel_loop3A_753 : i32 to vector<16xi32>
          %parallel_loop3A_755 = arith.addi %parallel_loop3A_697, %parallel_loop3A_754 : vector<16xi32>
          %parallel_loop3A_756 = tpu.vector_load_idx %arg6[%parallel_loop3A_755] : memref<1020xf32, #tpu.memory_space<vmem>>[vector<16xi32>], vector<16xf32>,
          %parallel_loop3A_757 = arith.constant 12 : i32
          %parallel_loop3A_758 = vector.broadcast %parallel_loop3A_757 : i32 to vector<16xi32>
          %parallel_loop3A_759 = arith.addi %parallel_loop3A_697, %parallel_loop3A_758 : vector<16xi32>
          %parallel_loop3A_760 = tpu.vector_load_idx %arg6[%parallel_loop3A_759] : memref<1020xf32, #tpu.memory_space<vmem>>[vector<16xi32>], vector<16xf32>,
          %parallel_loop3A_761 = arith.constant 13 : i32
          %parallel_loop3A_762 = vector.broadcast %parallel_loop3A_761 : i32 to vector<16xi32>
          %parallel_loop3A_763 = arith.addi %parallel_loop3A_697, %parallel_loop3A_762 : vector<16xi32>
          %parallel_loop3A_764 = tpu.vector_load_idx %arg6[%parallel_loop3A_763] : memref<1020xf32, #tpu.memory_space<vmem>>[vector<16xi32>], vector<16xf32>,
          %parallel_loop3A_765 = arith.constant 14 : i32
          %parallel_loop3A_766 = vector.broadcast %parallel_loop3A_765 : i32 to vector<16xi32>
          %parallel_loop3A_767 = arith.addi %parallel_loop3A_697, %parallel_loop3A_766 : vector<16xi32>
          %parallel_loop3A_768 = tpu.vector_load_idx %arg6[%parallel_loop3A_767] : memref<1020xf32, #tpu.memory_space<vmem>>[vector<16xi32>], vector<16xf32>,
          %parallel_loop3A_769 = arith.constant 15 : i32
          %parallel_loop3A_770 = vector.broadcast %parallel_loop3A_769 : i32 to vector<16xi32>
          %parallel_loop3A_771 = arith.addi %parallel_loop3A_697, %parallel_loop3A_770 : vector<16xi32>
          %parallel_loop3A_772 = tpu.vector_load_idx %arg6[%parallel_loop3A_771] : memref<1020xf32, #tpu.memory_space<vmem>>[vector<16xi32>], vector<16xf32>,
          %parallel_loop3A_773 = arith.constant 0 : i32
          %parallel_loop3A_774 = arith.addi %parallel_loop3A_708, %parallel_loop3A_773 : i32
          %parallel_loop3A_775 = arith.constant 0 : i32
          %parallel_loop3A_776 = arith.addi %parallel_loop3A_774, %parallel_loop3A_775 : i32
          %parallel_loop3A_777 = arith.index_cast %parallel_loop3A_776 : i32 to index
          %parallel_loop3A_778 = tpu.vector_load %arg8[%parallel_loop3A_777] {strides = array<i32>} : memref<81920xf32, #tpu.memory_space<vmem>>, vector<16xf32>,
          tpu.vector_store %arg8[%parallel_loop3A_777], %parallel_loop3A_712 {strides = array<i32>} : memref<81920xf32, #tpu.memory_space<vmem>>, vector<16xf32>,
          %parallel_loop3A_779 = arith.constant 0 : i32
          %parallel_loop3A_780 = arith.addi %parallel_loop3A_708, %parallel_loop3A_779 : i32
          %parallel_loop3A_781 = arith.constant 128 : i32
          %parallel_loop3A_782 = arith.addi %parallel_loop3A_780, %parallel_loop3A_781 : i32
          %parallel_loop3A_783 = arith.index_cast %parallel_loop3A_782 : i32 to index
          %parallel_loop3A_784 = tpu.vector_load %arg8[%parallel_loop3A_783] {strides = array<i32>} : memref<81920xf32, #tpu.memory_space<vmem>>, vector<16xf32>,
          tpu.vector_store %arg8[%parallel_loop3A_783], %parallel_loop3A_716 {strides = array<i32>} : memref<81920xf32, #tpu.memory_space<vmem>>, vector<16xf32>,
          %parallel_loop3A_785 = arith.constant 0 : i32
          %parallel_loop3A_786 = arith.addi %parallel_loop3A_708, %parallel_loop3A_785 : i32
          %parallel_loop3A_787 = arith.constant 256 : i32
          %parallel_loop3A_788 = arith.addi %parallel_loop3A_786, %parallel_loop3A_787 : i32
          %parallel_loop3A_789 = arith.index_cast %parallel_loop3A_788 : i32 to index
          %parallel_loop3A_790 = tpu.vector_load %arg8[%parallel_loop3A_789] {strides = array<i32>} : memref<81920xf32, #tpu.memory_space<vmem>>, vector<16xf32>,
          tpu.vector_store %arg8[%parallel_loop3A_789], %parallel_loop3A_720 {strides = array<i32>} : memref<81920xf32, #tpu.memory_space<vmem>>, vector<16xf32>,
          %parallel_loop3A_791 = arith.constant 0 : i32
          %parallel_loop3A_792 = arith.addi %parallel_loop3A_708, %parallel_loop3A_791 : i32
          %parallel_loop3A_793 = arith.constant 384 : i32
          %parallel_loop3A_794 = arith.addi %parallel_loop3A_792, %parallel_loop3A_793 : i32
          %parallel_loop3A_795 = arith.index_cast %parallel_loop3A_794 : i32 to index
          %parallel_loop3A_796 = tpu.vector_load %arg8[%parallel_loop3A_795] {strides = array<i32>} : memref<81920xf32, #tpu.memory_space<vmem>>, vector<16xf32>,
          tpu.vector_store %arg8[%parallel_loop3A_795], %parallel_loop3A_724 {strides = array<i32>} : memref<81920xf32, #tpu.memory_space<vmem>>, vector<16xf32>,
          %parallel_loop3A_797 = arith.constant 0 : i32
          %parallel_loop3A_798 = arith.addi %parallel_loop3A_708, %parallel_loop3A_797 : i32
          %parallel_loop3A_799 = arith.constant 512 : i32
          %parallel_loop3A_800 = arith.addi %parallel_loop3A_798, %parallel_loop3A_799 : i32
          %parallel_loop3A_801 = arith.index_cast %parallel_loop3A_800 : i32 to index
          %parallel_loop3A_802 = tpu.vector_load %arg8[%parallel_loop3A_801] {strides = array<i32>} : memref<81920xf32, #tpu.memory_space<vmem>>, vector<16xf32>,
          tpu.vector_store %arg8[%parallel_loop3A_801], %parallel_loop3A_728 {strides = array<i32>} : memref<81920xf32, #tpu.memory_space<vmem>>, vector<16xf32>,
          %parallel_loop3A_803 = arith.constant 0 : i32
          %parallel_loop3A_804 = arith.addi %parallel_loop3A_708, %parallel_loop3A_803 : i32
          %parallel_loop3A_805 = arith.constant 640 : i32
          %parallel_loop3A_806 = arith.addi %parallel_loop3A_804, %parallel_loop3A_805 : i32
          %parallel_loop3A_807 = arith.index_cast %parallel_loop3A_806 : i32 to index
          %parallel_loop3A_808 = tpu.vector_load %arg8[%parallel_loop3A_807] {strides = array<i32>} : memref<81920xf32, #tpu.memory_space<vmem>>, vector<16xf32>,
          tpu.vector_store %arg8[%parallel_loop3A_807], %parallel_loop3A_732 {strides = array<i32>} : memref<81920xf32, #tpu.memory_space<vmem>>, vector<16xf32>,
          %parallel_loop3A_809 = arith.constant 0 : i32
          %parallel_loop3A_810 = arith.addi %parallel_loop3A_708, %parallel_loop3A_809 : i32
          %parallel_loop3A_811 = arith.constant 768 : i32
          %parallel_loop3A_812 = arith.addi %parallel_loop3A_810, %parallel_loop3A_811 : i32
          %parallel_loop3A_813 = arith.index_cast %parallel_loop3A_812 : i32 to index
          %parallel_loop3A_814 = tpu.vector_load %arg8[%parallel_loop3A_813] {strides = array<i32>} : memref<81920xf32, #tpu.memory_space<vmem>>, vector<16xf32>,
          tpu.vector_store %arg8[%parallel_loop3A_813], %parallel_loop3A_736 {strides = array<i32>} : memref<81920xf32, #tpu.memory_space<vmem>>, vector<16xf32>,
          %parallel_loop3A_815 = arith.constant 0 : i32
          %parallel_loop3A_816 = arith.addi %parallel_loop3A_708, %parallel_loop3A_815 : i32
          %parallel_loop3A_817 = arith.constant 896 : i32
          %parallel_loop3A_818 = arith.addi %parallel_loop3A_816, %parallel_loop3A_817 : i32
          %parallel_loop3A_819 = arith.index_cast %parallel_loop3A_818 : i32 to index
          %parallel_loop3A_820 = tpu.vector_load %arg8[%parallel_loop3A_819] {strides = array<i32>} : memref<81920xf32, #tpu.memory_space<vmem>>, vector<16xf32>,
          tpu.vector_store %arg8[%parallel_loop3A_819], %parallel_loop3A_740 {strides = array<i32>} : memref<81920xf32, #tpu.memory_space<vmem>>, vector<16xf32>,
          %parallel_loop3A_821 = arith.constant 20480 : i32
          %parallel_loop3A_822 = arith.addi %parallel_loop3A_708, %parallel_loop3A_821 : i32
          %parallel_loop3A_823 = arith.constant 0 : i32
          %parallel_loop3A_824 = arith.addi %parallel_loop3A_822, %parallel_loop3A_823 : i32
          %parallel_loop3A_825 = arith.index_cast %parallel_loop3A_824 : i32 to index
          %parallel_loop3A_826 = tpu.vector_load %arg8[%parallel_loop3A_825] {strides = array<i32>} : memref<81920xf32, #tpu.memory_space<vmem>>, vector<16xf32>,
          tpu.vector_store %arg8[%parallel_loop3A_825], %parallel_loop3A_744 {strides = array<i32>} : memref<81920xf32, #tpu.memory_space<vmem>>, vector<16xf32>,
          %parallel_loop3A_827 = arith.constant 20480 : i32
          %parallel_loop3A_828 = arith.addi %parallel_loop3A_708, %parallel_loop3A_827 : i32
          %parallel_loop3A_829 = arith.constant 128 : i32
          %parallel_loop3A_830 = arith.addi %parallel_loop3A_828, %parallel_loop3A_829 : i32
          %parallel_loop3A_831 = arith.index_cast %parallel_loop3A_830 : i32 to index
          %parallel_loop3A_832 = tpu.vector_load %arg8[%parallel_loop3A_831] {strides = array<i32>} : memref<81920xf32, #tpu.memory_space<vmem>>, vector<16xf32>,
          tpu.vector_store %arg8[%parallel_loop3A_831], %parallel_loop3A_748 {strides = array<i32>} : memref<81920xf32, #tpu.memory_space<vmem>>, vector<16xf32>,
          %parallel_loop3A_833 = arith.constant 20480 : i32
          %parallel_loop3A_834 = arith.addi %parallel_loop3A_708, %parallel_loop3A_833 : i32
          %parallel_loop3A_835 = arith.constant 256 : i32
          %parallel_loop3A_836 = arith.addi %parallel_loop3A_834, %parallel_loop3A_835 : i32
          %parallel_loop3A_837 = arith.index_cast %parallel_loop3A_836 : i32 to index
          %parallel_loop3A_838 = tpu.vector_load %arg8[%parallel_loop3A_837] {strides = array<i32>} : memref<81920xf32, #tpu.memory_space<vmem>>, vector<16xf32>,
          tpu.vector_store %arg8[%parallel_loop3A_837], %parallel_loop3A_752 {strides = array<i32>} : memref<81920xf32, #tpu.memory_space<vmem>>, vector<16xf32>,
          %parallel_loop3A_839 = arith.constant 20480 : i32
          %parallel_loop3A_840 = arith.addi %parallel_loop3A_708, %parallel_loop3A_839 : i32
          %parallel_loop3A_841 = arith.constant 384 : i32
          %parallel_loop3A_842 = arith.addi %parallel_loop3A_840, %parallel_loop3A_841 : i32
          %parallel_loop3A_843 = arith.index_cast %parallel_loop3A_842 : i32 to index
          %parallel_loop3A_844 = tpu.vector_load %arg8[%parallel_loop3A_843] {strides = array<i32>} : memref<81920xf32, #tpu.memory_space<vmem>>, vector<16xf32>,
          tpu.vector_store %arg8[%parallel_loop3A_843], %parallel_loop3A_756 {strides = array<i32>} : memref<81920xf32, #tpu.memory_space<vmem>>, vector<16xf32>,
          %parallel_loop3A_845 = arith.constant 20480 : i32
          %parallel_loop3A_846 = arith.addi %parallel_loop3A_708, %parallel_loop3A_845 : i32
          %parallel_loop3A_847 = arith.constant 512 : i32
          %parallel_loop3A_848 = arith.addi %parallel_loop3A_846, %parallel_loop3A_847 : i32
          %parallel_loop3A_849 = arith.index_cast %parallel_loop3A_848 : i32 to index
          %parallel_loop3A_850 = tpu.vector_load %arg8[%parallel_loop3A_849] {strides = array<i32>} : memref<81920xf32, #tpu.memory_space<vmem>>, vector<16xf32>,
          tpu.vector_store %arg8[%parallel_loop3A_849], %parallel_loop3A_760 {strides = array<i32>} : memref<81920xf32, #tpu.memory_space<vmem>>, vector<16xf32>,
          %parallel_loop3A_851 = arith.constant 20480 : i32
          %parallel_loop3A_852 = arith.addi %parallel_loop3A_708, %parallel_loop3A_851 : i32
          %parallel_loop3A_853 = arith.constant 640 : i32
          %parallel_loop3A_854 = arith.addi %parallel_loop3A_852, %parallel_loop3A_853 : i32
          %parallel_loop3A_855 = arith.index_cast %parallel_loop3A_854 : i32 to index
          %parallel_loop3A_856 = tpu.vector_load %arg8[%parallel_loop3A_855] {strides = array<i32>} : memref<81920xf32, #tpu.memory_space<vmem>>, vector<16xf32>,
          tpu.vector_store %arg8[%parallel_loop3A_855], %parallel_loop3A_764 {strides = array<i32>} : memref<81920xf32, #tpu.memory_space<vmem>>, vector<16xf32>,
          %parallel_loop3A_857 = arith.constant 20480 : i32
          %parallel_loop3A_858 = arith.addi %parallel_loop3A_708, %parallel_loop3A_857 : i32
          %parallel_loop3A_859 = arith.constant 768 : i32
          %parallel_loop3A_860 = arith.addi %parallel_loop3A_858, %parallel_loop3A_859 : i32
          %parallel_loop3A_861 = arith.index_cast %parallel_loop3A_860 : i32 to index
          %parallel_loop3A_862 = tpu.vector_load %arg8[%parallel_loop3A_861] {strides = array<i32>} : memref<81920xf32, #tpu.memory_space<vmem>>, vector<16xf32>,
          tpu.vector_store %arg8[%parallel_loop3A_861], %parallel_loop3A_768 {strides = array<i32>} : memref<81920xf32, #tpu.memory_space<vmem>>, vector<16xf32>,
          %parallel_loop3A_863 = arith.constant 20480 : i32
          %parallel_loop3A_864 = arith.addi %parallel_loop3A_708, %parallel_loop3A_863 : i32
          %parallel_loop3A_865 = arith.constant 896 : i32
          %parallel_loop3A_866 = arith.addi %parallel_loop3A_864, %parallel_loop3A_865 : i32
          %parallel_loop3A_867 = arith.index_cast %parallel_loop3A_866 : i32 to index
          %parallel_loop3A_868 = tpu.vector_load %arg8[%parallel_loop3A_867] {strides = array<i32>} : memref<81920xf32, #tpu.memory_space<vmem>>, vector<16xf32>,
          tpu.vector_store %arg8[%parallel_loop3A_867], %parallel_loop3A_772 {strides = array<i32>} : memref<81920xf32, #tpu.memory_space<vmem>>, vector<16xf32>,
        } {sc.loop_unroll_factor = 4 : i64, sc.parallel_access}
        %mul3A_627 = arith.constant 32 : i32
        %mul3A_628 = arith.muli %add3A_599, %mul3A_627 : i32
        %add3A_629 = arith.addi %add3A, %mul3A_628 : i32
        %mul3A_630 = arith.constant 20 : i32
        %mul3A_631 = arith.muli %add3A_629, %mul3A_630 : i32
        %mul3A_632 = arith.constant 1024 : i32
        %mul3A_633 = arith.muli %mul3A_631, %mul3A_632 : i32
        %dma_start3A_634 = arith.constant 0 : i32
        %dma_start3A_635 = arith.constant 0 : i32
        %dma_start3A_636 = tpu.memref_slice %arg8[%dma_start3A_635] : memref<81920xf32, #tpu.memory_space<vmem>> -> memref<20480xf32, #tpu.memory_space<vmem>>
        %dma_start3A_637 = tpu.memref_slice %arg4[%dma_start3A_634, %mul3A_633] : memref<2x25600000xf32, #tpu.memory_space<hbm>> -> memref<1x20480xf32, #tpu.memory_space<hbm>>
        %dma_start3A_638 = tpu.memref_squeeze %dma_start3A_637 : memref<1x20480xf32, #tpu.memory_space<hbm>> -> memref<20480xf32, #tpu.memory_space<hbm>>
        %dma_start3A_639 = tpu.memref_slice %arg4[%dma_start3A_634, %mul3A_633] : memref<2x25600000xf32, #tpu.memory_space<hbm>> -> memref<1x20480xf32, #tpu.memory_space<hbm>>
        %dma_start3A_640 = tpu.memref_squeeze %dma_start3A_639 : memref<1x20480xf32, #tpu.memory_space<hbm>> -> memref<20480xf32, #tpu.memory_space<hbm>>
        %dma_start3A_641 = arith.constant 0 : i32
        %dma_start3A_642 = tpu.memref_slice %arg8[%dma_start3A_641] : memref<81920xf32, #tpu.memory_space<vmem>> -> memref<20480xf32, #tpu.memory_space<vmem>>
        tpu.enqueue_dma source(%dma_start3A_642 : memref<20480xf32, #tpu.memory_space<vmem>>) target(%dma_start3A_640 : memref<20480xf32, #tpu.memory_space<hbm>>) target_semaphore(%arg11 : memref<!tpu.dma_semaphore, #tpu.memory_space<semaphore_mem>>)
        %mul3A_643 = arith.constant 32 : i32
        %mul3A_644 = arith.muli %add3A_599, %mul3A_643 : i32
        %add3A_645 = arith.addi %add3A, %mul3A_644 : i32
        %mul3A_646 = arith.constant 20 : i32
        %mul3A_647 = arith.muli %add3A_645, %mul3A_646 : i32
        %mul3A_648 = arith.constant 1024 : i32
        %mul3A_649 = arith.muli %mul3A_647, %mul3A_648 : i32
        %dma_start3A_650 = arith.constant 1 : i32
        %dma_start3A_651 = arith.constant 20480 : i32
        %dma_start3A_652 = tpu.memref_slice %arg8[%dma_start3A_651] : memref<81920xf32, #tpu.memory_space<vmem>> -> memref<20480xf32, #tpu.memory_space<vmem>>
        %dma_start3A_653 = tpu.memref_slice %arg4[%dma_start3A_650, %mul3A_649] : memref<2x25600000xf32, #tpu.memory_space<hbm>> -> memref<1x20480xf32, #tpu.memory_space<hbm>>
        %dma_start3A_654 = tpu.memref_squeeze %dma_start3A_653 : memref<1x20480xf32, #tpu.memory_space<hbm>> -> memref<20480xf32, #tpu.memory_space<hbm>>
        %dma_start3A_655 = tpu.memref_slice %arg4[%dma_start3A_650, %mul3A_649] : memref<2x25600000xf32, #tpu.memory_space<hbm>> -> memref<1x20480xf32, #tpu.memory_space<hbm>>
        %dma_start3A_656 = tpu.memref_squeeze %dma_start3A_655 : memref<1x20480xf32, #tpu.memory_space<hbm>> -> memref<20480xf32, #tpu.memory_space<hbm>>
        %dma_start3A_657 = arith.constant 20480 : i32
        %dma_start3A_658 = tpu.memref_slice %arg8[%dma_start3A_657] : memref<81920xf32, #tpu.memory_space<vmem>> -> memref<20480xf32, #tpu.memory_space<vmem>>
        tpu.enqueue_dma source(%dma_start3A_658 : memref<20480xf32, #tpu.memory_space<vmem>>) target(%dma_start3A_656 : memref<20480xf32, #tpu.memory_space<hbm>>) target_semaphore(%arg11 : memref<!tpu.dma_semaphore, #tpu.memory_space<semaphore_mem>>)
        %add3A_659 = arith.constant 2 : i32
        %add3A_660 = arith.addi %add3A_599, %add3A_659 : i32
        %lt3A_661 = arith.cmpi slt, %add3A_660, %select_n3A : i32
        %convert_element_type3A_662 = arith.extui %lt3A_661 : i1 to i32
        %cond3A_663 = arith.constant 0 : i32
        %cond3A_664 = arith.cmpi ne, %convert_element_type3A_662, %cond3A_663 : i32
        scf.if %cond3A_664 {
          %add3A_665 = arith.constant 2 : i32
          %add3A_666 = arith.addi %add3A_599, %add3A_665 : i32
          %mul3A_667 = arith.constant 32 : i32
          %mul3A_668 = arith.muli %add3A_666, %mul3A_667 : i32
          %add3A_669 = arith.addi %add3A, %mul3A_668 : i32
          %mul3A_670 = arith.constant 2560 : i32
          %mul3A_671 = arith.muli %add3A_669, %mul3A_670 : i32
          %dma_start3A_672 = arith.constant 0 : i32
          %dma_start3A_673 = tpu.memref_slice %arg7[%dma_start3A_672] : memref<5120xi32, #tpu.memory_space<vmem>> -> memref<2560xi32, #tpu.memory_space<vmem>>
          %dma_start3A_674 = tpu.memref_slice %arg2[%mul3A_671] : memref<3200000xi32, #tpu.memory_space<hbm>> -> memref<2560xi32, #tpu.memory_space<hbm>>
          %dma_start3A_675 = arith.constant 0 : i32
          %dma_start3A_676 = tpu.memref_slice %arg7[%dma_start3A_675] : memref<5120xi32, #tpu.memory_space<vmem>> -> memref<2560xi32, #tpu.memory_space<vmem>>
          %dma_start3A_677 = tpu.memref_slice %arg2[%mul3A_671] : memref<3200000xi32, #tpu.memory_space<hbm>> -> memref<2560xi32, #tpu.memory_space<hbm>>
          tpu.enqueue_dma source(%dma_start3A_677 : memref<2560xi32, #tpu.memory_space<hbm>>) target(%dma_start3A_676 : memref<2560xi32, #tpu.memory_space<vmem>>) target_semaphore(%arg9 : memref<!tpu.dma_semaphore, #tpu.memory_space<semaphore_mem>>)
        } else {
        }
      } else {
      }
      %add3A_604 = arith.constant 1 : i32
      %add3A_605 = arith.addi %add3A_597, %add3A_604 : i32
      %lt3A_606 = arith.cmpi slt, %add3A_605, %select_n3A : i32
      %convert_element_type3A_607 = arith.extui %lt3A_606 : i1 to i32
      %cond3A_608 = arith.constant 0 : i32
      %cond3A_609 = arith.cmpi ne, %convert_element_type3A_607, %cond3A_608 : i32
      scf.if %cond3A_609 {
        %mul3A_610 = arith.constant 32 : i32
        %mul3A_611 = arith.muli %add3A_605, %mul3A_610 : i32
        %add3A_612 = arith.addi %add3A, %mul3A_611 : i32
        %mul3A_613 = arith.constant 2560 : i32
        %mul3A_614 = arith.muli %add3A_612, %mul3A_613 : i32
        %dma_wait3A_615 = arith.constant 2560 : i32
        %dma_wait3A_616 = tpu.memref_slice %arg7[%dma_wait3A_615] : memref<5120xi32, #tpu.memory_space<vmem>> -> memref<2560xi32, #tpu.memory_space<vmem>>
        %dma_wait3A_617 = tpu.memref_slice %arg2[%mul3A_614] : memref<3200000xi32, #tpu.memory_space<hbm>> -> memref<2560xi32, #tpu.memory_space<hbm>>
        %dma_wait3A_618 = arith.constant 2560 : i32
        %dma_wait3A_619 = tpu.memref_slice %arg7[%dma_wait3A_618] : memref<5120xi32, #tpu.memory_space<vmem>> -> memref<2560xi32, #tpu.memory_space<vmem>>
        %dma_wait3A_620 = tpu.memref_slice %arg2[%mul3A_614] : memref<3200000xi32, #tpu.memory_space<hbm>> -> memref<2560xi32, #tpu.memory_space<hbm>>
        tpu.wait_dma2 semaphore(%arg10 : memref<!tpu.dma_semaphore, #tpu.memory_space<semaphore_mem>>) src(%dma_wait3A_620 : memref<2560xi32, #tpu.memory_space<hbm>>) dst(%dma_wait3A_619 : memref<2560xi32, #tpu.memory_space<vmem>>)
        %ge3A = arith.constant 2 : i32
        %ge3A_621 = arith.cmpi sge, %add3A_605, %ge3A : i32
        %convert_element_type3A_622 = arith.extui %ge3A_621 : i1 to i32
        %cond3A_623 = arith.constant 0 : i32
        %cond3A_624 = arith.cmpi ne, %convert_element_type3A_622, %cond3A_623 : i32
        scf.if %cond3A_624 {
          %sub3A_665 = arith.constant 2 : i32
          %sub3A_666 = arith.subi %add3A_605, %sub3A_665 : i32
          %mul3A_667 = arith.constant 32 : i32
          %mul3A_668 = arith.muli %sub3A_666, %mul3A_667 : i32
          %add3A_669 = arith.addi %add3A, %mul3A_668 : i32
          %mul3A_670 = arith.constant 20 : i32
          %mul3A_671 = arith.muli %add3A_669, %mul3A_670 : i32
          %mul3A_672 = arith.constant 1024 : i32
          %mul3A_673 = arith.muli %mul3A_671, %mul3A_672 : i32
          %dma_wait3A_674 = arith.constant 0 : i32
          %dma_wait3A_675 = arith.constant 40960 : i32
          %dma_wait3A_676 = tpu.memref_slice %arg8[%dma_wait3A_675] : memref<81920xf32, #tpu.memory_space<vmem>> -> memref<20480xf32, #tpu.memory_space<vmem>>
          %dma_wait3A_677 = tpu.memref_slice %arg4[%dma_wait3A_674, %mul3A_673] : memref<2x25600000xf32, #tpu.memory_space<hbm>> -> memref<1x20480xf32, #tpu.memory_space<hbm>>
          %dma_wait3A_678 = tpu.memref_squeeze %dma_wait3A_677 : memref<1x20480xf32, #tpu.memory_space<hbm>> -> memref<20480xf32, #tpu.memory_space<hbm>>
          %dma_wait3A_679 = tpu.memref_slice %arg4[%dma_wait3A_674, %mul3A_673] : memref<2x25600000xf32, #tpu.memory_space<hbm>> -> memref<1x20480xf32, #tpu.memory_space<hbm>>
          %dma_wait3A_680 = tpu.memref_squeeze %dma_wait3A_679 : memref<1x20480xf32, #tpu.memory_space<hbm>> -> memref<20480xf32, #tpu.memory_space<hbm>>
          %dma_wait3A_681 = arith.constant 40960 : i32
          %dma_wait3A_682 = tpu.memref_slice %arg8[%dma_wait3A_681] : memref<81920xf32, #tpu.memory_space<vmem>> -> memref<20480xf32, #tpu.memory_space<vmem>>
          tpu.wait_dma2 semaphore(%arg12 : memref<!tpu.dma_semaphore, #tpu.memory_space<semaphore_mem>>) src(%dma_wait3A_682 : memref<20480xf32, #tpu.memory_space<vmem>>) dst(%dma_wait3A_680 : memref<20480xf32, #tpu.memory_space<hbm>>)
          %sub3A_683 = arith.constant 2 : i32
          %sub3A_684 = arith.subi %add3A_605, %sub3A_683 : i32
          %mul3A_685 = arith.constant 32 : i32
          %mul3A_686 = arith.muli %sub3A_684, %mul3A_685 : i32
          %add3A_687 = arith.addi %add3A, %mul3A_686 : i32
          %mul3A_688 = arith.constant 20 : i32
          %mul3A_689 = arith.muli %add3A_687, %mul3A_688 : i32
          %mul3A_690 = arith.constant 1024 : i32
          %mul3A_691 = arith.muli %mul3A_689, %mul3A_690 : i32
          %dma_wait3A_692 = arith.constant 1 : i32
          %dma_wait3A_693 = arith.constant 61440 : i32
          %dma_wait3A_694 = tpu.memref_slice %arg8[%dma_wait3A_693] : memref<81920xf32, #tpu.memory_space<vmem>> -> memref<20480xf32, #tpu.memory_space<vmem>>
          %dma_wait3A_695 = tpu.memref_slice %arg4[%dma_wait3A_692, %mul3A_691] : memref<2x25600000xf32, #tpu.memory_space<hbm>> -> memref<1x20480xf32, #tpu.memory_space<hbm>>
          %dma_wait3A_696 = tpu.memref_squeeze %dma_wait3A_695 : memref<1x20480xf32, #tpu.memory_space<hbm>> -> memref<20480xf32, #tpu.memory_space<hbm>>
          %dma_wait3A_697 = tpu.memref_slice %arg4[%dma_wait3A_692, %mul3A_691] : memref<2x25600000xf32, #tpu.memory_space<hbm>> -> memref<1x20480xf32, #tpu.memory_space<hbm>>
          %dma_wait3A_698 = tpu.memref_squeeze %dma_wait3A_697 : memref<1x20480xf32, #tpu.memory_space<hbm>> -> memref<20480xf32, #tpu.memory_space<hbm>>
          %dma_wait3A_699 = arith.constant 61440 : i32
          %dma_wait3A_700 = tpu.memref_slice %arg8[%dma_wait3A_699] : memref<81920xf32, #tpu.memory_space<vmem>> -> memref<20480xf32, #tpu.memory_space<vmem>>
          tpu.wait_dma2 semaphore(%arg12 : memref<!tpu.dma_semaphore, #tpu.memory_space<semaphore_mem>>) src(%dma_wait3A_700 : memref<20480xf32, #tpu.memory_space<vmem>>) dst(%dma_wait3A_698 : memref<20480xf32, #tpu.memory_space<hbm>>)
        } else {
        }
        %parallel_loop3A = arith.constant 0 : i32
        %parallel_loop3A_625 = arith.constant 160 : i32
        %parallel_loop3A_626 = arith.constant 1 : i32
        scf.for %parallel_loop3A_665 = %parallel_loop3A to %parallel_loop3A_625 step %parallel_loop3A_626  : i32 {
          %parallel_loop3A_666 = arith.constant 16 : i32
          %parallel_loop3A_667 = arith.muli %parallel_loop3A_665, %parallel_loop3A_666 : i32
          %parallel_loop3A_668 = arith.constant 2560 : i32
          %parallel_loop3A_669 = arith.addi %parallel_loop3A_668, %parallel_loop3A_667 : i32
          %parallel_loop3A_670 = arith.index_cast %parallel_loop3A_669 : i32 to index
          %parallel_loop3A_671 = tpu.vector_load %arg7[%parallel_loop3A_670] {strides = array<i32>} : memref<5120xi32, #tpu.memory_space<vmem>>, vector<16xi32>,
          %parallel_loop3A_672 = arith.constant 255 : i32
          %parallel_loop3A_673 = vector.broadcast %parallel_loop3A_672 : i32 to vector<16xi32>
          %parallel_loop3A_674 = arith.andi %parallel_loop3A_671, %parallel_loop3A_673 : vector<16xi32>
          %parallel_loop3A_675 = arith.constant 8 : i32
          %parallel_loop3A_676 = vector.broadcast %parallel_loop3A_675 : i32 to vector<16xi32>
          %parallel_loop3A_677 = arith.shrsi %parallel_loop3A_671, %parallel_loop3A_676 : vector<16xi32>
          %parallel_loop3A_678 = arith.constant 255 : i32
          %parallel_loop3A_679 = vector.broadcast %parallel_loop3A_678 : i32 to vector<16xi32>
          %parallel_loop3A_680 = arith.andi %parallel_loop3A_677, %parallel_loop3A_679 : vector<16xi32>
          %parallel_loop3A_681 = arith.constant 16 : i32
          %parallel_loop3A_682 = vector.broadcast %parallel_loop3A_681 : i32 to vector<16xi32>
          %parallel_loop3A_683 = arith.shrsi %parallel_loop3A_671, %parallel_loop3A_682 : vector<16xi32>
          %parallel_loop3A_684 = arith.constant 255 : i32
          %parallel_loop3A_685 = vector.broadcast %parallel_loop3A_684 : i32 to vector<16xi32>
          %parallel_loop3A_686 = arith.andi %parallel_loop3A_683, %parallel_loop3A_685 : vector<16xi32>
          %parallel_loop3A_687 = arith.constant 6 : i32
          %parallel_loop3A_688 = vector.broadcast %parallel_loop3A_687 : i32 to vector<16xi32>
          %parallel_loop3A_689 = arith.muli %parallel_loop3A_674, %parallel_loop3A_688 : vector<16xi32>
          %parallel_loop3A_690 = arith.addi %parallel_loop3A_689, %parallel_loop3A_680 : vector<16xi32>
          %parallel_loop3A_691 = arith.constant 2 : i32
          %parallel_loop3A_692 = vector.broadcast %parallel_loop3A_691 : i32 to vector<16xi32>
          %parallel_loop3A_693 = arith.muli %parallel_loop3A_690, %parallel_loop3A_692 : vector<16xi32>
          %parallel_loop3A_694 = arith.addi %parallel_loop3A_693, %parallel_loop3A_686 : vector<16xi32>
          %parallel_loop3A_695 = arith.constant 17 : i32
          %parallel_loop3A_696 = vector.broadcast %parallel_loop3A_695 : i32 to vector<16xi32>
          %parallel_loop3A_697 = arith.muli %parallel_loop3A_694, %parallel_loop3A_696 : vector<16xi32>
          %parallel_loop3A_698 = arith.constant 3 : i32
          %parallel_loop3A_699 = arith.shrsi %parallel_loop3A_665, %parallel_loop3A_698 : i32
          %parallel_loop3A_700 = arith.constant 1024 : i32
          %parallel_loop3A_701 = arith.muli %parallel_loop3A_699, %parallel_loop3A_700 : i32
          %parallel_loop3A_702 = arith.constant 40960 : i32
          %parallel_loop3A_703 = arith.addi %parallel_loop3A_702, %parallel_loop3A_701 : i32
          %parallel_loop3A_704 = arith.constant 7 : i32
          %parallel_loop3A_705 = arith.andi %parallel_loop3A_665, %parallel_loop3A_704 : i32
          %parallel_loop3A_706 = arith.constant 16 : i32
          %parallel_loop3A_707 = arith.muli %parallel_loop3A_705, %parallel_loop3A_706 : i32
          %parallel_loop3A_708 = arith.addi %parallel_loop3A_703, %parallel_loop3A_707 : i32
          %parallel_loop3A_709 = arith.constant 0 : i32
          %parallel_loop3A_710 = vector.broadcast %parallel_loop3A_709 : i32 to vector<16xi32>
          %parallel_loop3A_711 = arith.addi %parallel_loop3A_697, %parallel_loop3A_710 : vector<16xi32>
          %parallel_loop3A_712 = tpu.vector_load_idx %arg6[%parallel_loop3A_711] : memref<1020xf32, #tpu.memory_space<vmem>>[vector<16xi32>], vector<16xf32>,
          %parallel_loop3A_713 = arith.constant 1 : i32
          %parallel_loop3A_714 = vector.broadcast %parallel_loop3A_713 : i32 to vector<16xi32>
          %parallel_loop3A_715 = arith.addi %parallel_loop3A_697, %parallel_loop3A_714 : vector<16xi32>
          %parallel_loop3A_716 = tpu.vector_load_idx %arg6[%parallel_loop3A_715] : memref<1020xf32, #tpu.memory_space<vmem>>[vector<16xi32>], vector<16xf32>,
          %parallel_loop3A_717 = arith.constant 2 : i32
          %parallel_loop3A_718 = vector.broadcast %parallel_loop3A_717 : i32 to vector<16xi32>
          %parallel_loop3A_719 = arith.addi %parallel_loop3A_697, %parallel_loop3A_718 : vector<16xi32>
          %parallel_loop3A_720 = tpu.vector_load_idx %arg6[%parallel_loop3A_719] : memref<1020xf32, #tpu.memory_space<vmem>>[vector<16xi32>], vector<16xf32>,
          %parallel_loop3A_721 = arith.constant 3 : i32
          %parallel_loop3A_722 = vector.broadcast %parallel_loop3A_721 : i32 to vector<16xi32>
          %parallel_loop3A_723 = arith.addi %parallel_loop3A_697, %parallel_loop3A_722 : vector<16xi32>
          %parallel_loop3A_724 = tpu.vector_load_idx %arg6[%parallel_loop3A_723] : memref<1020xf32, #tpu.memory_space<vmem>>[vector<16xi32>], vector<16xf32>,
          %parallel_loop3A_725 = arith.constant 4 : i32
          %parallel_loop3A_726 = vector.broadcast %parallel_loop3A_725 : i32 to vector<16xi32>
          %parallel_loop3A_727 = arith.addi %parallel_loop3A_697, %parallel_loop3A_726 : vector<16xi32>
          %parallel_loop3A_728 = tpu.vector_load_idx %arg6[%parallel_loop3A_727] : memref<1020xf32, #tpu.memory_space<vmem>>[vector<16xi32>], vector<16xf32>,
          %parallel_loop3A_729 = arith.constant 5 : i32
          %parallel_loop3A_730 = vector.broadcast %parallel_loop3A_729 : i32 to vector<16xi32>
          %parallel_loop3A_731 = arith.addi %parallel_loop3A_697, %parallel_loop3A_730 : vector<16xi32>
          %parallel_loop3A_732 = tpu.vector_load_idx %arg6[%parallel_loop3A_731] : memref<1020xf32, #tpu.memory_space<vmem>>[vector<16xi32>], vector<16xf32>,
          %parallel_loop3A_733 = arith.constant 6 : i32
          %parallel_loop3A_734 = vector.broadcast %parallel_loop3A_733 : i32 to vector<16xi32>
          %parallel_loop3A_735 = arith.addi %parallel_loop3A_697, %parallel_loop3A_734 : vector<16xi32>
          %parallel_loop3A_736 = tpu.vector_load_idx %arg6[%parallel_loop3A_735] : memref<1020xf32, #tpu.memory_space<vmem>>[vector<16xi32>], vector<16xf32>,
          %parallel_loop3A_737 = arith.constant 7 : i32
          %parallel_loop3A_738 = vector.broadcast %parallel_loop3A_737 : i32 to vector<16xi32>
          %parallel_loop3A_739 = arith.addi %parallel_loop3A_697, %parallel_loop3A_738 : vector<16xi32>
          %parallel_loop3A_740 = tpu.vector_load_idx %arg6[%parallel_loop3A_739] : memref<1020xf32, #tpu.memory_space<vmem>>[vector<16xi32>], vector<16xf32>,
          %parallel_loop3A_741 = arith.constant 8 : i32
          %parallel_loop3A_742 = vector.broadcast %parallel_loop3A_741 : i32 to vector<16xi32>
          %parallel_loop3A_743 = arith.addi %parallel_loop3A_697, %parallel_loop3A_742 : vector<16xi32>
          %parallel_loop3A_744 = tpu.vector_load_idx %arg6[%parallel_loop3A_743] : memref<1020xf32, #tpu.memory_space<vmem>>[vector<16xi32>], vector<16xf32>,
          %parallel_loop3A_745 = arith.constant 9 : i32
          %parallel_loop3A_746 = vector.broadcast %parallel_loop3A_745 : i32 to vector<16xi32>
          %parallel_loop3A_747 = arith.addi %parallel_loop3A_697, %parallel_loop3A_746 : vector<16xi32>
          %parallel_loop3A_748 = tpu.vector_load_idx %arg6[%parallel_loop3A_747] : memref<1020xf32, #tpu.memory_space<vmem>>[vector<16xi32>], vector<16xf32>,
          %parallel_loop3A_749 = arith.constant 10 : i32
          %parallel_loop3A_750 = vector.broadcast %parallel_loop3A_749 : i32 to vector<16xi32>
          %parallel_loop3A_751 = arith.addi %parallel_loop3A_697, %parallel_loop3A_750 : vector<16xi32>
          %parallel_loop3A_752 = tpu.vector_load_idx %arg6[%parallel_loop3A_751] : memref<1020xf32, #tpu.memory_space<vmem>>[vector<16xi32>], vector<16xf32>,
          %parallel_loop3A_753 = arith.constant 11 : i32
          %parallel_loop3A_754 = vector.broadcast %parallel_loop3A_753 : i32 to vector<16xi32>
          %parallel_loop3A_755 = arith.addi %parallel_loop3A_697, %parallel_loop3A_754 : vector<16xi32>
          %parallel_loop3A_756 = tpu.vector_load_idx %arg6[%parallel_loop3A_755] : memref<1020xf32, #tpu.memory_space<vmem>>[vector<16xi32>], vector<16xf32>,
          %parallel_loop3A_757 = arith.constant 12 : i32
          %parallel_loop3A_758 = vector.broadcast %parallel_loop3A_757 : i32 to vector<16xi32>
          %parallel_loop3A_759 = arith.addi %parallel_loop3A_697, %parallel_loop3A_758 : vector<16xi32>
          %parallel_loop3A_760 = tpu.vector_load_idx %arg6[%parallel_loop3A_759] : memref<1020xf32, #tpu.memory_space<vmem>>[vector<16xi32>], vector<16xf32>,
          %parallel_loop3A_761 = arith.constant 13 : i32
          %parallel_loop3A_762 = vector.broadcast %parallel_loop3A_761 : i32 to vector<16xi32>
          %parallel_loop3A_763 = arith.addi %parallel_loop3A_697, %parallel_loop3A_762 : vector<16xi32>
          %parallel_loop3A_764 = tpu.vector_load_idx %arg6[%parallel_loop3A_763] : memref<1020xf32, #tpu.memory_space<vmem>>[vector<16xi32>], vector<16xf32>,
          %parallel_loop3A_765 = arith.constant 14 : i32
          %parallel_loop3A_766 = vector.broadcast %parallel_loop3A_765 : i32 to vector<16xi32>
          %parallel_loop3A_767 = arith.addi %parallel_loop3A_697, %parallel_loop3A_766 : vector<16xi32>
          %parallel_loop3A_768 = tpu.vector_load_idx %arg6[%parallel_loop3A_767] : memref<1020xf32, #tpu.memory_space<vmem>>[vector<16xi32>], vector<16xf32>,
          %parallel_loop3A_769 = arith.constant 15 : i32
          %parallel_loop3A_770 = vector.broadcast %parallel_loop3A_769 : i32 to vector<16xi32>
          %parallel_loop3A_771 = arith.addi %parallel_loop3A_697, %parallel_loop3A_770 : vector<16xi32>
          %parallel_loop3A_772 = tpu.vector_load_idx %arg6[%parallel_loop3A_771] : memref<1020xf32, #tpu.memory_space<vmem>>[vector<16xi32>], vector<16xf32>,
          %parallel_loop3A_773 = arith.constant 0 : i32
          %parallel_loop3A_774 = arith.addi %parallel_loop3A_708, %parallel_loop3A_773 : i32
          %parallel_loop3A_775 = arith.constant 0 : i32
          %parallel_loop3A_776 = arith.addi %parallel_loop3A_774, %parallel_loop3A_775 : i32
          %parallel_loop3A_777 = arith.index_cast %parallel_loop3A_776 : i32 to index
          %parallel_loop3A_778 = tpu.vector_load %arg8[%parallel_loop3A_777] {strides = array<i32>} : memref<81920xf32, #tpu.memory_space<vmem>>, vector<16xf32>,
          tpu.vector_store %arg8[%parallel_loop3A_777], %parallel_loop3A_712 {strides = array<i32>} : memref<81920xf32, #tpu.memory_space<vmem>>, vector<16xf32>,
          %parallel_loop3A_779 = arith.constant 0 : i32
          %parallel_loop3A_780 = arith.addi %parallel_loop3A_708, %parallel_loop3A_779 : i32
          %parallel_loop3A_781 = arith.constant 128 : i32
          %parallel_loop3A_782 = arith.addi %parallel_loop3A_780, %parallel_loop3A_781 : i32
          %parallel_loop3A_783 = arith.index_cast %parallel_loop3A_782 : i32 to index
          %parallel_loop3A_784 = tpu.vector_load %arg8[%parallel_loop3A_783] {strides = array<i32>} : memref<81920xf32, #tpu.memory_space<vmem>>, vector<16xf32>,
          tpu.vector_store %arg8[%parallel_loop3A_783], %parallel_loop3A_716 {strides = array<i32>} : memref<81920xf32, #tpu.memory_space<vmem>>, vector<16xf32>,
          %parallel_loop3A_785 = arith.constant 0 : i32
          %parallel_loop3A_786 = arith.addi %parallel_loop3A_708, %parallel_loop3A_785 : i32
          %parallel_loop3A_787 = arith.constant 256 : i32
          %parallel_loop3A_788 = arith.addi %parallel_loop3A_786, %parallel_loop3A_787 : i32
          %parallel_loop3A_789 = arith.index_cast %parallel_loop3A_788 : i32 to index
          %parallel_loop3A_790 = tpu.vector_load %arg8[%parallel_loop3A_789] {strides = array<i32>} : memref<81920xf32, #tpu.memory_space<vmem>>, vector<16xf32>,
          tpu.vector_store %arg8[%parallel_loop3A_789], %parallel_loop3A_720 {strides = array<i32>} : memref<81920xf32, #tpu.memory_space<vmem>>, vector<16xf32>,
          %parallel_loop3A_791 = arith.constant 0 : i32
          %parallel_loop3A_792 = arith.addi %parallel_loop3A_708, %parallel_loop3A_791 : i32
          %parallel_loop3A_793 = arith.constant 384 : i32
          %parallel_loop3A_794 = arith.addi %parallel_loop3A_792, %parallel_loop3A_793 : i32
          %parallel_loop3A_795 = arith.index_cast %parallel_loop3A_794 : i32 to index
          %parallel_loop3A_796 = tpu.vector_load %arg8[%parallel_loop3A_795] {strides = array<i32>} : memref<81920xf32, #tpu.memory_space<vmem>>, vector<16xf32>,
          tpu.vector_store %arg8[%parallel_loop3A_795], %parallel_loop3A_724 {strides = array<i32>} : memref<81920xf32, #tpu.memory_space<vmem>>, vector<16xf32>,
          %parallel_loop3A_797 = arith.constant 0 : i32
          %parallel_loop3A_798 = arith.addi %parallel_loop3A_708, %parallel_loop3A_797 : i32
          %parallel_loop3A_799 = arith.constant 512 : i32
          %parallel_loop3A_800 = arith.addi %parallel_loop3A_798, %parallel_loop3A_799 : i32
          %parallel_loop3A_801 = arith.index_cast %parallel_loop3A_800 : i32 to index
          %parallel_loop3A_802 = tpu.vector_load %arg8[%parallel_loop3A_801] {strides = array<i32>} : memref<81920xf32, #tpu.memory_space<vmem>>, vector<16xf32>,
          tpu.vector_store %arg8[%parallel_loop3A_801], %parallel_loop3A_728 {strides = array<i32>} : memref<81920xf32, #tpu.memory_space<vmem>>, vector<16xf32>,
          %parallel_loop3A_803 = arith.constant 0 : i32
          %parallel_loop3A_804 = arith.addi %parallel_loop3A_708, %parallel_loop3A_803 : i32
          %parallel_loop3A_805 = arith.constant 640 : i32
          %parallel_loop3A_806 = arith.addi %parallel_loop3A_804, %parallel_loop3A_805 : i32
          %parallel_loop3A_807 = arith.index_cast %parallel_loop3A_806 : i32 to index
          %parallel_loop3A_808 = tpu.vector_load %arg8[%parallel_loop3A_807] {strides = array<i32>} : memref<81920xf32, #tpu.memory_space<vmem>>, vector<16xf32>,
          tpu.vector_store %arg8[%parallel_loop3A_807], %parallel_loop3A_732 {strides = array<i32>} : memref<81920xf32, #tpu.memory_space<vmem>>, vector<16xf32>,
          %parallel_loop3A_809 = arith.constant 0 : i32
          %parallel_loop3A_810 = arith.addi %parallel_loop3A_708, %parallel_loop3A_809 : i32
          %parallel_loop3A_811 = arith.constant 768 : i32
          %parallel_loop3A_812 = arith.addi %parallel_loop3A_810, %parallel_loop3A_811 : i32
          %parallel_loop3A_813 = arith.index_cast %parallel_loop3A_812 : i32 to index
          %parallel_loop3A_814 = tpu.vector_load %arg8[%parallel_loop3A_813] {strides = array<i32>} : memref<81920xf32, #tpu.memory_space<vmem>>, vector<16xf32>,
          tpu.vector_store %arg8[%parallel_loop3A_813], %parallel_loop3A_736 {strides = array<i32>} : memref<81920xf32, #tpu.memory_space<vmem>>, vector<16xf32>,
          %parallel_loop3A_815 = arith.constant 0 : i32
          %parallel_loop3A_816 = arith.addi %parallel_loop3A_708, %parallel_loop3A_815 : i32
          %parallel_loop3A_817 = arith.constant 896 : i32
          %parallel_loop3A_818 = arith.addi %parallel_loop3A_816, %parallel_loop3A_817 : i32
          %parallel_loop3A_819 = arith.index_cast %parallel_loop3A_818 : i32 to index
          %parallel_loop3A_820 = tpu.vector_load %arg8[%parallel_loop3A_819] {strides = array<i32>} : memref<81920xf32, #tpu.memory_space<vmem>>, vector<16xf32>,
          tpu.vector_store %arg8[%parallel_loop3A_819], %parallel_loop3A_740 {strides = array<i32>} : memref<81920xf32, #tpu.memory_space<vmem>>, vector<16xf32>,
          %parallel_loop3A_821 = arith.constant 20480 : i32
          %parallel_loop3A_822 = arith.addi %parallel_loop3A_708, %parallel_loop3A_821 : i32
          %parallel_loop3A_823 = arith.constant 0 : i32
          %parallel_loop3A_824 = arith.addi %parallel_loop3A_822, %parallel_loop3A_823 : i32
          %parallel_loop3A_825 = arith.index_cast %parallel_loop3A_824 : i32 to index
          %parallel_loop3A_826 = tpu.vector_load %arg8[%parallel_loop3A_825] {strides = array<i32>} : memref<81920xf32, #tpu.memory_space<vmem>>, vector<16xf32>,
          tpu.vector_store %arg8[%parallel_loop3A_825], %parallel_loop3A_744 {strides = array<i32>} : memref<81920xf32, #tpu.memory_space<vmem>>, vector<16xf32>,
          %parallel_loop3A_827 = arith.constant 20480 : i32
          %parallel_loop3A_828 = arith.addi %parallel_loop3A_708, %parallel_loop3A_827 : i32
          %parallel_loop3A_829 = arith.constant 128 : i32
          %parallel_loop3A_830 = arith.addi %parallel_loop3A_828, %parallel_loop3A_829 : i32
          %parallel_loop3A_831 = arith.index_cast %parallel_loop3A_830 : i32 to index
          %parallel_loop3A_832 = tpu.vector_load %arg8[%parallel_loop3A_831] {strides = array<i32>} : memref<81920xf32, #tpu.memory_space<vmem>>, vector<16xf32>,
          tpu.vector_store %arg8[%parallel_loop3A_831], %parallel_loop3A_748 {strides = array<i32>} : memref<81920xf32, #tpu.memory_space<vmem>>, vector<16xf32>,
          %parallel_loop3A_833 = arith.constant 20480 : i32
          %parallel_loop3A_834 = arith.addi %parallel_loop3A_708, %parallel_loop3A_833 : i32
          %parallel_loop3A_835 = arith.constant 256 : i32
          %parallel_loop3A_836 = arith.addi %parallel_loop3A_834, %parallel_loop3A_835 : i32
          %parallel_loop3A_837 = arith.index_cast %parallel_loop3A_836 : i32 to index
          %parallel_loop3A_838 = tpu.vector_load %arg8[%parallel_loop3A_837] {strides = array<i32>} : memref<81920xf32, #tpu.memory_space<vmem>>, vector<16xf32>,
          tpu.vector_store %arg8[%parallel_loop3A_837], %parallel_loop3A_752 {strides = array<i32>} : memref<81920xf32, #tpu.memory_space<vmem>>, vector<16xf32>,
          %parallel_loop3A_839 = arith.constant 20480 : i32
          %parallel_loop3A_840 = arith.addi %parallel_loop3A_708, %parallel_loop3A_839 : i32
          %parallel_loop3A_841 = arith.constant 384 : i32
          %parallel_loop3A_842 = arith.addi %parallel_loop3A_840, %parallel_loop3A_841 : i32
          %parallel_loop3A_843 = arith.index_cast %parallel_loop3A_842 : i32 to index
          %parallel_loop3A_844 = tpu.vector_load %arg8[%parallel_loop3A_843] {strides = array<i32>} : memref<81920xf32, #tpu.memory_space<vmem>>, vector<16xf32>,
          tpu.vector_store %arg8[%parallel_loop3A_843], %parallel_loop3A_756 {strides = array<i32>} : memref<81920xf32, #tpu.memory_space<vmem>>, vector<16xf32>,
          %parallel_loop3A_845 = arith.constant 20480 : i32
          %parallel_loop3A_846 = arith.addi %parallel_loop3A_708, %parallel_loop3A_845 : i32
          %parallel_loop3A_847 = arith.constant 512 : i32
          %parallel_loop3A_848 = arith.addi %parallel_loop3A_846, %parallel_loop3A_847 : i32
          %parallel_loop3A_849 = arith.index_cast %parallel_loop3A_848 : i32 to index
          %parallel_loop3A_850 = tpu.vector_load %arg8[%parallel_loop3A_849] {strides = array<i32>} : memref<81920xf32, #tpu.memory_space<vmem>>, vector<16xf32>,
          tpu.vector_store %arg8[%parallel_loop3A_849], %parallel_loop3A_760 {strides = array<i32>} : memref<81920xf32, #tpu.memory_space<vmem>>, vector<16xf32>,
          %parallel_loop3A_851 = arith.constant 20480 : i32
          %parallel_loop3A_852 = arith.addi %parallel_loop3A_708, %parallel_loop3A_851 : i32
          %parallel_loop3A_853 = arith.constant 640 : i32
          %parallel_loop3A_854 = arith.addi %parallel_loop3A_852, %parallel_loop3A_853 : i32
          %parallel_loop3A_855 = arith.index_cast %parallel_loop3A_854 : i32 to index
          %parallel_loop3A_856 = tpu.vector_load %arg8[%parallel_loop3A_855] {strides = array<i32>} : memref<81920xf32, #tpu.memory_space<vmem>>, vector<16xf32>,
          tpu.vector_store %arg8[%parallel_loop3A_855], %parallel_loop3A_764 {strides = array<i32>} : memref<81920xf32, #tpu.memory_space<vmem>>, vector<16xf32>,
          %parallel_loop3A_857 = arith.constant 20480 : i32
          %parallel_loop3A_858 = arith.addi %parallel_loop3A_708, %parallel_loop3A_857 : i32
          %parallel_loop3A_859 = arith.constant 768 : i32
          %parallel_loop3A_860 = arith.addi %parallel_loop3A_858, %parallel_loop3A_859 : i32
          %parallel_loop3A_861 = arith.index_cast %parallel_loop3A_860 : i32 to index
          %parallel_loop3A_862 = tpu.vector_load %arg8[%parallel_loop3A_861] {strides = array<i32>} : memref<81920xf32, #tpu.memory_space<vmem>>, vector<16xf32>,
          tpu.vector_store %arg8[%parallel_loop3A_861], %parallel_loop3A_768 {strides = array<i32>} : memref<81920xf32, #tpu.memory_space<vmem>>, vector<16xf32>,
          %parallel_loop3A_863 = arith.constant 20480 : i32
          %parallel_loop3A_864 = arith.addi %parallel_loop3A_708, %parallel_loop3A_863 : i32
          %parallel_loop3A_865 = arith.constant 896 : i32
          %parallel_loop3A_866 = arith.addi %parallel_loop3A_864, %parallel_loop3A_865 : i32
          %parallel_loop3A_867 = arith.index_cast %parallel_loop3A_866 : i32 to index
          %parallel_loop3A_868 = tpu.vector_load %arg8[%parallel_loop3A_867] {strides = array<i32>} : memref<81920xf32, #tpu.memory_space<vmem>>, vector<16xf32>,
          tpu.vector_store %arg8[%parallel_loop3A_867], %parallel_loop3A_772 {strides = array<i32>} : memref<81920xf32, #tpu.memory_space<vmem>>, vector<16xf32>,
        } {sc.loop_unroll_factor = 4 : i64, sc.parallel_access}
        %mul3A_627 = arith.constant 32 : i32
        %mul3A_628 = arith.muli %add3A_605, %mul3A_627 : i32
        %add3A_629 = arith.addi %add3A, %mul3A_628 : i32
        %mul3A_630 = arith.constant 20 : i32
        %mul3A_631 = arith.muli %add3A_629, %mul3A_630 : i32
        %mul3A_632 = arith.constant 1024 : i32
        %mul3A_633 = arith.muli %mul3A_631, %mul3A_632 : i32
        %dma_start3A_634 = arith.constant 0 : i32
        %dma_start3A_635 = arith.constant 40960 : i32
        %dma_start3A_636 = tpu.memref_slice %arg8[%dma_start3A_635] : memref<81920xf32, #tpu.memory_space<vmem>> -> memref<20480xf32, #tpu.memory_space<vmem>>
        %dma_start3A_637 = tpu.memref_slice %arg4[%dma_start3A_634, %mul3A_633] : memref<2x25600000xf32, #tpu.memory_space<hbm>> -> memref<1x20480xf32, #tpu.memory_space<hbm>>
        %dma_start3A_638 = tpu.memref_squeeze %dma_start3A_637 : memref<1x20480xf32, #tpu.memory_space<hbm>> -> memref<20480xf32, #tpu.memory_space<hbm>>
        %dma_start3A_639 = tpu.memref_slice %arg4[%dma_start3A_634, %mul3A_633] : memref<2x25600000xf32, #tpu.memory_space<hbm>> -> memref<1x20480xf32, #tpu.memory_space<hbm>>
        %dma_start3A_640 = tpu.memref_squeeze %dma_start3A_639 : memref<1x20480xf32, #tpu.memory_space<hbm>> -> memref<20480xf32, #tpu.memory_space<hbm>>
        %dma_start3A_641 = arith.constant 40960 : i32
        %dma_start3A_642 = tpu.memref_slice %arg8[%dma_start3A_641] : memref<81920xf32, #tpu.memory_space<vmem>> -> memref<20480xf32, #tpu.memory_space<vmem>>
        tpu.enqueue_dma source(%dma_start3A_642 : memref<20480xf32, #tpu.memory_space<vmem>>) target(%dma_start3A_640 : memref<20480xf32, #tpu.memory_space<hbm>>) target_semaphore(%arg12 : memref<!tpu.dma_semaphore, #tpu.memory_space<semaphore_mem>>)
        %mul3A_643 = arith.constant 32 : i32
        %mul3A_644 = arith.muli %add3A_605, %mul3A_643 : i32
        %add3A_645 = arith.addi %add3A, %mul3A_644 : i32
        %mul3A_646 = arith.constant 20 : i32
        %mul3A_647 = arith.muli %add3A_645, %mul3A_646 : i32
        %mul3A_648 = arith.constant 1024 : i32
        %mul3A_649 = arith.muli %mul3A_647, %mul3A_648 : i32
        %dma_start3A_650 = arith.constant 1 : i32
        %dma_start3A_651 = arith.constant 61440 : i32
        %dma_start3A_652 = tpu.memref_slice %arg8[%dma_start3A_651] : memref<81920xf32, #tpu.memory_space<vmem>> -> memref<20480xf32, #tpu.memory_space<vmem>>
        %dma_start3A_653 = tpu.memref_slice %arg4[%dma_start3A_650, %mul3A_649] : memref<2x25600000xf32, #tpu.memory_space<hbm>> -> memref<1x20480xf32, #tpu.memory_space<hbm>>
        %dma_start3A_654 = tpu.memref_squeeze %dma_start3A_653 : memref<1x20480xf32, #tpu.memory_space<hbm>> -> memref<20480xf32, #tpu.memory_space<hbm>>
        %dma_start3A_655 = tpu.memref_slice %arg4[%dma_start3A_650, %mul3A_649] : memref<2x25600000xf32, #tpu.memory_space<hbm>> -> memref<1x20480xf32, #tpu.memory_space<hbm>>
        %dma_start3A_656 = tpu.memref_squeeze %dma_start3A_655 : memref<1x20480xf32, #tpu.memory_space<hbm>> -> memref<20480xf32, #tpu.memory_space<hbm>>
        %dma_start3A_657 = arith.constant 61440 : i32
        %dma_start3A_658 = tpu.memref_slice %arg8[%dma_start3A_657] : memref<81920xf32, #tpu.memory_space<vmem>> -> memref<20480xf32, #tpu.memory_space<vmem>>
        tpu.enqueue_dma source(%dma_start3A_658 : memref<20480xf32, #tpu.memory_space<vmem>>) target(%dma_start3A_656 : memref<20480xf32, #tpu.memory_space<hbm>>) target_semaphore(%arg12 : memref<!tpu.dma_semaphore, #tpu.memory_space<semaphore_mem>>)
        %add3A_659 = arith.constant 2 : i32
        %add3A_660 = arith.addi %add3A_605, %add3A_659 : i32
        %lt3A_661 = arith.cmpi slt, %add3A_660, %select_n3A : i32
        %convert_element_type3A_662 = arith.extui %lt3A_661 : i1 to i32
        %cond3A_663 = arith.constant 0 : i32
        %cond3A_664 = arith.cmpi ne, %convert_element_type3A_662, %cond3A_663 : i32
        scf.if %cond3A_664 {
          %add3A_665 = arith.constant 2 : i32
          %add3A_666 = arith.addi %add3A_605, %add3A_665 : i32
          %mul3A_667 = arith.constant 32 : i32
          %mul3A_668 = arith.muli %add3A_666, %mul3A_667 : i32
          %add3A_669 = arith.addi %add3A, %mul3A_668 : i32
          %mul3A_670 = arith.constant 2560 : i32
          %mul3A_671 = arith.muli %add3A_669, %mul3A_670 : i32
          %dma_start3A_672 = arith.constant 2560 : i32
          %dma_start3A_673 = tpu.memref_slice %arg7[%dma_start3A_672] : memref<5120xi32, #tpu.memory_space<vmem>> -> memref<2560xi32, #tpu.memory_space<vmem>>
          %dma_start3A_674 = tpu.memref_slice %arg2[%mul3A_671] : memref<3200000xi32, #tpu.memory_space<hbm>> -> memref<2560xi32, #tpu.memory_space<hbm>>
          %dma_start3A_675 = arith.constant 2560 : i32
          %dma_start3A_676 = tpu.memref_slice %arg7[%dma_start3A_675] : memref<5120xi32, #tpu.memory_space<vmem>> -> memref<2560xi32, #tpu.memory_space<vmem>>
          %dma_start3A_677 = tpu.memref_slice %arg2[%mul3A_671] : memref<3200000xi32, #tpu.memory_space<hbm>> -> memref<2560xi32, #tpu.memory_space<hbm>>
          tpu.enqueue_dma source(%dma_start3A_677 : memref<2560xi32, #tpu.memory_space<hbm>>) target(%dma_start3A_676 : memref<2560xi32, #tpu.memory_space<vmem>>) target_semaphore(%arg10 : memref<!tpu.dma_semaphore, #tpu.memory_space<semaphore_mem>>)
        } else {
        }
      } else {
      }
    }
    %scan3A_485 = arith.constant 20 : i32
    %sub3A_486 = arith.constant 1 : i32
    %sub3A_487 = arith.subi %select_n3A, %sub3A_486 : i32
    %sub3A_488 = arith.constant 1 : i32
    %sub3A_489 = arith.subi %select_n3A, %sub3A_488 : i32
    %add3A_490 = arith.constant 0 : i32
    %add3A_491 = arith.addi %sub3A_489, %add3A_490 : i32
    %jit3A_492 = arith.constant 2 : i32
    %eq3A = arith.constant 0 : i32
    %eq3A_493 = arith.cmpi eq, %jit3A_492, %eq3A : i32
    %jit3A_494 = arith.constant 1 : i32
    %select_n3A_495 = arith.select %eq3A_493, %jit3A_494, %jit3A_492 : i32
    %rem3A_496 = arith.remsi %add3A_491, %select_n3A_495 : i32
    %ne3A_497 = arith.constant 0 : i32
    %ne3A_498 = arith.cmpi ne, %rem3A_496, %ne3A_497 : i32
    %lt3A = arith.constant 0 : i32
    %lt3A_499 = arith.cmpi slt, %rem3A_496, %lt3A : i32
    %lt3A_500 = arith.constant 0 : i32
    %lt3A_501 = arith.cmpi slt, %select_n3A_495, %lt3A_500 : i32
    %ne3A_502 = arith.xori %lt3A_499, %lt3A_501 : i1
    %and3A_503 = arith.andi %ne3A_502, %ne3A_498 : i1
    %add3A_504 = arith.addi %rem3A_496, %select_n3A_495 : i32
    %select_n3A_505 = arith.select %and3A_503, %add3A_504, %rem3A_496 : i32
    %sub3A_506 = arith.subi %sub3A_487, %select_n3A_505 : i32
    %mul3A_507 = arith.constant 32 : i32
    %mul3A_508 = arith.muli %sub3A_506, %mul3A_507 : i32
    %add3A_509 = arith.addi %add3A, %mul3A_508 : i32
    %mul3A_510 = arith.constant 20 : i32
    %mul3A_511 = arith.muli %add3A_509, %mul3A_510 : i32
    %mul3A_512 = arith.constant 1024 : i32
    %mul3A_513 = arith.muli %mul3A_511, %mul3A_512 : i32
    %dma_wait3A = arith.constant 0 : i32
    %dma_wait3A_514 = arith.constant 0 : i32
    %dma_wait3A_515 = tpu.memref_slice %arg8[%dma_wait3A_514] : memref<81920xf32, #tpu.memory_space<vmem>> -> memref<20480xf32, #tpu.memory_space<vmem>>
    %dma_wait3A_516 = tpu.memref_slice %arg4[%dma_wait3A, %mul3A_513] : memref<2x25600000xf32, #tpu.memory_space<hbm>> -> memref<1x20480xf32, #tpu.memory_space<hbm>>
    %dma_wait3A_517 = tpu.memref_squeeze %dma_wait3A_516 : memref<1x20480xf32, #tpu.memory_space<hbm>> -> memref<20480xf32, #tpu.memory_space<hbm>>
    %dma_wait3A_518 = tpu.memref_slice %arg4[%dma_wait3A, %mul3A_513] : memref<2x25600000xf32, #tpu.memory_space<hbm>> -> memref<1x20480xf32, #tpu.memory_space<hbm>>
    %dma_wait3A_519 = tpu.memref_squeeze %dma_wait3A_518 : memref<1x20480xf32, #tpu.memory_space<hbm>> -> memref<20480xf32, #tpu.memory_space<hbm>>
    %dma_wait3A_520 = arith.constant 0 : i32
    %dma_wait3A_521 = tpu.memref_slice %arg8[%dma_wait3A_520] : memref<81920xf32, #tpu.memory_space<vmem>> -> memref<20480xf32, #tpu.memory_space<vmem>>
    tpu.wait_dma2 semaphore(%arg11 : memref<!tpu.dma_semaphore, #tpu.memory_space<semaphore_mem>>) src(%dma_wait3A_521 : memref<20480xf32, #tpu.memory_space<vmem>>) dst(%dma_wait3A_519 : memref<20480xf32, #tpu.memory_space<hbm>>)
    %mul3A_522 = arith.constant 32 : i32
    %mul3A_523 = arith.muli %sub3A_506, %mul3A_522 : i32
    %add3A_524 = arith.addi %add3A, %mul3A_523 : i32
    %mul3A_525 = arith.constant 20 : i32
    %mul3A_526 = arith.muli %add3A_524, %mul3A_525 : i32
    %mul3A_527 = arith.constant 1024 : i32
    %mul3A_528 = arith.muli %mul3A_526, %mul3A_527 : i32
    %dma_wait3A_529 = arith.constant 1 : i32
    %dma_wait3A_530 = arith.constant 20480 : i32
    %dma_wait3A_531 = tpu.memref_slice %arg8[%dma_wait3A_530] : memref<81920xf32, #tpu.memory_space<vmem>> -> memref<20480xf32, #tpu.memory_space<vmem>>
    %dma_wait3A_532 = tpu.memref_slice %arg4[%dma_wait3A_529, %mul3A_528] : memref<2x25600000xf32, #tpu.memory_space<hbm>> -> memref<1x20480xf32, #tpu.memory_space<hbm>>
    %dma_wait3A_533 = tpu.memref_squeeze %dma_wait3A_532 : memref<1x20480xf32, #tpu.memory_space<hbm>> -> memref<20480xf32, #tpu.memory_space<hbm>>
    %dma_wait3A_534 = tpu.memref_slice %arg4[%dma_wait3A_529, %mul3A_528] : memref<2x25600000xf32, #tpu.memory_space<hbm>> -> memref<1x20480xf32, #tpu.memory_space<hbm>>
    %dma_wait3A_535 = tpu.memref_squeeze %dma_wait3A_534 : memref<1x20480xf32, #tpu.memory_space<hbm>> -> memref<20480xf32, #tpu.memory_space<hbm>>
    %dma_wait3A_536 = arith.constant 20480 : i32
    %dma_wait3A_537 = tpu.memref_slice %arg8[%dma_wait3A_536] : memref<81920xf32, #tpu.memory_space<vmem>> -> memref<20480xf32, #tpu.memory_space<vmem>>
    tpu.wait_dma2 semaphore(%arg11 : memref<!tpu.dma_semaphore, #tpu.memory_space<semaphore_mem>>) src(%dma_wait3A_537 : memref<20480xf32, #tpu.memory_space<vmem>>) dst(%dma_wait3A_535 : memref<20480xf32, #tpu.memory_space<hbm>>)
    %sub3A_538 = arith.constant 1 : i32
    %sub3A_539 = arith.subi %select_n3A, %sub3A_538 : i32
    %sub3A_540 = arith.constant 1 : i32
    %sub3A_541 = arith.subi %select_n3A, %sub3A_540 : i32
    %add3A_542 = arith.constant 1 : i32
    %add3A_543 = arith.addi %sub3A_541, %add3A_542 : i32
    %jit3A_544 = arith.constant 2 : i32
    %eq3A_545 = arith.constant 0 : i32
    %eq3A_546 = arith.cmpi eq, %jit3A_544, %eq3A_545 : i32
    %jit3A_547 = arith.constant 1 : i32
    %select_n3A_548 = arith.select %eq3A_546, %jit3A_547, %jit3A_544 : i32
    %rem3A_549 = arith.remsi %add3A_543, %select_n3A_548 : i32
    %ne3A_550 = arith.constant 0 : i32
    %ne3A_551 = arith.cmpi ne, %rem3A_549, %ne3A_550 : i32
    %lt3A_552 = arith.constant 0 : i32
    %lt3A_553 = arith.cmpi slt, %rem3A_549, %lt3A_552 : i32
    %lt3A_554 = arith.constant 0 : i32
    %lt3A_555 = arith.cmpi slt, %select_n3A_548, %lt3A_554 : i32
    %ne3A_556 = arith.xori %lt3A_553, %lt3A_555 : i1
    %and3A_557 = arith.andi %ne3A_556, %ne3A_551 : i1
    %add3A_558 = arith.addi %rem3A_549, %select_n3A_548 : i32
    %select_n3A_559 = arith.select %and3A_557, %add3A_558, %rem3A_549 : i32
    %sub3A_560 = arith.subi %sub3A_539, %select_n3A_559 : i32
    %mul3A_561 = arith.constant 32 : i32
    %mul3A_562 = arith.muli %sub3A_560, %mul3A_561 : i32
    %add3A_563 = arith.addi %add3A, %mul3A_562 : i32
    %mul3A_564 = arith.constant 20 : i32
    %mul3A_565 = arith.muli %add3A_563, %mul3A_564 : i32
    %mul3A_566 = arith.constant 1024 : i32
    %mul3A_567 = arith.muli %mul3A_565, %mul3A_566 : i32
    %dma_wait3A_568 = arith.constant 0 : i32
    %dma_wait3A_569 = arith.constant 40960 : i32
    %dma_wait3A_570 = tpu.memref_slice %arg8[%dma_wait3A_569] : memref<81920xf32, #tpu.memory_space<vmem>> -> memref<20480xf32, #tpu.memory_space<vmem>>
    %dma_wait3A_571 = tpu.memref_slice %arg4[%dma_wait3A_568, %mul3A_567] : memref<2x25600000xf32, #tpu.memory_space<hbm>> -> memref<1x20480xf32, #tpu.memory_space<hbm>>
    %dma_wait3A_572 = tpu.memref_squeeze %dma_wait3A_571 : memref<1x20480xf32, #tpu.memory_space<hbm>> -> memref<20480xf32, #tpu.memory_space<hbm>>
    %dma_wait3A_573 = tpu.memref_slice %arg4[%dma_wait3A_568, %mul3A_567] : memref<2x25600000xf32, #tpu.memory_space<hbm>> -> memref<1x20480xf32, #tpu.memory_space<hbm>>
    %dma_wait3A_574 = tpu.memref_squeeze %dma_wait3A_573 : memref<1x20480xf32, #tpu.memory_space<hbm>> -> memref<20480xf32, #tpu.memory_space<hbm>>
    %dma_wait3A_575 = arith.constant 40960 : i32
    %dma_wait3A_576 = tpu.memref_slice %arg8[%dma_wait3A_575] : memref<81920xf32, #tpu.memory_space<vmem>> -> memref<20480xf32, #tpu.memory_space<vmem>>
    tpu.wait_dma2 semaphore(%arg12 : memref<!tpu.dma_semaphore, #tpu.memory_space<semaphore_mem>>) src(%dma_wait3A_576 : memref<20480xf32, #tpu.memory_space<vmem>>) dst(%dma_wait3A_574 : memref<20480xf32, #tpu.memory_space<hbm>>)
    %mul3A_577 = arith.constant 32 : i32
    %mul3A_578 = arith.muli %sub3A_560, %mul3A_577 : i32
    %add3A_579 = arith.addi %add3A, %mul3A_578 : i32
    %mul3A_580 = arith.constant 20 : i32
    %mul3A_581 = arith.muli %add3A_579, %mul3A_580 : i32
    %mul3A_582 = arith.constant 1024 : i32
    %mul3A_583 = arith.muli %mul3A_581, %mul3A_582 : i32
    %dma_wait3A_584 = arith.constant 1 : i32
    %dma_wait3A_585 = arith.constant 61440 : i32
    %dma_wait3A_586 = tpu.memref_slice %arg8[%dma_wait3A_585] : memref<81920xf32, #tpu.memory_space<vmem>> -> memref<20480xf32, #tpu.memory_space<vmem>>
    %dma_wait3A_587 = tpu.memref_slice %arg4[%dma_wait3A_584, %mul3A_583] : memref<2x25600000xf32, #tpu.memory_space<hbm>> -> memref<1x20480xf32, #tpu.memory_space<hbm>>
    %dma_wait3A_588 = tpu.memref_squeeze %dma_wait3A_587 : memref<1x20480xf32, #tpu.memory_space<hbm>> -> memref<20480xf32, #tpu.memory_space<hbm>>
    %dma_wait3A_589 = tpu.memref_slice %arg4[%dma_wait3A_584, %mul3A_583] : memref<2x25600000xf32, #tpu.memory_space<hbm>> -> memref<1x20480xf32, #tpu.memory_space<hbm>>
    %dma_wait3A_590 = tpu.memref_squeeze %dma_wait3A_589 : memref<1x20480xf32, #tpu.memory_space<hbm>> -> memref<20480xf32, #tpu.memory_space<hbm>>
    %dma_wait3A_591 = arith.constant 61440 : i32
    %dma_wait3A_592 = tpu.memref_slice %arg8[%dma_wait3A_591] : memref<81920xf32, #tpu.memory_space<vmem>> -> memref<20480xf32, #tpu.memory_space<vmem>>
    tpu.wait_dma2 semaphore(%arg12 : memref<!tpu.dma_semaphore, #tpu.memory_space<semaphore_mem>>) src(%dma_wait3A_592 : memref<20480xf32, #tpu.memory_space<vmem>>) dst(%dma_wait3A_590 : memref<20480xf32, #tpu.memory_space<hbm>>)
    return
  }
}

</mosaic_0001>

<sc_bundles>
// kernel: kernel.3.cloned.1.call-start
scs
__scs_entry_jumppad:
0x0: {  	(pc) =	sbr.rel $0x88, $3  }
0x1: {  	(tag) =	ssettag $0x0;
	lr =	simm.s32 $0x1  }
0x2: {  	[smem:$0x3F9D] =	sst lr;
	_ =	strace $0xD0000000  }
0x3: {  	_ = 	snop  }
0x4: {  	_ = 	snop  }
0x5: {  	_ = 	snop  }
0x6: {  	_ = 	snop  }
0x7: {  	_ = 	snop  }
__scs_overlays_trampoline_lowered:
0x8: {  	[smem:$0x3FAC] =	sst s0  }
0x9: {  	[smem:$0x3FAD] =	sst s1  }
0xa: {  	[smem:$0x3FAE] =	sst s2  }
0xb: {  	[smem:$0x3FAF] =	sst s3  }
0xc: {  	[smem:$0x3FB0] =	sst s4  }
0xd: {  	[smem:$0x3FB1] =	sst s5  }
0xe: {  	[smem:$0x3FB2] =	sst s6  }
0xf: {  	[smem:$0x3FB3] =	sst s7  }
0x10: {  	[smem:$0x3FB4] =	sst s8  }
0x11: {  	[smem:$0x3FB5] =	sst s9;
	s0 =	simm.s32 @!p0 $0x0  }
0x12: {  	s1 =	sld [smem:$0x3F9B];
	s0 =	simm.s32 @p0 $0x1  }
0x13: {  	[smem:$0x3FB6] =	sst s0;
	s0 =	simm.s32 @!p1 $0x0  }
0x14: {  	s2 =	sld [smem:$0x3F9A];
	s0 =	simm.s32 @p1 $0x1  }
0x15: {  	[smem:$0x3FB7] =	sst s0;
	s0 =	simm.s32 @!p2 $0x0  }
0x16: {  	s3 =	sld [smem:$0x3FDB];
	s0 =	simm.s32 @p2 $0x1  }
0x17: {  	s4 =	simm.s32 $0x1BF5;
	[smem:$0x3FB9] =	sst s0  }
0x18: {  	s0 =	sld [smem:$0x3F9C];
	_ =	swait.ge [sflag:s4], $0x0  }
0x19: {  	s7 =	sld [smem:$0x3F9D]  }
0x1a: {  	s8 =	sadd.s32 $0xFFFFE003, lr  }
0x1b: {  	s9 =	sadd.s32 $0xFFFFFEF7, lr;
	s5 =	simm.s32 $0xFFFFFFFF;
	p2 =	slt.u32 s8, $0xFFFFF086  }
0x1c: {  	p1 =	slt.u32 s9, $0xF7A;
	s5 =	simm.s32 @!p2 $0x0  }
0x1d: {  	s5 =	simm.s32 @p1 $0x1;
	p0 =	seq.s32 s7, s2  }
0x1e: {  	s7 =	smul.u32 @!p0 $0xF7A, s2;
	p2 =	seq.s32 @!p0 s5, $0x0  }
0x1f: {  	s9 =	smul.u32 $0xF7A, s1;
	s8 =	simm.s32 @!p0 $0x1BF5;
	p2 =	por !p2, p0  }
0x20: {  	[sflag:s8] =	ssyncset.s32 @!p0 $0xFFFFF086;
	s6 =	sadd.s32 @!p0 s3, s7;
	s7 =	simm.s32 @!p0 $0x108  }
0x21: {  	s3 =	sadd.s32 s3, s9;
	s6 =	sadd.s32 @!p0 $0x88, s6;
	s7 =	simm.s32 @p2 $0x1082  }
0x22: {  	[simem:s7], [sflag:s8] =	dma.local @!p0 [hbm:s6], $0xF7A  }
0x23: {  	s9 =	sor.u32 $0xD0000000, s2;
	s6 =	simm.s32 $0x108;
	_ =	swait.ge @!p0 [sflag:s8], $0x0  }
0x24: {  	s3 =	sadd.s32 $0x88, s3;
	s6 =	simm.s32 @!p1 $0x1082;
	[sflag:s4] =	ssyncset.s32 $0xFFFFF086  }
0x25: {  	[simem:s6], [sflag:s4] =	dma.local [hbm:s3], $0xF7A  }
0x26: {  	[smem:$0x3F9D] =	sst s1;
	(tag) =	ssettag s2;
	_ =	strace s9  }
0x27: {  	s1 =	sld [smem:$0x3FAD]  }
0x28: {  	s2 =	sld [smem:$0x3FAE]  }
0x29: {  	s4 =	sld [smem:$0x3FB0]  }
0x2a: {  	p0 =	seq.s32 s5, $0x0;
	s5 =	sld [smem:$0x3FB1]  }
0x2b: {  	s6 =	sld [smem:$0x3FB2]  }
0x2c: {  	s7 =	sld [smem:$0x3FB3]  }
0x2d: {  	s3 =	simm.s32 $0x108;
	s8 =	sld [smem:$0x3FB4]  }
0x2e: {  	s3 =	simm.s32 @!p0 $0x1082;
	s9 =	sld [smem:$0x3FB5]  }
0x2f: {  	lr =	sadd.s32 s0, s3;
	s0 =	sld [smem:$0x3FAC]  }
0x30: {  	s3 =	sld [smem:$0x3FAF]  }
0x31: {  	[smem:$0x3FB8] =	sst s10  }
0x32: {  	s10 =	sld [smem:$0x3FB6];
	_ =	sdelay $0x3  }
0x33: {  	p0 =	seq.s32 s10, $0x1;
	s10 =	sld [smem:$0x3FB8];
	_ =	sdelay $0x3  }
0x34: {  	[smem:$0x3FB8] =	sst s10  }
0x35: {  	s10 =	sld [smem:$0x3FB7];
	_ =	sdelay $0x3  }
0x36: {  	p1 =	seq.s32 s10, $0x1;
	s10 =	sld [smem:$0x3FB8];
	_ =	sdelay $0x3  }
0x37: {  	[smem:$0x3FB8] =	sst s10  }
0x38: {  	s10 =	sld [smem:$0x3FB9]  }
0x39: {  	_ = 	snop;
	(pc) =	sbr.ind lr, $3  }
0x3a: {  	_ = 	snop  }
0x3b: {  	_ = 	snop  }
0x3c: {  	p2 =	seq.s32 s10, $0x1;
	s10 =	sld [smem:$0x3FB8]  }
0x3d: {  	_ =	shalt  }
0x3e: {  	_ =	shalt  }
0x3f: {  	_ =	shalt  }
0x40: {  	_ =	shalt  }
0x41: {  	_ =	shalt  }
0x42: {  	_ =	shalt  }
0x43: {  	_ =	shalt  }
0x44: {  	_ =	shalt  }
0x45: {  	_ =	shalt  }
0x46: {  	_ =	shalt  }
0x47: {  	_ =	shalt  }
0x48: {  	_ =	shalt  }
0x49: {  	_ =	shalt  }
0x4a: {  	_ =	shalt  }
0x4b: {  	_ =	shalt  }
0x4c: {  	_ =	shalt  }
0x4d: {  	_ =	shalt  }
0x4e: {  	_ =	shalt  }
0x4f: {  	_ =	shalt  }
0x50: {  	_ =	shalt  }
0x51: {  	_ =	shalt  }
0x52: {  	_ =	shalt  }
0x53: {  	_ =	shalt  }
0x54: {  	_ =	shalt  }
0x55: {  	_ =	shalt  }
0x56: {  	_ =	shalt  }
0x57: {  	_ =	shalt  }
0x58: {  	_ =	shalt  }
0x59: {  	_ =	shalt  }
0x5a: {  	_ =	shalt  }
0x5b: {  	_ =	shalt  }
0x5c: {  	_ =	shalt  }
0x5d: {  	_ =	shalt  }
0x5e: {  	_ =	shalt  }
0x5f: {  	_ =	shalt  }
0x60: {  	_ =	shalt  }
0x61: {  	_ =	shalt  }
0x62: {  	_ =	shalt  }
0x63: {  	_ =	shalt  }
0x64: {  	_ =	shalt  }
0x65: {  	_ =	shalt  }
0x66: {  	_ =	shalt  }
0x67: {  	_ =	shalt  }
0x68: {  	_ =	shalt  }
0x69: {  	_ =	shalt  }
0x6a: {  	_ =	shalt  }
0x6b: {  	_ =	shalt  }
0x6c: {  	_ =	shalt  }
0x6d: {  	_ =	shalt  }
0x6e: {  	_ =	shalt  }
0x6f: {  	_ =	shalt  }
0x70: {  	_ =	shalt  }
0x71: {  	_ =	shalt  }
0x72: {  	_ =	shalt  }
0x73: {  	_ =	shalt  }
0x74: {  	_ =	shalt  }
0x75: {  	_ =	shalt  }
0x76: {  	_ =	shalt  }
0x77: {  	_ =	shalt  }
0x78: {  	_ =	shalt  }
0x79: {  	_ =	shalt  }
0x7a: {  	_ =	shalt  }
0x7b: {  	_ =	shalt  }
0x7c: {  	_ =	shalt  }
0x7d: {  	_ =	shalt  }
0x7e: {  	_ =	shalt  }
0x7f: {  	_ =	shalt  }
0x80: {  	_ =	shalt  }
0x81: {  	_ =	shalt  }
0x82: {  	_ =	shalt  }
0x83: {  	_ =	shalt  }
0x84: {  	_ =	shalt  }
0x85: {  	_ =	shalt  }
0x86: {  	_ =	shalt  }
0x87: {  	_ =	shalt  }
.Lfunc_end0:
.L_simem_size_0:
called_computation_lowered:
.L_overlay_start_0:
0x88: {  	s2 =	sld [smem:$0x3FD9]  }
0x89: {  	s3 =	sld [smem:$0x3FFE];
	_ =	sdelay $0x1  }
0x8a: {  	s1 =	srdreg.scid  }
0x8b: {  	s0 =	sand.u32 $0x1, s1  }
0x8c: {  	s17 =	sshll.u32 s0, $0xA;
	s2 =	sadd.s32 s3, s2  }
0x8d: {  	s2 =	sadd.s32 s2, s17  }
0x8e: {  	[smem:$0x3FC4] =	sst s2  }
0x8f: {  	_ = 	snop  }
0x90: {  	s2 =	sld [smem:$0x3FD0];
	(tm) =	ssettm $0x1  }
0x91: {  	s18 =	sld [smem:$0x3FFB];
	_ =	sdelay $0x3  }
0x92: {  	_ =	strace s18  }
0x93: {  	s3 =	sld [smem:$0x3FFC];
	_ =	sdelay $0x3  }
0x94: {  	_ =	strace s3  }
0x95: {  	s3 =	sld [smem:$0x3FFD];
	_ =	sdelay $0x3  }
0x96: {  	_ =	strace s3  }
0x97: {  	_ =	strace $0x8FFFFFFF  }
0x98: {  	s19 =	sld [smem:$0x3FDB];
	_ =	sdelay $0x1  }
0x99: {  	s4 =	simm.s32 $_scs_section_size  }
0x9a: {  	s5 =	simm.s32 $_size__tile_overlayer_lowered;
	s6 =	simm.s32 $_tile_overlayer_lowered  }
0x9b: {  	s22 =	simm.s32 $0x1BFF;
	s21 =	sshll.u32 s6, $0x1;
	s3 =	sadd.s32 s4, s19  }
0x9c: {  	s7 =	simm.s32 $0x0;
	s20 =	sshll.u32 s5, $0x1;
	s5 =	sadd.s32 s21, s3  }
0x9d: {  	[timem:s7], [sflag:s22] =	dma.local [hbm:s5], s20  }
0x9e: {  	_ =	swait.ge [sflag:s22], s20  }
0x9f: {  	s4 =	ssub.s32 $0x0, s20;
	[sflag:s22] =	ssyncset.done $0x0  }
0xa0: {  	[sflag:s22] =	ssyncadd.s32 s4;
	_ =	sdelay $0x1  }
0xa1: {  	s23 =	simm.s32 $0x1B8B  }
0xa2: {  	_ =	swait.ge [sflag:s23], $0x1  }
0xa3: {  	[sflag:s23] =	ssyncset.done $0x0  }
0xa4: {  	s25 =	simm.s32 $0x1B8E;
	s24 =	sld [smem:$0x3FFE];
	[sflag:s23] =	ssyncadd.s32 $0xFFFFFFFF  }
0xa5: {  	s26 =	simm.s32 $execute0_lowered;
	[smem:$0x3FD2] =	sst s25  }
0xa6: {  	s5 =	sshll.u32 s26, $0x1;
	_ =	strace $0x80000046;
	[dreg:$0x1] =	wrdreg $0xFFFFFFFF  }
0xa7: {  	s28 =	simm.s32 $_size_execute0_lowered;
	s3 =	sadd.s32 s3, s5;
	[dreg:$0x0] =	wrdreg $0x0  }
0xa8: {  	s5 =	sshll.u32 s28, $0x1;
	[dreg:$0x2] =	wrdreg s3  }
0xa9: {  	[dreg:$0x3] =	wrdreg s5  }
0xaa: {  	[dreg:$0x4] =	wrdreg $0xC0  }
0xab: {  	_ =	task [dreg:s7], $0x5FFFF  }
0xac: {  	[dreg:$0x1] =	wrdreg $0xFFFFFFFF  }
0xad: {  	[dreg:$0x0] =	wrdreg $0x60  }
0xae: {  	[dreg:$0x2] =	wrdreg s24  }
0xaf: {  	[dreg:$0x3] =	wrdreg s2  }
0xb0: {  	[dreg:$0x4] =	wrdreg $0x9  }
0xb1: {  	_ =	task.clear_ibuf [dreg:s7], $0x5FFFF;
	_ =	strace $0x90000046  }
0xb2: {  	s29 =	simm.s32 $0x9;
	_ =	strace $0x80000048  }
0xb3: {  	_ =	swait.ge [sflag:s29], $0x1  }
0xb4: {  	[sflag:s29] =	ssyncadd.s32 $0xFFFFFFFF  }
0xb5: {  	_ =	strace $0x90000048  }
0xb6: {  	_ =	sfence  }
0xb7: {  	s30 =	sld [smem:$0x0];
	_ =	sdelay $0x2  }
0xb8: {  	s31 =	sshll.u32 s1, $0xD;
	s1 =	sshrl.u32 s1, $0x2  }
0xb9: {  	s3 =	sand.u32 $0x4000, s31;
	s1 =	sadd.s32 s1, s30  }
0xba: {  	s0 =	sor.u32 s3, s0;
	s1 =	sshll.u32 s1, $0x11  }
0xbb: {  	s0 =	sor.u32 s1, s0  }
0xbc: {  	s0 =	sadd.s32 $0x8F2B, s0  }
0xbd: {  	[sflag:s0] =	ssyncadd.remote.s32 $0x1  }
0xbe: {  	_ =	sfence.sel $0xFFFF  }
0xbf: {  	[dreg:$0x0] =	wrdreg $0xFFFFFFFF;
	(pc) =	sbr.abs _section_cstart, $3  }
0xc0: {  	[dreg:$0x1] =	wrdreg $0xFFFFFFFF  }
0xc1: {  	_ =	task.clear_ibuf [dreg:s7], $0x2FFFF;
	_ =	strace $0x9FFFFFFF  }
0xc2: {  	(tm) =	ssettm $0x7FFFFFFF  }
0xc3: {  	_ =	shalt  }
tec
execute0_lowered:
.L_overlay_start_1:
0x0: {  	(tag) =	ssettag $0x1  }
0x1: {  	s0 =	rddreg [dreg:$0x0]  }
0x2: {  	s2 =	rddreg [dreg:$0x1];
	s3 =	simm.s32 $0x0  }
0x3: {  	s1 =	srdreg.scid;
	s4 =	stileid.u32;
	s14 =	simm.s32 $0x1  }
0x4: {  	s15 =	simm.s32 $0xD0;
	s16 =	simm.s32 $0x18D0;
	s17 =	simm.s32 $0x68D0  }
0x5: {  	s18 =	simm.s32 $0x2;
	s19 =	simm.s32 $0xB8D0;
	s20 =	simm.s32 $0x108D0  }
0x6: {  	s21 =	simm.s32 $0x3;
	s1 =	sand.u32 $0x1, s1;
	s4 =	sshll.u32 s4, $0x1  }
0x7: {  	s22 =	simm.s32 $0x4;
	[smem:$0x7FF] =	sst s3;
	s4 =	sor.u32 s1, s4  }
0x8: {  	s5 =	sadd.s32 $0x400, s0;
	s0 =	sadd.s32 $0x62000, s0;
	s6 =	smul.u32 $0xA00, s4  }
0x9: {  	_ =	strace $0x80000047;
	s1 =	ssub.s32 $0x2, s1;
	s8 =	smul.u32 $0x140, s4  }
.Ltmp0:
0xa: {  	[dreg:$0x3] =	wrdreg s0;
	s28 =	sshrl.u32 s1, $0x1;
	(pc) =	sbr.rel .LBB2_1-.Ltmp0, $4  }
0xb: {  	s0 =	ssub.s32 s1, s28;
	s6 =	sshrl.u32 s6, $0x3;
	s30 =	sadd.s32 s5, s8  }
0xc: {  	s0 =	smax.u32 s0, $0x1;
	[dreg:$0x4] =	wrdreg s30;
	s31 =	sadd.s32 s5, s6  }
0xd: {  	s29 =	ssub.s32 $0x501, s4;
	[dreg:$0x6] =	wrdreg s0;
	s1 =	sadd.s32 $0x2800, s31  }
0xe: {  	s23 =	simm.s32 $0x0;
	s7 =	sshrl.u32 s29, $0x5;
	[dreg:$0x5] =	wrdreg s1  }
.LBB2_9:
0xf: {  	_ =	swait.ge [sflag:s21], $0x5000  }
0x10: {  	[sflag:s21] =	ssyncset.done $0x0  }
0x11: {  	[sflag:s21] =	ssyncadd.s32 $0xFFFFB000  }
0x12: {  	_ =	swait.ge [sflag:s21], $0x5000  }
0x13: {  	[sflag:s21] =	ssyncset.done $0x0  }
0x14: {  	[sflag:s21] =	ssyncadd.s32 $0xFFFFB000  }
0x15: {  	_ =	swait.ge [sflag:s22], $0x5000  }
0x16: {  	[sflag:s22] =	ssyncset.done $0x0  }
0x17: {  	[sflag:s22] =	ssyncadd.s32 $0xFFFFB000  }
0x18: {  	_ =	swait.ge [sflag:s22], $0x5000  }
0x19: {  	s23 =	sadd.s32 $0x1, s23;
	s0 =	rddreg [dreg:$0x6]  }
0x1a: {  	p0 =	sne.s32 s23, s0  }
.Ltmp1:
0x1b: {  	_ = 	snop;
	(pc) =	sbr.rel @!p0 .LBB2_10-.Ltmp1, $3  }
0x1c: {  	_ =	sdelay $0x1  }
0x1d: {  	[sflag:s22] =	ssyncset.done $0x0  }
0x1e: {  	[sflag:s22] =	ssyncadd.s32 $0xFFFFB000  }
.LBB2_1:
0x1f: {  	s0 =	rddreg [dreg:$0x3];
	s28 =	simm.s32 $0x5  }
0x20: {  	[tilespmem:s3], [sflag:$0x5] =	stream.linear.gather [hbm4b:s0+s3], $0xD0, $0x38;
	[tilespmem:$0x158D0] =	vst v63  }
0x21: {  	_ =	swait.ge [sflag:s28], $0xD0  }
0x22: {  	[sflag:s28] =	ssyncset.done $0x0  }
0x23: {  	[sflag:s28] =	ssyncadd.s32 $0xFFFFFF30  }
0x24: {  	v0 =	vld [tilespmem:$0x0]  }
0x25: {  	v1 =	vld [tilespmem:$0x50]  }
0x26: {  	v2 =	vld [tilespmem:$0xB0]  }
0x27: {  	v3 =	vld [tilespmem:$0xC0]  }
0x28: {  	v4 =	vld [tilespmem:$0x0]  }
0x29: {  	v5 =	vld [tilespmem:$0x60]  }
0x2a: {  	v6 =	vld [tilespmem:$0xB0]  }
0x2b: {  	v7 =	vld [tilespmem:$0xC0]  }
0x2c: {  	v8 =	vld [tilespmem:$0x0]  }
0x2d: {  	v9 =	vld [tilespmem:$0x70]  }
0x2e: {  	v10 =	vld [tilespmem:$0xB0]  }
0x2f: {  	v11 =	vld [tilespmem:$0xC0]  }
0x30: {  	v12 =	vld [tilespmem:$0x0]  }
0x31: {  	v13 =	vld [tilespmem:$0x80]  }
0x32: {  	v14 =	vld [tilespmem:$0xB0]  }
0x33: {  	v15 =	vld [tilespmem:$0xC0]  }
0x34: {  	v16 =	vld [tilespmem:$0x0]  }
0x35: {  	v17 =	vld [tilespmem:$0x90]  }
0x36: {  	v18 =	vld [tilespmem:$0xB0]  }
0x37: {  	v19 =	vld [tilespmem:$0xC0]  }
0x38: {  	v20 =	vld [tilespmem:$0x0]  }
0x39: {  	v21 =	vld [tilespmem:$0xA0]  }
0x3a: {  	v22 =	vld [tilespmem:$0xB0]  }
0x3b: {  	v23 =	vld [tilespmem:$0xC0]  }
0x3c: {  	v24 =	vld [tilespmem:$0x10]  }
0x3d: {  	v25 =	vld [tilespmem:$0x50]  }
0x3e: {  	v26 =	vld [tilespmem:$0xB0]  }
0x3f: {  	v27 =	vld [tilespmem:$0xC0]  }
0x40: {  	v28 =	vld [tilespmem:$0x10]  }
0x41: {  	v29 =	vld [tilespmem:$0x60]  }
0x42: {  	v30 =	vld [tilespmem:$0xB0]  }
0x43: {  	v31 =	vld [tilespmem:$0xC0]  }
0x44: {  	v32 =	vld [tilespmem:$0x10]  }
0x45: {  	v33 =	vld [tilespmem:$0x70]  }
0x46: {  	v34 =	vld [tilespmem:$0xB0]  }
0x47: {  	v35 =	vld [tilespmem:$0xC0]  }
0x48: {  	v36 =	vld [tilespmem:$0x10]  }
0x49: {  	v37 =	vld [tilespmem:$0x80]  }
0x4a: {  	v38 =	vld [tilespmem:$0xB0]  }
0x4b: {  	v39 =	vld [tilespmem:$0xC0]  }
0x4c: {  	v40 =	vld [tilespmem:$0x10]  }
0x4d: {  	v41 =	vld [tilespmem:$0x90]  }
0x4e: {  	v42 =	vld [tilespmem:$0xB0]  }
0x4f: {  	v43 =	vld [tilespmem:$0xC0]  }
0x50: {  	v44 =	vld [tilespmem:$0x10]  }
0x51: {  	v45 =	vld [tilespmem:$0xA0]  }
0x52: {  	v46 =	vld [tilespmem:$0xB0]  }
0x53: {  	v47 =	vld [tilespmem:$0xC0]  }
0x54: {  	v48 =	vld [tilespmem:$0x20]  }
0x55: {  	v49 =	vld [tilespmem:$0x50]  }
0x56: {  	v50 =	vld [tilespmem:$0xB0]  }
0x57: {  	v51 =	vld [tilespmem:$0xC0]  }
0x58: {  	v52 =	vld [tilespmem:$0x20]  }
0x59: {  	v53 =	vld [tilespmem:$0x60]  }
0x5a: {  	v54 =	vld [tilespmem:$0xB0]  }
0x5b: {  	v55 =	vld [tilespmem:$0xC0]  }
0x5c: {  	v56 =	vld [tilespmem:$0x20]  }
0x5d: {  	v57 =	vld [tilespmem:$0x70]  }
0x5e: {  	v58 =	vld [tilespmem:$0xB0]  }
0x5f: {  	v59 =	vld [tilespmem:$0xC0]  }
0x60: {  	v60 =	vld [tilespmem:$0x20]  }
0x61: {  	v61 =	vld [tilespmem:$0x80]  }
0x62: {  	v62 =	vld [tilespmem:$0xB0]  }
0x63: {  	v63 =	vld [tilespmem:$0x20];
	v0 =	vadd.f32 v1, v0  }
0x64: {  	v1 =	vld [tilespmem:$0xC0];
	v4 =	vadd.f32 v5, v4  }
0x65: {  	v5 =	vld [tilespmem:$0x90];
	v12 =	vadd.f32 v13, v12;
	v2 =	vadd.f32 v2, v0  }
0x66: {  	v61 =	vadd.f32 v61, v60;
	v60 =	vld [tilespmem:$0x40];
	v0 =	vadd.f32 v3, v0  }
0x67: {  	v16 =	vadd.f32 v17, v16;
	v3 =	vld [tilespmem:$0xB0];
	v14 =	vadd.f32 v14, v12;
	[tilespmem:$0xD0] =	vst v2  }
0x68: {  	v17 =	vadd.f32 v15, v12;
	v15 =	vld [tilespmem:$0xC0];
	[tilespmem:$0xE1] =	vst v0  }
0x69: {  	v20 =	vadd.f32 v21, v20;
	v18 =	vadd.f32 v18, v16;
	v12 =	vld [tilespmem:$0x30];
	[tilespmem:$0x136] =	vst v14  }
0x6a: {  	v24 =	vadd.f32 v25, v24;
	v21 =	vadd.f32 v19, v16;
	v19 =	vld [tilespmem:$0xC0];
	[tilespmem:$0x147] =	vst v17  }
0x6b: {  	v28 =	vadd.f32 v29, v28;
	v22 =	vadd.f32 v22, v20;
	v16 =	vld [tilespmem:$0x30];
	[tilespmem:$0x158] =	vst v18  }
0x6c: {  	v32 =	vadd.f32 v33, v32;
	v25 =	vadd.f32 v23, v20;
	v23 =	vld [tilespmem:$0xC0];
	[tilespmem:$0x169] =	vst v21  }
0x6d: {  	v36 =	vadd.f32 v37, v36;
	v26 =	vadd.f32 v26, v24;
	v20 =	vld [tilespmem:$0x30];
	[tilespmem:$0x17A] =	vst v22  }
0x6e: {  	v40 =	vadd.f32 v41, v40;
	v29 =	vadd.f32 v27, v24;
	v27 =	vld [tilespmem:$0xC0];
	[tilespmem:$0x18B] =	vst v25  }
0x6f: {  	v44 =	vadd.f32 v45, v44;
	v30 =	vadd.f32 v30, v28;
	v24 =	vld [tilespmem:$0x30];
	[tilespmem:$0x19C] =	vst v26  }
0x70: {  	v48 =	vadd.f32 v49, v48;
	v33 =	vadd.f32 v31, v28;
	v31 =	vld [tilespmem:$0xC0];
	[tilespmem:$0x1AD] =	vst v29  }
0x71: {  	v34 =	vadd.f32 v34, v32;
	v37 =	vadd.f32 v35, v32;
	v28 =	vld [tilespmem:$0x30];
	[tilespmem:$0x1BE] =	vst v30  }
0x72: {  	v38 =	vadd.f32 v38, v36;
	v41 =	vadd.f32 v39, v36;
	v36 =	vld [tilespmem:$0xA0];
	[tilespmem:$0x1CF] =	vst v33  }
0x73: {  	v42 =	vadd.f32 v42, v40;
	v45 =	vadd.f32 v43, v40;
	v40 =	vld [tilespmem:$0x40];
	[tilespmem:$0x1E0] =	vst v34  }
0x74: {  	v52 =	vadd.f32 v53, v52;
	v56 =	vadd.f32 v57, v56;
	v43 =	vld [tilespmem:$0x50];
	[tilespmem:$0x1F1] =	vst v37  }
0x75: {  	v50 =	vadd.f32 v50, v48;
	v53 =	vadd.f32 v51, v48;
	v48 =	vld [tilespmem:$0xC0];
	[tilespmem:$0x202] =	vst v38  }
0x76: {  	v46 =	vadd.f32 v46, v44;
	v57 =	vadd.f32 v55, v52;
	v55 =	vld [tilespmem:$0xB0];
	[tilespmem:$0x213] =	vst v41  }
0x77: {  	v2 =	vadd.f32 v6, v4;
	v6 =	vadd.f32 v9, v8;
	v8 =	vld [tilespmem:$0xC0];
	[tilespmem:$0x224] =	vst v42  }
0x78: {  	v49 =	vadd.f32 v47, v44;
	v0 =	vadd.f32 v7, v4;
	v4 =	vld [tilespmem:$0x20];
	[tilespmem:$0x235] =	vst v45  }
0x79: {  	v9 =	vld [tilespmem:$0xA0];
	[tilespmem:$0x246] =	vst v46  }
0x7a: {  	v7 =	vld [tilespmem:$0x30];
	[tilespmem:$0x257] =	vst v49  }
0x7b: {  	v54 =	vadd.f32 v54, v52;
	v17 =	vld [tilespmem:$0x60];
	[tilespmem:$0x268] =	vst v50  }
0x7c: {  	v14 =	vld [tilespmem:$0xB0];
	[tilespmem:$0x279] =	vst v53  }
0x7d: {  	v58 =	vadd.f32 v58, v56;
	v21 =	vld [tilespmem:$0x70];
	[tilespmem:$0x28A] =	vst v54  }
0x7e: {  	v18 =	vld [tilespmem:$0xB0];
	[tilespmem:$0x29B] =	vst v57  }
0x7f: {  	v25 =	vld [tilespmem:$0x80];
	[tilespmem:$0x2AC] =	vst v58  }
0x80: {  	v22 =	vld [tilespmem:$0xB0];
	v37 =	vadd.f32 v59, v56;
	[tilespmem:$0xF2] =	vst v2  }
0x81: {  	v29 =	vld [tilespmem:$0x90];
	v38 =	vadd.f32 v62, v61;
	[tilespmem:$0x103] =	vst v0  }
0x82: {  	v30 =	vld [tilespmem:$0xB0];
	v39 =	vadd.f32 v1, v61;
	[tilespmem:$0x2BD] =	vst v37  }
0x83: {  	v34 =	vld [tilespmem:$0xC0];
	v5 =	vadd.f32 v5, v63;
	v2 =	vadd.f32 v10, v6;
	[tilespmem:$0x2CE] =	vst v38  }
0x84: {  	v45 =	vld [tilespmem:$0xB0];
	v13 =	vadd.f32 v11, v6;
	[tilespmem:$0x2DF] =	vst v39  }
0x85: {  	v26 =	vld [tilespmem:$0xB0];
	v41 =	vadd.f32 v3, v5;
	v35 =	vadd.f32 v36, v28;
	[tilespmem:$0x114] =	vst v2  }
0x86: {  	v6 =	vld [tilespmem:$0xB0];
	[tilespmem:$0x125] =	vst v13;
	v44 =	vadd.f32 v8, v5  }
0x87: {  	v11 =	vld [tilespmem:$0xC0];
	v1 =	vadd.f32 v43, v40;
	[tilespmem:$0x2F0] =	vst v41;
	v39 =	vadd.f32 v30, v35  }
0x88: {  	v50 =	vld [tilespmem:$0x40];
	v41 =	vadd.f32 v34, v35;
	[tilespmem:$0x301] =	vst v44  }
0x89: {  	v53 =	vld [tilespmem:$0x60];
	v42 =	vadd.f32 v9, v4;
	v43 =	vadd.f32 v45, v1;
	[tilespmem:$0x3DE] =	vst v39  }
0x8a: {  	v58 =	vld [tilespmem:$0xC0];
	v45 =	vadd.f32 v48, v1;
	[tilespmem:$0x3EF] =	vst v41  }
0x8b: {  	v63 =	vld [tilespmem:$0x70];
	v52 =	vadd.f32 v17, v12;
	v46 =	vadd.f32 v6, v42;
	[tilespmem:$0x400] =	vst v43  }
0x8c: {  	v10 =	vld [tilespmem:$0xB0];
	v49 =	vadd.f32 v11, v42;
	[tilespmem:$0x411] =	vst v45  }
0x8d: {  	v38 =	vld [tilespmem:$0xB0];
	v57 =	vadd.f32 v21, v16;
	v56 =	vadd.f32 v14, v52;
	[tilespmem:$0x312] =	vst v46  }
0x8e: {  	v36 =	vld [tilespmem:$0x80];
	v59 =	vadd.f32 v19, v52;
	[tilespmem:$0x323] =	vst v49  }
0x8f: {  	v13 =	vld [tilespmem:$0x50];
	v62 =	vadd.f32 v25, v20;
	v61 =	vadd.f32 v18, v57;
	[tilespmem:$0x356] =	vst v56  }
0x90: {  	v40 =	vld [tilespmem:$0xC0];
	v20 =	vadd.f32 v23, v57;
	[tilespmem:$0x367] =	vst v59  }
0x91: {  	v21 =	vld [tilespmem:$0xB0];
	v24 =	vadd.f32 v29, v24;
	v23 =	vadd.f32 v22, v62;
	[tilespmem:$0x378] =	vst v61  }
0x92: {  	v25 =	vld [tilespmem:$0xC0];
	v27 =	vadd.f32 v27, v62;
	[tilespmem:$0x389] =	vst v20  }
0x93: {  	v29 =	vld [tilespmem:$0x40];
	v3 =	vadd.f32 v53, v50;
	v32 =	vadd.f32 v26, v24;
	[tilespmem:$0x39A] =	vst v23  }
0x94: {  	v37 =	vadd.f32 v31, v24;
	v42 =	vld [tilespmem:$0x40];
	v47 =	vadd.f32 v13, v7;
	[tilespmem:$0x3AB] =	vst v27  }
0x95: {  	v44 =	vld [tilespmem:$0x90];
	v50 =	vadd.f32 v58, v3;
	[tilespmem:$0x3BC] =	vst v32  }
0x96: {  	v48 =	vadd.f32 v63, v60;
	[tilespmem:$0x3CD] =	vst v37;
	v46 =	vld [tilespmem:$0xB0];
	v51 =	vadd.f32 v10, v47  }
0x97: {  	v49 =	vld [tilespmem:$0x40];
	[tilespmem:$0x433] =	vst v50;
	v54 =	vadd.f32 v15, v47  }
0x98: {  	v52 =	vadd.f32 v21, v48;
	[tilespmem:$0x334] =	vst v51;
	v51 =	vld [tilespmem:$0xA0]  }
0x99: {  	v53 =	vadd.f32 v36, v29;
	v47 =	vadd.f32 v55, v3;
	[tilespmem:$0x345] =	vst v54;
	v54 =	vld [tilespmem:$0xC0]  }
0x9a: {  	v56 =	vld [tilespmem:$0xB0];
	v55 =	vadd.f32 v25, v48;
	[tilespmem:$0x444] =	vst v52  }
0x9b: {  	v58 =	vld [tilespmem:$0xC0];
	v57 =	vadd.f32 v38, v53;
	v5 =	vadd.f32 v44, v42;
	[tilespmem:$0x422] =	vst v47  }
0x9c: {  	v59 =	vadd.f32 v40, v53;
	[tilespmem:$0x455] =	vst v55  }
0x9d: {  	[tilespmem:$0x466] =	vst v57;
	v1 =	vadd.f32 v46, v5;
	v60 =	vadd.f32 v51, v49  }
0x9e: {  	[tilespmem:$0x477] =	vst v59;
	v61 =	vadd.f32 v54, v5  }
0x9f: {  	[tilespmem:$0x488] =	vst v1;
	v62 =	vadd.f32 v56, v60  }
0xa0: {  	[tilespmem:$0x499] =	vst v61;
	v63 =	vadd.f32 v58, v60  }
.Ltmp2:
0xa1: {  	[tilespmem:$0x4AA] =	vst v62;
	(pc) =	sbr.rel .LBB2_2-.Ltmp2, $4  }
0xa2: {  	s1 =	simm.s32 $0x4D0;
	s29 =	rddreg [dreg:$0x4];
	[tilespmem:$0x4BB] =	vst v63  }
0xa3: {  	[tilespmem:s1], [sflag:$0x1] =	stream.linear.gather [hbm4b:s29+s3], $0xA00, $0x38;
	[tilespmem:$0x158D0] =	vst v63  }
0xa4: {  	s31 =	simm.s32 $0xED0;
	s24 =	simm.s32 $0x0;
	s30 =	rddreg [dreg:$0x5]  }
0xa5: {  	[tilespmem:s31], [sflag:$0x2] =	stream.linear.gather [hbm4b:s30+s3], $0xA00, $0x38;
	[tilespmem:$0x158D0] =	vst v63  }
.LBB2_8:
0xa6: {  	s24 =	sadd.s32 $0x1, s24  }
0xa7: {  	p0 =	sne.s32 s24, $0x14  }
.Ltmp3:
0xa8: {  	_ = 	snop;
	(pc) =	sbr.rel @!p0 .LBB2_9-.Ltmp3, $1  }
0xa9: {  	_ =	sdelay $0x3  }
.LBB2_2:
0xaa: {  	_ =	swait.ge [sflag:s14], $0xA00  }
0xab: {  	p0 =	seq.s32 s24, $0x0;
	[sflag:s14] =	ssyncset.done $0x0  }
0xac: {  	s0 =	simm.s32 @!p0 $0x3;
	[sflag:s14] =	ssyncadd.s32 $0xFFFFF600  }
0xad: {  	_ =	swait.ge @!p0 [sflag:s0], $0x5000  }
0xae: {  	[sflag:s0] =	ssyncset.done @!p0 $0x0  }
0xaf: {  	[sflag:s0] =	ssyncadd.s32 @!p0 $0xFFFFB000  }
0xb0: {  	_ =	swait.ge @!p0 [sflag:s0], $0x5000  }
0xb1: {  	[sflag:s0] =	ssyncset.done @!p0 $0x0  }
0xb2: {  	s11 =	simm.s32 $0x4F0;
	[sflag:s0] =	ssyncadd.s32 @!p0 $0xFFFFB000  }
0xb3: {  	v0 =	vld [tilespmem:s11+$0x10];
	_ =	sdelay $0x4  }
0xb4: {  	v3 =	vand.u32 $0xFF, v0  }
0xb5: {  	v1 =	vld [tilespmem:s11+$0xFFFFFFF0];
	v5 =	vshrl.u32 v0, $0x8;
	v3 =	vmul.u32 $0x6, v3  }
0xb6: {  	v2 =	vld [tilespmem:s11+$0xFFFFFFE0];
	v5 =	vand.u32 $0xFF, v5  }
0xb7: {  	v0 =	vshrl.u32 v0, $0x10;
	v3 =	vadd.s32 v5, v3  }
0xb8: {  	v0 =	vand.u32 $0xFF, v0;
	v3 =	vshll.u32 v3, $0x1  }
0xb9: {  	v0 =	vadd.s32 v0, v3  }
0xba: {  	v0 =	vmul.u32 $0x11, v0  }
0xbb: {  	v6 =	vand.u32 $0xFF, v2;
	v7 =	vshrl.u32 v2, $0x8;
	v8 =	vshrl.u32 v1, $0x8  }
0xbc: {  	v4 =	vld [tilespmem:s11+$0x0];
	v6 =	vmul.u32 $0x6, v6;
	v5 =	vand.u32 $0xFF, v1;
	v10 =	vadd.s32 $0x1, v0  }
0xbd: {  	v7 =	vand.u32 $0xFF, v7;
	v5 =	vmul.u32 $0x6, v5;
	v11 =	vadd.s32 $0x2, v0  }
0xbe: {  	v8 =	vand.u32 $0xFF, v8;
	v6 =	vadd.s32 v7, v6;
	v7 =	vadd.s32 $0x3, v0  }
0xbf: {  	v5 =	vadd.s32 v8, v5;
	v8 =	vadd.s32 $0x4, v0  }
0xc0: {  	v2 =	vshrl.u32 v2, $0x10;
	v54 =	vshrl.u32 v1, $0x10;
	v12 =	vadd.s32 $0x5, v0;
	v1 =	vld.idx.msk [tilespmem:v0+s15+$0x0], $0xffff  }
0xc1: {  	v9 =	vshrl.u32 v4, $0x8;
	v2 =	vand.u32 $0xFF, v2;
	v55 =	vadd.s32 $0x6, v0;
	v30 =	vld.idx.msk [tilespmem:v10+s15+$0x0], $0xffff  }
0xc2: {  	v6 =	vshll.u32 v6, $0x1;
	v3 =	vand.u32 $0xFF, v4;
	v56 =	vadd.s32 $0x7, v0;
	v40 =	vld.idx.msk [tilespmem:v11+s15+$0x0], $0xffff  }
0xc3: {  	v4 =	vshrl.u32 v4, $0x10;
	v2 =	vadd.s32 v2, v6;
	v14 =	vadd.s32 $0x9, v0;
	v42 =	vld.idx.msk [tilespmem:v7+s15+$0x0], $0xffff  }
0xc4: {  	v3 =	vmul.u32 $0x6, v3;
	v22 =	vmul.u32 $0x11, v2;
	v6 =	vadd.s32 $0xA, v0;
	v43 =	vld.idx.msk [tilespmem:v8+s15+$0x0], $0xffff  }
0xc5: {  	v9 =	vand.u32 $0xFF, v9;
	v4 =	vand.u32 $0xFF, v4;
	v57 =	vadd.s32 $0xD, v0;
	v44 =	vld.idx.msk [tilespmem:v12+s15+$0x0], $0xffff  }
0xc6: {  	v5 =	vshll.u32 v5, $0x1;
	v3 =	vadd.s32 v9, v3;
	v62 =	vadd.s32 $0xB, v22;
	v45 =	vld.idx.msk [tilespmem:v55+s15+$0x0], $0xffff  }
0xc7: {  	v13 =	vadd.s32 $0x8, v0;
	v9 =	vand.u32 $0xFF, v54;
	v63 =	vadd.s32 $0xC, v22;
	v46 =	vld.idx.msk [tilespmem:v56+s15+$0x0], $0xffff  }
0xc8: {  	v49 =	vadd.s32 $0xD, v22;
	v3 =	vshll.u32 v3, $0x1;
	v5 =	vadd.s32 v9, v5;
	v47 =	vld.idx.msk [tilespmem:v14+s15+$0x0], $0xffff  }
0xc9: {  	v7 =	vand.u32 $0x7FFFFFF8, v13;
	v13 =	vand.u32 $0x7, v0;
	v8 =	vadd.s32 $0xB, v0;
	v50 =	vld.idx.msk [tilespmem:v6+s15+$0x0], $0xffff  }
0xca: {  	v2 =	vadd.s32 v4, v3;
	v3 =	vmul.u32 $0x11, v5;
	v56 =	vld.idx.msk [tilespmem:v57+s15+$0x0], $0xffff;
	v7 =	vor.u32 v13, v7  }
0xcb: {  	v4 =	vadd.s32 $0xC, v0;
	v29 =	vld.idx.msk [tilespmem:v62+s15+$0x0], $0xffff  }
0xcc: {  	v5 =	vadd.s32 $0x8, v22;
	v2 =	vmul.u32 $0x11, v2;
	v52 =	vadd.s32 $0x3, v3;
	v28 =	vld.idx.msk [tilespmem:v63+s15+$0x0], $0xffff  }
0xcd: {  	v5 =	vand.u32 $0x7FFFFFF8, v5;
	v53 =	vadd.s32 $0x4, v3;
	v12 =	vand.u32 $0x7, v22;
	v27 =	vld.idx.msk [tilespmem:v49+s15+$0x0], $0xffff  }
0xce: {  	v59 =	vadd.s32 $0x8, v2;
	v5 =	vor.u32 v12, v5;
	v54 =	vld.idx.msk [tilespmem:v8+s15+$0x0], $0xffff  }
0xcf: {  	v61 =	vand.u32 $0x7, v2;
	v8 =	vand.u32 $0x7FFFFFF8, v59;
	v48 =	vld.idx.msk [tilespmem:v7+s15+$0x0], $0xffff;
	v7 =	vadd.s32 $0xE, v0  }
0xd0: {  	v58 =	vadd.s32 $0x8, v3;
	v55 =	vld.idx.msk [tilespmem:v4+s15+$0x0], $0xffff;
	v4 =	vor.u32 v61, v8;
	v8 =	vadd.s32 $0x1, v22  }
0xd1: {  	v6 =	vand.u32 $0x7FFFFFF8, v58;
	v58 =	vadd.s32 $0x9, v3;
	v24 =	vld.idx.msk [tilespmem:v52+s15+$0x0], $0xffff  }
0xd2: {  	v21 =	vld.idx.msk [tilespmem:v53+s15+$0x0], $0xffff;
	v0 =	vadd.s32 $0xF, v0  }
0xd3: {  	v39 =	vld.idx.msk [tilespmem:v5+s15+$0x0], $0xffff;
	v5 =	vadd.s32 $0x4, v22  }
0xd4: {  	v57 =	vld.idx.msk [tilespmem:v7+s15+$0x0], $0xffff;
	v7 =	vadd.s32 $0x2, v22  }
0xd5: {  	v60 =	vand.u32 $0x7, v3;
	v36 =	vld.idx.msk [tilespmem:v8+s15+$0x0], $0xffff;
	v8 =	vadd.s32 $0x7, v22  }
0xd6: {  	v6 =	vor.u32 v60, v6;
	v17 =	vld.idx.msk [tilespmem:v58+s15+$0x0], $0xffff  }
0xd7: {  	v12 =	vadd.s32 $0x7, v3;
	v41 =	vld.idx.msk [tilespmem:v0+s15+$0x0], $0xffff  }
0xd8: {  	v0 =	vadd.s32 $0x3, v22;
	v33 =	vld.idx.msk [tilespmem:v5+s15+$0x0], $0xffff  }
0xd9: {  	v35 =	vld.idx.msk [tilespmem:v7+s15+$0x0], $0xffff;
	v7 =	vadd.s32 $0x9, v22  }
0xda: {  	v5 =	vld.idx.msk [tilespmem:v8+s15+$0x0], $0xffff;
	v8 =	vadd.s32 $0xE, v22  }
0xdb: {  	v60 =	vadd.s32 $0xB, v3;
	v38 =	vld.idx.msk [tilespmem:v6+s15+$0x0], $0xffff  }
0xdc: {  	v59 =	vadd.s32 $0xA, v3;
	v18 =	vld.idx.msk [tilespmem:v12+s15+$0x0], $0xffff  }
0xdd: {  	v34 =	vld.idx.msk [tilespmem:v0+s15+$0x0], $0xffff;
	v0 =	vadd.s32 $0xA, v22  }
0xde: {  	v32 =	vld.idx.msk [tilespmem:v7+s15+$0x0], $0xffff;
	v7 =	vadd.s32 $0xF, v22  }
0xdf: {  	v26 =	vld.idx.msk [tilespmem:v8+s15+$0x0], $0xffff;
	v8 =	vadd.s32 $0x5, v3  }
0xe0: {  	v11 =	vld.idx.msk [tilespmem:v60+s15+$0x0], $0xffff  }
0xe1: {  	v6 =	vadd.s32 $0x5, v22;
	v16 =	vld.idx.msk [tilespmem:v59+s15+$0x0], $0xffff  }
0xe2: {  	v31 =	vld.idx.msk [tilespmem:v0+s15+$0x0], $0xffff;
	v0 =	vadd.s32 $0x1, v3  }
0xe3: {  	v23 =	vld.idx.msk [tilespmem:v7+s15+$0x0], $0xffff;
	v7 =	vadd.s32 $0x6, v3  }
0xe4: {  	v20 =	vld.idx.msk [tilespmem:v8+s15+$0x0], $0xffff;
	v8 =	vadd.s32 $0xC, v3  }
0xe5: {  	v62 =	vadd.s32 $0x1, v2;
	v37 =	vld.idx.msk [tilespmem:v4+s15+$0x0], $0xffff  }
0xe6: {  	v51 =	vadd.s32 $0x2, v3;
	v6 =	vld.idx.msk [tilespmem:v6+s15+$0x0], $0xffff  }
0xe7: {  	v12 =	vadd.s32 $0xE, v3;
	v25 =	vld.idx.msk [tilespmem:v0+s15+$0x0], $0xffff  }
0xe8: {  	v4 =	vadd.s32 $0x6, v22;
	v19 =	vld.idx.msk [tilespmem:v7+s15+$0x0], $0xffff  }
0xe9: {  	v7 =	vadd.s32 $0xD, v3;
	v14 =	vld.idx.msk [tilespmem:v8+s15+$0x0], $0xffff  }
0xea: {  	v61 =	vadd.s32 $0xF, v3;
	v8 =	vld.idx.msk [tilespmem:v62+s15+$0x0], $0xffff  }
0xeb: {  	v0 =	vld.idx.msk [tilespmem:v51+s15+$0x0], $0xffff;
	v51 =	vadd.s32 $0x3, v2  }
0xec: {  	v12 =	vld.idx.msk [tilespmem:v12+s15+$0x0], $0xffff  }
0xed: {  	v4 =	vld.idx.msk [tilespmem:v4+s15+$0x0], $0xffff  }
0xee: {  	v13 =	vld.idx.msk [tilespmem:v7+s15+$0x0], $0xffff  }
0xef: {  	v7 =	vld.idx.msk [tilespmem:v61+s15+$0x0], $0xffff;
	[tilespmem:$0x1FF70] =	vst v8  }
0xf0: {  	v49 =	vadd.s32 $0x2, v2;
	v63 =	vld.idx.msk [tilespmem:v51+s15+$0x0], $0xffff;
	_ =	sdelay $0x1  }
0xf1: {  	s12 =	simm.s32 $0x0;
	v52 =	vadd.s32 $0x4, v2  }
0xf2: {  	s1 =	simm.s32 $0x30;
	s0 =	sand.u32 $0x7C00, s12  }
0xf3: {  	s1 =	sand.u32 $0x70, s1;
	s0 =	sadd.s32 $0x18D0, s0  }
0xf4: {  	s1 =	sadd.s32 s1, s0;
	v8 =	vld.idx.msk [tilespmem:v49+s15+$0x0], $0xffff;
	[tilespmem:$0x1FF80] =	vst v63  }
0xf5: {  	[tilespmem:s1+$0x5000] =	vst v48  }
0xf6: {  	s6 =	simm.s32 $0x530;
	v49 =	vadd.s32 $0x5, v2;
	v10 =	vld.idx.msk [tilespmem:v52+s15+$0x0], $0xffff;
	[tilespmem:s1+$0x80] =	vst v30  }
0xf7: {  	v48 =	vadd.s32 $0x6, v2;
	v52 =	vld [tilespmem:s6+$0x10];
	[tilespmem:s1+$0x100] =	vst v40  }
0xf8: {  	v60 =	vadd.s32 $0xA, v2;
	v58 =	vld [tilespmem:s6+$0xFFFFFFF0];
	[tilespmem:s1+$0x180] =	vst v42  }
0xf9: {  	v59 =	vld [tilespmem:s6+$0x0];
	[tilespmem:s1+$0x200] =	vst v43;
	v43 =	vadd.s32 $0xC, v2  }
0xfa: {  	v42 =	vld [tilespmem:s6+$0xFFFFFFE0];
	[tilespmem:s1+$0x380] =	vst v46;
	v46 =	vadd.s32 $0xE, v2  }
0xfb: {  	v30 =	vld.idx.msk [tilespmem:v49+s15+$0x0], $0xffff;
	[tilespmem:s1+$0x280] =	vst v44  }
0xfc: {  	v53 =	vadd.s32 $0x9, v2;
	v51 =	vadd.s32 $0x7, v2;
	[tilespmem:s1+$0x300] =	vst v45;
	v9 =	vand.u32 $0xFF, v52;
	v40 =	vld.idx.msk [tilespmem:v48+s15+$0x0], $0xffff  }
0xfd: {  	[tilespmem:s1+$0x5080] =	vst v47;
	v49 =	vshrl.u32 v52, $0x8;
	v62 =	vshrl.u32 v52, $0x10;
	v52 =	vld.idx.msk [tilespmem:v60+s15+$0x0], $0xffff;
	v44 =	vmul.u32 $0x6, v9  }
0xfe: {  	v61 =	vadd.s32 $0xB, v2;
	[tilespmem:s1+$0x5180] =	vst v54;
	v54 =	vld.idx.msk [tilespmem:v43+s15+$0x0], $0xffff;
	v45 =	vand.u32 $0xFF, v49  }
0xff: {  	v47 =	vadd.s32 $0xF, v2;
	[tilespmem:s1+$0x5280] =	vst v56;
	v56 =	vld.idx.msk [tilespmem:v46+s15+$0x0], $0xffff;
	v44 =	vadd.s32 v45, v44  }
0x100: {  	v48 =	vadd.s32 $0xD, v2;
	v2 =	vld.idx.msk [tilespmem:v2+s15+$0x0], $0xffff;
	v63 =	vand.u32 $0xFF, v62;
	v44 =	vshll.u32 v44, $0x1  }
0x101: {  	[tilespmem:s1+$0x5100] =	vst v50;
	v9 =	vld.idx.msk [tilespmem:v51+s15+$0x0], $0xffff;
	v44 =	vadd.s32 v63, v44  }
0x102: {  	[tilespmem:s1+$0x5200] =	vst v55;
	v51 =	vld.idx.msk [tilespmem:v53+s15+$0x0], $0xffff;
	v44 =	vmul.u32 $0x11, v44  }
0x103: {  	s13 =	simm.s32 $0x0;
	[tilespmem:s1+$0x5300] =	vst v57;
	v53 =	vld.idx.msk [tilespmem:v61+s15+$0x0], $0xffff  }
0x104: {  	s6 =	sand.u32 $0x40, s13;
	[tilespmem:s1+$0x5380] =	vst v41;
	v62 =	vand.u32 $0xFF, v59;
	v49 =	vld.idx.msk [tilespmem:v22+s15+$0x0], $0xffff  }
0x105: {  	[tilespmem:s1+$0x0] =	vst v1;
	s26 =	sadd.s32 s6, s0;
	v46 =	vmul.u32 $0x6, v62;
	v62 =	vld.idx.msk [tilespmem:v47+s15+$0x0], $0xffff  }
0x106: {  	[tilespmem:s26+$0x5000] =	vst v39;
	v55 =	vld.idx.msk [tilespmem:v48+s15+$0x0], $0xffff;
	v63 =	vshrl.u32 v59, $0x8  }
0x107: {  	v22 =	vand.u32 $0xFF, v63;
	v63 =	vld.idx.msk [tilespmem:v3+s15+$0x0], $0xffff;
	[tilespmem:$0x1FF50] =	vst v2  }
0x108: {  	v15 =	vld.idx.msk [tilespmem:v44+s15+$0x0], $0xffff  }
0x109: {  	s8 =	simm.s32 $0x10  }
0x10a: {  	s8 =	sand.u32 $0x50, s8  }
0x10b: {  	s9 =	simm.s32 $0x20;
	s28 =	sadd.s32 s8, s0;
	v60 =	vand.u32 $0xFF, v58;
	v50 =	vshrl.u32 v42, $0x8;
	v61 =	vand.u32 $0xFF, v42  }
0x10c: {  	s25 =	sand.u32 $0x60, s9;
	v43 =	vmul.u32 $0x6, v60;
	v45 =	vmul.u32 $0x6, v61;
	v48 =	vshrl.u32 v58, $0x8;
	[tilespmem:s28+$0x5000] =	vst v38  }
0x10d: {  	s29 =	sadd.s32 s25, s0;
	v57 =	vand.u32 $0xFF, v50;
	v47 =	vshrl.u32 v59, $0x10;
	v1 =	vand.u32 $0xFF, v48;
	[tilespmem:$0x1FF60] =	vst v15  }
0x10e: {  	v3 =	vadd.s32 v57, v45;
	v2 =	vshrl.u32 v42, $0x10;
	v57 =	vshrl.u32 v58, $0x10;
	[tilespmem:s29+$0x5000] =	vst v37  }
0x10f: {  	v1 =	vadd.s32 v1, v43;
	v22 =	vadd.s32 v22, v46;
	v60 =	vadd.s32 $0x1, v44;
	[tilespmem:s26+$0x80] =	vst v36  }
0x110: {  	v3 =	vshll.u32 v3, $0x1;
	v2 =	vand.u32 $0xFF, v2;
	v50 =	vadd.s32 $0x2, v44;
	[tilespmem:s26+$0x100] =	vst v35  }
0x111: {  	v45 =	vand.u32 $0xFF, v57;
	v48 =	vadd.s32 $0x3, v44;
	v58 =	vadd.s32 $0x8, v44;
	[tilespmem:s26+$0x180] =	vst v34  }
0x112: {  	v39 =	vadd.s32 $0x4, v44;
	v61 =	vand.u32 $0x7, v44;
	v43 =	vand.u32 $0x7FFFFFF8, v58;
	[tilespmem:s26+$0x200] =	vst v33  }
0x113: {  	v38 =	vadd.s32 $0x5, v44;
	v1 =	vshll.u32 v1, $0x1;
	v41 =	vor.u32 v61, v43;
	[tilespmem:s26+$0x280] =	vst v6  }
0x114: {  	v22 =	vshll.u32 v22, $0x1;
	v46 =	vadd.s32 $0xA, v44;
	v15 =	vld.idx.msk [tilespmem:v60+s15+$0x0], $0xffff;
	v36 =	vadd.s32 $0x7, v44;
	[tilespmem:s26+$0x300] =	vst v4  }
0x115: {  	v2 =	vadd.s32 v2, v3;
	v3 =	vadd.s32 $0xB, v44;
	v1 =	vadd.s32 v45, v1;
	v60 =	vld.idx.msk [tilespmem:v50+s15+$0x0], $0xffff;
	[tilespmem:s26+$0x380] =	vst v5  }
0x116: {  	v37 =	vadd.s32 $0x6, v44;
	v50 =	vld.idx.msk [tilespmem:v48+s15+$0x0], $0xffff;
	v48 =	vadd.s32 $0x9, v44;
	v35 =	vand.u32 $0xFF, v47;
	[tilespmem:s26+$0x5080] =	vst v32  }
0x117: {  	v4 =	vmul.u32 $0x11, v1;
	v1 =	vadd.s32 $0xD, v44;
	[tilespmem:s26+$0x5100] =	vst v31;
	v47 =	vadd.s32 v35, v22  }
0x118: {  	v6 =	vmul.u32 $0x11, v2;
	v2 =	vld.idx.msk [tilespmem:v41+s15+$0x0], $0xffff;
	v32 =	vadd.s32 $0xE, v44;
	[tilespmem:s26+$0x5180] =	vst v29;
	v5 =	vmul.u32 $0x11, v47  }
0x119: {  	v31 =	vadd.s32 $0xF, v44;
	[tilespmem:s26+$0x5200] =	vst v28;
	v35 =	vadd.s32 $0xC, v44;
	v58 =	vld.idx.msk [tilespmem:v36+s15+$0x0], $0xffff;
	v36 =	vadd.s32 $0x8, v4  }
0x11a: {  	[tilespmem:s26+$0x5280] =	vst v27;
	v44 =	vld.idx.msk [tilespmem:v3+s15+$0x0], $0xffff;
	v29 =	vand.u32 $0x7, v4;
	v41 =	vadd.s32 $0x8, v5;
	v3 =	vand.u32 $0x7FFFFFF8, v36  }
0x11b: {  	v33 =	vld.idx.msk [tilespmem:v46+s15+$0x0], $0xffff;
	[tilespmem:s26+$0x5300] =	vst v26;
	v28 =	vand.u32 $0x7FFFFFF8, v41;
	v3 =	vor.u32 v29, v3;
	v29 =	vand.u32 $0x7, v5  }
0x11c: {  	[tilespmem:s26+$0x5380] =	vst v23;
	v46 =	vld.idx.msk [tilespmem:v1+s15+$0x0], $0xffff;
	v1 =	vor.u32 v29, v28  }
0x11d: {  	v61 =	vld.idx.msk [tilespmem:v39+s15+$0x0], $0xffff;
	[tilespmem:s28+$0x80] =	vst v25  }
0x11e: {  	v59 =	vld.idx.msk [tilespmem:v38+s15+$0x0], $0xffff;
	[tilespmem:s28+$0x100] =	vst v0  }
0x11f: {  	[tilespmem:s28+$0x180] =	vst v24;
	v57 =	vld.idx.msk [tilespmem:v37+s15+$0x0], $0xffff  }
0x120: {  	[tilespmem:s28+$0x200] =	vst v21;
	v27 =	vadd.s32 $0x1, v6;
	v22 =	vld.idx.msk [tilespmem:v48+s15+$0x0], $0xffff  }
0x121: {  	s30 =	simm.s32 $0x200;
	[tilespmem:s28+$0x280] =	vst v20;
	v48 =	vadd.s32 $0x8, v6;
	v29 =	vld.idx.msk [tilespmem:v1+s15+$0x0], $0xffff;
	v1 =	vadd.s32 $0x6, v6  }
0x122: {  	s31 =	simm.s32 $0x70;
	s6 =	sand.u32 $0x7C00, s30;
	[tilespmem:s28+$0x300] =	vst v19;
	v25 =	vadd.s32 $0x4, v6;
	v47 =	vld.idx.msk [tilespmem:v32+s15+$0x0], $0xffff;
	v34 =	vand.u32 $0x7FFFFFF8, v48;
	v48 =	vand.u32 $0x7, v6  }
0x123: {  	s8 =	sand.u32 $0x70, s31;
	s6 =	sadd.s32 $0x18D0, s6;
	[tilespmem:s28+$0x380] =	vst v18;
	v45 =	vld.idx.msk [tilespmem:v35+s15+$0x0], $0xffff;
	v34 =	vor.u32 v48, v34  }
0x124: {  	s12 =	sadd.s32 s8, s6;
	[tilespmem:s28+$0x5080] =	vst v17;
	v48 =	vld.idx.msk [tilespmem:v31+s15+$0x0], $0xffff  }
0x125: {  	[tilespmem:s12+$0x5000] =	vst v2;
	v2 =	vadd.s32 $0x3, v6;
	v27 =	vld.idx.msk [tilespmem:v27+s15+$0x0], $0xffff  }
0x126: {  	[tilespmem:s28+$0x5100] =	vst v16;
	v37 =	vld.idx.msk [tilespmem:v1+s15+$0x0], $0xffff;
	v1 =	vadd.s32 $0xD, v6  }
0x127: {  	[tilespmem:s28+$0x5180] =	vst v11;
	v36 =	vld.idx.msk [tilespmem:v25+s15+$0x0], $0xffff  }
0x128: {  	[tilespmem:s28+$0x5200] =	vst v14;
	v0 =	vadd.s32 $0x5, v6;
	v23 =	vld.idx.msk [tilespmem:v34+s15+$0x0], $0xffff  }
0x129: {  	[tilespmem:s28+$0x5280] =	vst v13;
	v20 =	vadd.s32 $0x9, v6;
	v26 =	vld.idx.msk [tilespmem:v3+s15+$0x0], $0xffff  }
0x12a: {  	[tilespmem:s28+$0x5300] =	vst v12;
	v34 =	vld.idx.msk [tilespmem:v2+s15+$0x0], $0xffff;
	v2 =	vadd.s32 $0xA, v6  }
0x12b: {  	[tilespmem:s28+$0x5380] =	vst v7;
	v18 =	vadd.s32 $0xB, v6;
	v35 =	vld.idx.msk [tilespmem:v1+s15+$0x0], $0xffff  }
0x12c: {  	v3 =	vadd.s32 $0x7, v6;
	v1 =	vld [tilespmem:$0x1FF70]  }
0x12d: {  	v32 =	vld.idx.msk [tilespmem:v0+s15+$0x0], $0xffff  }
0x12e: {  	v12 =	vadd.s32 $0x2, v4;
	v42 =	vld.idx.msk [tilespmem:v20+s15+$0x0], $0xffff  }
0x12f: {  	v43 =	vld.idx.msk [tilespmem:v2+s15+$0x0], $0xffff;
	v2 =	vadd.s32 $0x1, v4  }
0x130: {  	v14 =	vadd.s32 $0xF, v6;
	v41 =	vld.idx.msk [tilespmem:v18+s15+$0x0], $0xffff;
	[tilespmem:s29+$0x100] =	vst v8  }
0x131: {  	v0 =	vadd.s32 $0xC, v6;
	v38 =	vld.idx.msk [tilespmem:v3+s15+$0x0], $0xffff;
	[tilespmem:s29+$0x80] =	vst v1  }
0x132: {  	v28 =	vadd.s32 $0x2, v6;
	v7 =	vld [tilespmem:$0x1FF80]  }
0x133: {  	v3 =	vadd.s32 $0xE, v6;
	v8 =	vld.idx.msk [tilespmem:v12+s15+$0x0], $0xffff  }
0x134: {  	v20 =	vld.idx.msk [tilespmem:v2+s15+$0x0], $0xffff;
	v2 =	vadd.s32 $0x7, v4  }
0x135: {  	v25 =	vld.idx.msk [tilespmem:v14+s15+$0x0], $0xffff  }
0x136: {  	v39 =	vld.idx.msk [tilespmem:v0+s15+$0x0], $0xffff;
	v0 =	vadd.s32 $0x3, v4;
	[tilespmem:s29+$0x200] =	vst v10  }
0x137: {  	v31 =	vld.idx.msk [tilespmem:v28+s15+$0x0], $0xffff;
	v1 =	vadd.s32 $0x4, v4;
	[tilespmem:s29+$0x180] =	vst v7  }
0x138: {  	v28 =	vld.idx.msk [tilespmem:v3+s15+$0x0], $0xffff;
	v3 =	vadd.s32 $0x5, v4;
	[tilespmem:$0x1FF90] =	vst v8  }
0x139: {  	v7 =	vadd.s32 $0x6, v4;
	[tilespmem:s29+$0x280] =	vst v30;
	v2 =	vld.idx.msk [tilespmem:v2+s15+$0x0], $0xffff  }
0x13a: {  	v8 =	vadd.s32 $0x9, v4;
	[tilespmem:s29+$0x300] =	vst v40  }
0x13b: {  	v18 =	vld.idx.msk [tilespmem:v0+s15+$0x0], $0xffff;
	[tilespmem:s29+$0x380] =	vst v9  }
0x13c: {  	v17 =	vld.idx.msk [tilespmem:v1+s15+$0x0], $0xffff;
	[tilespmem:s29+$0x5080] =	vst v51  }
0x13d: {  	v14 =	vld.idx.msk [tilespmem:v3+s15+$0x0], $0xffff;
	[tilespmem:s29+$0x5100] =	vst v52  }
0x13e: {  	v16 =	vld.idx.msk [tilespmem:v7+s15+$0x0], $0xffff;
	[tilespmem:$0x1FFA0] =	vst v2  }
0x13f: {  	v7 =	vld.idx.msk [tilespmem:v8+s15+$0x0], $0xffff  }
0x140: {  	v0 =	vadd.s32 $0xA, v4;
	_ =	sdelay $0x2  }
0x141: {  	[tilespmem:s29+$0x5180] =	vst v53  }
0x142: {  	[tilespmem:$0x1FFB0] =	vst v7  }
0x143: {  	v0 =	vld.idx.msk [tilespmem:v0+s15+$0x0], $0xffff  }
0x144: {  	v1 =	vadd.s32 $0xB, v4;
	_ =	sdelay $0x2  }
0x145: {  	[tilespmem:s29+$0x5200] =	vst v54  }
0x146: {  	[tilespmem:$0x1FFC0] =	vst v0  }
0x147: {  	v1 =	vld.idx.msk [tilespmem:v1+s15+$0x0], $0xffff  }
0x148: {  	v3 =	vadd.s32 $0xC, v4;
	_ =	sdelay $0x2  }
0x149: {  	[tilespmem:s29+$0x5280] =	vst v55  }
0x14a: {  	[tilespmem:$0x1FFD0] =	vst v1  }
0x14b: {  	v3 =	vld.idx.msk [tilespmem:v3+s15+$0x0], $0xffff  }
0x14c: {  	v2 =	vadd.s32 $0xE, v4;
	_ =	sdelay $0x2  }
0x14d: {  	[tilespmem:s29+$0x5300] =	vst v56  }
0x14e: {  	[tilespmem:$0x1FFE0] =	vst v3  }
0x14f: {  	v12 =	vadd.s32 $0xD, v4;
	v2 =	vld.idx.msk [tilespmem:v2+s15+$0x0], $0xffff;
	_ =	sdelay $0x1  }
0x150: {  	v19 =	vadd.s32 $0xF, v4  }
0x151: {  	v0 =	vadd.s32 $0x1, v5;
	[tilespmem:s29+$0x5380] =	vst v62  }
0x152: {  	v1 =	vadd.s32 $0x2, v5;
	[tilespmem:s12+$0x80] =	vst v15  }
0x153: {  	v30 =	vadd.s32 $0x3, v5;
	v62 =	vld.idx.msk [tilespmem:v12+s15+$0x0], $0xffff;
	[tilespmem:$0x1FFF0] =	vst v2  }
0x154: {  	v11 =	vadd.s32 $0x4, v5;
	[tilespmem:s12+$0x100] =	vst v60  }
0x155: {  	s10 =	simm.s32 $0x40;
	s9 =	sshll.u32 s24, $0x6;
	v60 =	vld.idx.msk [tilespmem:v19+s15+$0x0], $0xffff;
	[tilespmem:s12+$0x180] =	vst v50  }
0x156: {  	s11 =	simm.s32 $0x50;
	s25 =	sshll.u32 s24, $0x1;
	s1 =	simm.s32 $0x4;
	v52 =	vadd.s32 $0xE, v5;
	v15 =	vld.idx.msk [tilespmem:v0+s15+$0x0], $0xffff;
	[tilespmem:s12+$0x200] =	vst v61  }
0x157: {  	s13 =	simm.s32 $0x60;
	s0 =	sor.u32 s4, s9;
	s8 =	sand.u32 $0x40, s10;
	v51 =	vadd.s32 $0xF, v5;
	v53 =	vadd.s32 $0xD, v5;
	v55 =	vadd.s32 $0x5, v5;
	v24 =	vld.idx.msk [tilespmem:v1+s15+$0x0], $0xffff;
	[tilespmem:s12+$0x280] =	vst v59  }
0x158: {  	s13 =	sand.u32 $0x60, s13;
	s10 =	sand.u32 $0x50, s11;
	s9 =	sadd.s32 s8, s6;
	v54 =	vadd.s32 $0xB, v5;
	v56 =	vadd.s32 $0x6, v5;
	v3 =	vadd.s32 $0x7, v5;
	v30 =	vld.idx.msk [tilespmem:v30+s15+$0x0], $0xffff;
	[tilespmem:s12+$0x300] =	vst v57  }
0x159: {  	s8 =	sadd.s32 s10, s6;
	s6 =	sadd.s32 s13, s6;
	s13 =	simm.s32 $0x570;
	v2 =	vadd.s32 $0x9, v5;
	v1 =	vadd.s32 $0xA, v5;
	v50 =	vadd.s32 $0xC, v5;
	[tilespmem:s12+$0x380] =	vst v58;
	v40 =	vld.idx.msk [tilespmem:v11+s15+$0x0], $0xffff  }
.LBB2_3:
0x15a: {  	_ =	sdelay $0x1  }
0x15b: {  	v7 =	vld.idx.msk [tilespmem:v55+s15+$0x0], $0xffff;
	_ =	sdelay $0x4  }
0x15c: {  	[tilespmem:$0x1FE10] =	vst v7;
	v7 =	vld.idx.msk [tilespmem:v56+s15+$0x0], $0xffff;
	_ =	sdelay $0x3  }
0x15d: {  	v0 =	vld [tilespmem:s13+$0x10];
	[tilespmem:s12+$0x5100] =	vst v33  }
0x15e: {  	[tilespmem:$0x1FE20] =	vst v7;
	v7 =	vld.idx.msk [tilespmem:v54+s15+$0x0], $0xffff  }
0x15f: {  	[tilespmem:s12+$0x5180] =	vst v44  }
0x160: {  	v11 =	vld [tilespmem:s13+$0xFFFFFFE0];
	[tilespmem:s12+$0x5200] =	vst v45  }
0x161: {  	[tilespmem:s12+$0x5280] =	vst v46;
	v2 =	vld.idx.msk [tilespmem:v2+s15+$0x0], $0xffff  }
0x162: {  	[tilespmem:s12+$0x5300] =	vst v47;
	v1 =	vld.idx.msk [tilespmem:v1+s15+$0x0], $0xffff  }
0x163: {  	[tilespmem:$0x1FE80] =	vst v7;
	v7 =	vld [tilespmem:$0x1FF50]  }
0x164: {  	[tilespmem:s12+$0x5380] =	vst v48;
	v55 =	vand.u32 $0xFF, v0  }
0x165: {  	[tilespmem:s12+$0x5080] =	vst v22;
	v57 =	vshrl.u32 v0, $0x8;
	v45 =	vmul.u32 $0x6, v55  }
0x166: {  	v3 =	vld.idx.msk [tilespmem:v3+s15+$0x0], $0xffff;
	[tilespmem:$0x1FE50] =	vst v2;
	v47 =	vand.u32 $0xFF, v57  }
0x167: {  	v2 =	vand.u32 $0xFF, v11;
	v0 =	vshrl.u32 v0, $0x10;
	[tilespmem:$0x1FE60] =	vst v1;
	v45 =	vadd.s32 v47, v45  }
0x168: {  	v33 =	vld [tilespmem:s13+$0x0];
	v1 =	vmul.u32 $0x6, v2;
	v0 =	vand.u32 $0xFF, v0;
	v2 =	vshll.u32 v45, $0x1;
	[tilespmem:s29+$0x0] =	vst v7  }
0x169: {  	[tilespmem:s26+$0x0] =	vst v49;
	v0 =	vadd.s32 v0, v2;
	v2 =	vld.idx.msk [tilespmem:v50+s15+$0x0], $0xffff  }
0x16a: {  	v22 =	vld [tilespmem:s13+$0xFFFFFFF0];
	[tilespmem:s28+$0x0] =	vst v63  }
0x16b: {  	s26 =	smov.u32 s9;
	[tilespmem:$0x1FE30] =	vst v3;
	v6 =	vld.idx.msk [tilespmem:v6+s15+$0x0], $0xffff  }
0x16c: {  	s28 =	smov.u32 s8;
	[tilespmem:s26+$0x5000] =	vst v23;
	v4 =	vld.idx.msk [tilespmem:v4+s15+$0x0], $0xffff  }
0x16d: {  	[tilespmem:s28+$0x5000] =	vst v26  }
0x16e: {  	[tilespmem:$0x1FE90] =	vst v2;
	v2 =	vld [tilespmem:$0x1FF60]  }
0x16f: {  	[tilespmem:s26+$0x80] =	vst v27;
	v63 =	vmul.u32 $0x11, v0;
	v0 =	vld.idx.msk [tilespmem:v53+s15+$0x0], $0xffff  }
0x170: {  	[tilespmem:s26+$0x100] =	vst v31  }
0x171: {  	[tilespmem:$0x1FE40] =	vst v4;
	v4 =	vadd.s32 $0x4, v63  }
0x172: {  	[tilespmem:s26+$0x180] =	vst v34;
	v56 =	vand.u32 $0xFF, v22  }
0x173: {  	v59 =	vshrl.u32 v11, $0x8;
	v3 =	vmul.u32 $0x6, v56;
	[tilespmem:s12+$0x0] =	vst v2;
	v2 =	vshrl.u32 v22, $0x8  }
0x174: {  	[tilespmem:$0x1FEA0] =	vst v0;
	v0 =	vand.u32 $0xFF, v59;
	v2 =	vand.u32 $0xFF, v2  }
0x175: {  	[tilespmem:s26+$0x200] =	vst v36;
	v0 =	vadd.s32 v0, v1;
	v1 =	vadd.s32 v2, v3;
	v2 =	vadd.s32 $0x1, v63;
	v3 =	vld.idx.msk [tilespmem:v51+s15+$0x0], $0xffff  }
0x176: {  	[tilespmem:s26+$0x280] =	vst v32;
	v4 =	vld.idx.msk [tilespmem:v4+s15+$0x0], $0xffff  }
0x177: {  	[tilespmem:s26+$0x300] =	vst v37  }
0x178: {  	[tilespmem:$0x1FE70] =	vst v6;
	v6 =	vshrl.u32 v22, $0x10  }
0x179: {  	[tilespmem:s26+$0x380] =	vst v38;
	v6 =	vand.u32 $0xFF, v6;
	v26 =	vadd.s32 $0x5, v63;
	v1 =	vshll.u32 v1, $0x1  }
0x17a: {  	v1 =	vadd.s32 v6, v1;
	[tilespmem:$0x1FEC0] =	vst v3;
	v3 =	vshrl.u32 v11, $0x10;
	v11 =	vadd.s32 $0x2, v63;
	v2 =	vld.idx.msk [tilespmem:v2+s15+$0x0], $0xffff  }
0x17b: {  	[tilespmem:$0x1FF10] =	vst v4;
	v4 =	vmul.u32 $0x11, v1;
	v1 =	vadd.s32 $0xA, v63  }
0x17c: {  	[tilespmem:s26+$0x5080] =	vst v42;
	v0 =	vshll.u32 v0, $0x1;
	v3 =	vand.u32 $0xFF, v3  }
0x17d: {  	[tilespmem:s26+$0x5100] =	vst v43;
	v0 =	vadd.s32 v3, v0  }
0x17e: {  	[tilespmem:s26+$0x5180] =	vst v41;
	v6 =	vmul.u32 $0x11, v0;
	v0 =	vld.idx.msk [tilespmem:v26+s15+$0x0], $0xffff  }
0x17f: {  	v58 =	vand.u32 $0xFF, v33;
	[tilespmem:$0x1FED0] =	vst v2;
	v2 =	vadd.s32 $0x6, v63;
	v3 =	vld.idx.msk [tilespmem:v11+s15+$0x0], $0xffff  }
0x180: {  	v61 =	vshrl.u32 v33, $0x8;
	[tilespmem:s26+$0x5200] =	vst v39;
	v22 =	vshrl.u32 v33, $0x10;
	v33 =	vld.idx.msk [tilespmem:v1+s15+$0x0], $0xffff;
	v1 =	vadd.s32 $0xF, v63  }
0x181: {  	[tilespmem:s26+$0x5280] =	vst v35  }
0x182: {  	[tilespmem:s26+$0x5300] =	vst v28;
	v5 =	vld.idx.msk [tilespmem:v5+s15+$0x0], $0xffff;
	v28 =	vadd.s32 $0x6, v6  }
0x183: {  	v7 =	vld.idx.msk [tilespmem:v52+s15+$0x0], $0xffff;
	v26 =	vadd.s32 $0x8, v4;
	[tilespmem:$0x1FF20] =	vst v0  }
0x184: {  	v51 =	vand.u32 $0x7, v4;
	v26 =	vand.u32 $0x7FFFFFF8, v26;
	[tilespmem:$0x1FEE0] =	vst v3;
	v3 =	vadd.s32 $0x7, v63;
	v0 =	vld.idx.msk [tilespmem:v2+s15+$0x0], $0xffff  }
0x185: {  	[tilespmem:s26+$0x5380] =	vst v25;
	v26 =	vor.u32 v51, v26;
	v48 =	vld.idx.msk [tilespmem:v1+s15+$0x0], $0xffff  }
0x186: {  	[tilespmem:s28+$0x80] =	vst v20;
	v1 =	vld [tilespmem:$0x1FF90]  }
0x187: {  	s29 =	smov.u32 s6;
	[tilespmem:$0x1FF50] =	vst v5;
	v37 =	vld.idx.msk [tilespmem:v28+s15+$0x0], $0xffff  }
0x188: {  	[tilespmem:s29+$0x5000] =	vst v29;
	v28 =	vld [tilespmem:$0x1FFC0]  }
0x189: {  	v29 =	vadd.s32 $0x9, v63;
	[tilespmem:$0x1FF30] =	vst v0;
	v0 =	vld.idx.msk [tilespmem:v3+s15+$0x0], $0xffff  }
0x18a: {  	v26 =	vld.idx.msk [tilespmem:v26+s15+$0x0], $0xffff;
	[tilespmem:s28+$0x180] =	vst v18  }
0x18b: {  	v25 =	vadd.s32 $0xA, v6;
	[tilespmem:s28+$0x200] =	vst v17  }
0x18c: {  	[tilespmem:s28+$0x100] =	vst v1;
	v1 =	vld [tilespmem:$0x1FFA0]  }
0x18d: {  	[tilespmem:s28+$0x5100] =	vst v28;
	v28 =	vld [tilespmem:$0x1FFD0]  }
0x18e: {  	[tilespmem:$0x1FF40] =	vst v0;
	v0 =	vld.idx.msk [tilespmem:v29+s15+$0x0], $0xffff  }
0x18f: {  	[tilespmem:s28+$0x280] =	vst v14  }
0x190: {  	[tilespmem:s28+$0x300] =	vst v16;
	v43 =	vld.idx.msk [tilespmem:v25+s15+$0x0], $0xffff  }
0x191: {  	v25 =	vld [tilespmem:$0x1FFF0];
	[tilespmem:s28+$0x380] =	vst v1  }
0x192: {  	v39 =	vadd.s32 $0x9, v6;
	v1 =	vld [tilespmem:$0x1FFB0];
	[tilespmem:s28+$0x5180] =	vst v28  }
0x193: {  	v28 =	vld [tilespmem:$0x1FFE0];
	[tilespmem:$0x1FF00] =	vst v0;
	v0 =	vadd.s32 $0xC, v6  }
0x194: {  	v46 =	vmul.u32 $0x6, v58;
	v21 =	vadd.s32 $0x2, v4;
	[tilespmem:s28+$0x5280] =	vst v62  }
0x195: {  	v9 =	vand.u32 $0xFF, v61;
	[tilespmem:s28+$0x5380] =	vst v60  }
0x196: {  	v10 =	vadd.s32 v9, v46;
	[tilespmem:s28+$0x5300] =	vst v25  }
0x197: {  	v5 =	vshll.u32 v10, $0x1;
	v22 =	vand.u32 $0xFF, v22;
	v42 =	vld.idx.msk [tilespmem:v39+s15+$0x0], $0xffff;
	[tilespmem:s28+$0x5080] =	vst v1  }
0x198: {  	v5 =	vadd.s32 v22, v5;
	[tilespmem:s28+$0x5200] =	vst v28;
	v39 =	vld.idx.msk [tilespmem:v0+s15+$0x0], $0xffff  }
0x199: {  	v5 =	vmul.u32 $0x11, v5;
	v0 =	vld.idx.msk [tilespmem:v21+s15+$0x0], $0xffff;
	_ =	sdelay $0x1  }
0x19a: {  	v31 =	vadd.s32 $0x8, v5  }
0x19b: {  	v52 =	vand.u32 $0x7, v5;
	v31 =	vand.u32 $0x7FFFFFF8, v31;
	v29 =	vadd.s32 $0xD, v63  }
0x19c: {  	v31 =	vor.u32 v52, v31  }
0x19d: {  	[tilespmem:$0x1FF90] =	vst v0;
	v0 =	vld [tilespmem:$0x1FE10];
	_ =	sdelay $0x2  }
0x19e: {  	v46 =	vld.idx.msk [tilespmem:v29+s15+$0x0], $0xffff  }
0x19f: {  	v29 =	vld.idx.msk [tilespmem:v31+s15+$0x0], $0xffff  }
0x1a0: {  	[tilespmem:s29+$0x280] =	vst v0;
	v0 =	vld [tilespmem:$0x1FE20];
	_ =	sdelay $0x4  }
0x1a1: {  	[tilespmem:s29+$0x300] =	vst v0;
	v0 =	vld [tilespmem:$0x1FE30];
	_ =	sdelay $0x3  }
0x1a2: {  	v49 =	vadd.s32 $0xE, v63  }
0x1a3: {  	[tilespmem:s29+$0x380] =	vst v0;
	v0 =	vld [tilespmem:$0x1FE50];
	_ =	sdelay $0x3  }
0x1a4: {  	v47 =	vld.idx.msk [tilespmem:v49+s15+$0x0], $0xffff  }
0x1a5: {  	v49 =	vadd.s32 $0x7, v4;
	[tilespmem:s29+$0x5080] =	vst v0;
	v0 =	vld [tilespmem:$0x1FE60];
	_ =	sdelay $0x4  }
0x1a6: {  	[tilespmem:s29+$0x5100] =	vst v0;
	v0 =	vld.idx.msk [tilespmem:v49+s15+$0x0], $0xffff;
	_ =	sdelay $0x4  }
0x1a7: {  	v8 =	vadd.s32 $0x9, v4;
	[tilespmem:$0x1FFA0] =	vst v0;
	v0 =	vld [tilespmem:$0x1FE80];
	_ =	sdelay $0x4  }
0x1a8: {  	[tilespmem:s29+$0x5180] =	vst v0;
	v0 =	vld.idx.msk [tilespmem:v8+s15+$0x0], $0xffff;
	_ =	sdelay $0x4  }
0x1a9: {  	v9 =	vadd.s32 $0xA, v4;
	[tilespmem:$0x1FFB0] =	vst v0;
	v0 =	vld [tilespmem:$0x1FE90];
	_ =	sdelay $0x4  }
0x1aa: {  	[tilespmem:s29+$0x5200] =	vst v0;
	v0 =	vld.idx.msk [tilespmem:v9+s15+$0x0], $0xffff;
	_ =	sdelay $0x4  }
0x1ab: {  	v10 =	vadd.s32 $0xB, v4;
	[tilespmem:$0x1FFC0] =	vst v0;
	v0 =	vld [tilespmem:$0x1FEA0];
	_ =	sdelay $0x4  }
0x1ac: {  	[tilespmem:s29+$0x5280] =	vst v0;
	v0 =	vld.idx.msk [tilespmem:v10+s15+$0x0], $0xffff;
	_ =	sdelay $0x3  }
0x1ad: {  	[tilespmem:$0x1FEB0] =	vst v7  }
0x1ae: {  	v11 =	vadd.s32 $0xC, v4;
	[tilespmem:$0x1FFD0] =	vst v0;
	v0 =	vld [tilespmem:$0x1FEB0];
	_ =	sdelay $0x4  }
0x1af: {  	[tilespmem:s29+$0x5300] =	vst v0;
	v0 =	vld.idx.msk [tilespmem:v11+s15+$0x0], $0xffff  }
0x1b0: {  	v23 =	vadd.s32 $0x3, v63;
	v7 =	vld.idx.msk [tilespmem:v63+s15+$0x0], $0xffff;
	_ =	sdelay $0x3  }
0x1b1: {  	v27 =	vadd.s32 $0x8, v63;
	[tilespmem:$0x1FFE0] =	vst v0;
	v0 =	vld [tilespmem:$0x1FEC0]  }
0x1b2: {  	[tilespmem:$0x1FF60] =	vst v7;
	v7 =	vld.idx.msk [tilespmem:v23+s15+$0x0], $0xffff;
	v23 =	vand.u32 $0x7FFFFFF8, v27;
	v27 =	vand.u32 $0x7, v63  }
0x1b3: {  	v23 =	vor.u32 v27, v23  }
0x1b4: {  	v2 =	vadd.s32 $0xB, v63  }
0x1b5: {  	v3 =	vadd.s32 $0xC, v63  }
0x1b6: {  	v13 =	vadd.s32 $0xE, v4;
	[tilespmem:s29+$0x5380] =	vst v0;
	v0 =	vld [tilespmem:$0x1FED0]  }
0x1b7: {  	s30 =	sadd.s32 $0x200, s30  }
0x1b8: {  	s31 =	sadd.s32 $0x40, s31;
	s11 =	sand.u32 $0x7C00, s30;
	v23 =	vld.idx.msk [tilespmem:v23+s15+$0x0], $0xffff  }
0x1b9: {  	s6 =	sadd.s32 $0x18D0, s11;
	s12 =	sand.u32 $0x70, s31;
	v44 =	vld.idx.msk [tilespmem:v2+s15+$0x0], $0xffff  }
0x1ba: {  	s12 =	sadd.s32 s12, s6;
	v45 =	vld.idx.msk [tilespmem:v3+s15+$0x0], $0xffff  }
0x1bb: {  	[tilespmem:s12+$0x80] =	vst v0;
	v0 =	vld.idx.msk [tilespmem:v13+s15+$0x0], $0xffff  }
0x1bc: {  	v54 =	vadd.s32 $0x4, v6  }
0x1bd: {  	v55 =	vadd.s32 $0x5, v6  }
0x1be: {  	v38 =	vadd.s32 $0x7, v6  }
0x1bf: {  	v41 =	vadd.s32 $0xB, v6  }
0x1c0: {  	[tilespmem:$0x1FFF0] =	vst v0;
	v0 =	vld [tilespmem:$0x1FEE0]  }
0x1c1: {  	[tilespmem:$0x1FEF0] =	vst v7;
	v22 =	vadd.s32 $0x8, v6;
	v7 =	vadd.s32 $0xD, v6;
	v36 =	vld.idx.msk [tilespmem:v54+s15+$0x0], $0xffff  }
0x1c2: {  	v50 =	vand.u32 $0x7, v6;
	v59 =	vadd.s32 $0xF, v6;
	v27 =	vand.u32 $0x7FFFFFF8, v22;
	v32 =	vld.idx.msk [tilespmem:v55+s15+$0x0], $0xffff  }
0x1c3: {  	v27 =	vor.u32 v50, v27;
	v38 =	vld.idx.msk [tilespmem:v38+s15+$0x0], $0xffff  }
0x1c4: {  	v41 =	vld.idx.msk [tilespmem:v41+s15+$0x0], $0xffff;
	v2 =	vadd.s32 $0x1, v6  }
0x1c5: {  	[tilespmem:s12+$0x100] =	vst v0;
	v0 =	vld [tilespmem:$0x1FEF0]  }
0x1c6: {  	v53 =	vadd.s32 $0x2, v6;
	v35 =	vld.idx.msk [tilespmem:v7+s15+$0x0], $0xffff  }
0x1c7: {  	v25 =	vld.idx.msk [tilespmem:v59+s15+$0x0], $0xffff;
	v3 =	vadd.s32 $0x3, v6  }
0x1c8: {  	v58 =	vadd.s32 $0xE, v6;
	[tilespmem:s12+$0x5000] =	vst v23;
	v23 =	vld.idx.msk [tilespmem:v27+s15+$0x0], $0xffff  }
0x1c9: {  	v20 =	vadd.s32 $0x1, v4;
	v27 =	vld.idx.msk [tilespmem:v2+s15+$0x0], $0xffff  }
0x1ca: {  	[tilespmem:s12+$0x180] =	vst v0;
	v0 =	vld [tilespmem:$0x1FF10]  }
0x1cb: {  	v61 =	vadd.s32 $0x3, v4;
	v31 =	vld.idx.msk [tilespmem:v53+s15+$0x0], $0xffff  }
0x1cc: {  	v19 =	vadd.s32 $0x4, v4;
	v34 =	vld.idx.msk [tilespmem:v3+s15+$0x0], $0xffff  }
0x1cd: {  	v63 =	vadd.s32 $0x5, v4;
	v28 =	vld.idx.msk [tilespmem:v58+s15+$0x0], $0xffff  }
0x1ce: {  	v20 =	vld.idx.msk [tilespmem:v20+s15+$0x0], $0xffff  }
0x1cf: {  	[tilespmem:s12+$0x200] =	vst v0;
	v0 =	vld [tilespmem:$0x1FF20]  }
0x1d0: {  	v57 =	vadd.s32 $0x6, v4;
	v58 =	vld.idx.msk [tilespmem:v61+s15+$0x0], $0xffff  }
0x1d1: {  	v12 =	vadd.s32 $0xD, v4;
	v59 =	vld.idx.msk [tilespmem:v19+s15+$0x0], $0xffff  }
0x1d2: {  	v14 =	vadd.s32 $0xF, v4;
	v19 =	vld.idx.msk [tilespmem:v63+s15+$0x0], $0xffff  }
0x1d3: {  	v63 =	vld [tilespmem:$0x1FE40]  }
0x1d4: {  	[tilespmem:s12+$0x280] =	vst v0;
	v0 =	vld [tilespmem:$0x1FF30]  }
0x1d5: {  	v22 =	vadd.s32 $0x1, v5;
	[tilespmem:s29+$0x80] =	vst v15;
	v7 =	vld.idx.msk [tilespmem:v57+s15+$0x0], $0xffff  }
0x1d6: {  	[tilespmem:s29+$0x100] =	vst v24;
	v62 =	vld.idx.msk [tilespmem:v12+s15+$0x0], $0xffff  }
0x1d7: {  	v16 =	vadd.s32 $0x2, v5;
	[tilespmem:s29+$0x180] =	vst v30;
	v60 =	vld.idx.msk [tilespmem:v14+s15+$0x0], $0xffff  }
0x1d8: {  	s1 =	sadd.s32 $0x4, s1;
	v17 =	vadd.s32 $0x3, v5;
	[tilespmem:s29+$0x200] =	vst v40;
	v49 =	vld [tilespmem:$0x1FE70]  }
0x1d9: {  	p1 =	slt.u32 s1, $0x9C;
	v18 =	vadd.s32 $0x4, v5;
	[tilespmem:s12+$0x300] =	vst v0;
	v0 =	vld [tilespmem:$0x1FF40]  }
.Ltmp4:
0x1da: {  	v15 =	vld.idx.msk [tilespmem:v22+s15+$0x0], $0xffff;
	(pc) =	sbr.rel @p1 .LBB2_3-.Ltmp4, $4  }
0x1db: {  	s10 =	sadd.s32 $0xFFFFFFE0, s31;
	v56 =	vadd.s32 $0x6, v5;
	v52 =	vadd.s32 $0xE, v5;
	v51 =	vadd.s32 $0xF, v5;
	v22 =	vld [tilespmem:$0x1FF00]  }
0x1dc: {  	s10 =	sand.u32 $0x50, s10;
	s8 =	sadd.s32 $0xFFFFFFD0, s31;
	s11 =	sadd.s32 $0xFFFFFFF0, s31;
	v50 =	vadd.s32 $0xC, v5;
	v55 =	vadd.s32 $0x5, v5;
	v54 =	vadd.s32 $0xB, v5;
	v24 =	vld.idx.msk [tilespmem:v16+s15+$0x0], $0xffff  }
0x1dd: {  	s13 =	sadd.s32 $0x40, s13;
	s8 =	sand.u32 $0x40, s8;
	s11 =	sand.u32 $0x60, s11;
	v1 =	vadd.s32 $0xA, v5;
	v3 =	vadd.s32 $0x7, v5;
	v2 =	vadd.s32 $0x9, v5;
	v30 =	vld.idx.msk [tilespmem:v17+s15+$0x0], $0xffff  }
0x1de: {  	s9 =	sadd.s32 s8, s6;
	s8 =	sadd.s32 s10, s6;
	s6 =	sadd.s32 s11, s6;
	v53 =	vadd.s32 $0xD, v5;
	v14 =	vmovc v19;
	v16 =	vmovc v7;
	v17 =	vmov v59;
	v40 =	vld.idx.msk [tilespmem:v18+s15+$0x0], $0xffff;
	v18 =	vmov v58;
	[tilespmem:s12+$0x380] =	vst v0  }
0x1df: {  	_ = 	snop  }
0x1e0: {  	[tilespmem:s12+$0x5100] =	vst v33  }
0x1e1: {  	[tilespmem:s12+$0x5180] =	vst v44  }
0x1e2: {  	[tilespmem:s12+$0x5200] =	vst v45  }
0x1e3: {  	v0 =	vld.idx.msk [tilespmem:v55+s15+$0x0], $0xffff;
	[tilespmem:s12+$0x5280] =	vst v46  }
0x1e4: {  	v7 =	vld.idx.msk [tilespmem:v56+s15+$0x0], $0xffff;
	[tilespmem:s12+$0x5300] =	vst v47  }
0x1e5: {  	v3 =	vld.idx.msk [tilespmem:v3+s15+$0x0], $0xffff;
	[tilespmem:s12+$0x5380] =	vst v48  }
0x1e6: {  	v2 =	vld.idx.msk [tilespmem:v2+s15+$0x0], $0xffff;
	[tilespmem:s26+$0x0] =	vst v49  }
0x1e7: {  	v1 =	vld.idx.msk [tilespmem:v1+s15+$0x0], $0xffff;
	[tilespmem:s28+$0x0] =	vst v63  }
0x1e8: {  	v8 =	vld.idx.msk [tilespmem:v54+s15+$0x0], $0xffff;
	[tilespmem:s12+$0x5080] =	vst v22  }
0x1e9: {  	v12 =	vld [tilespmem:$0x1FF50]  }
0x1ea: {  	v9 =	vld.idx.msk [tilespmem:v50+s15+$0x0], $0xffff  }
0x1eb: {  	v10 =	vld.idx.msk [tilespmem:v53+s15+$0x0], $0xffff  }
0x1ec: {  	v11 =	vld.idx.msk [tilespmem:v52+s15+$0x0], $0xffff  }
0x1ed: {  	v63 =	vld.idx.msk [tilespmem:v51+s15+$0x0], $0xffff  }
0x1ee: {  	v6 =	vld.idx.msk [tilespmem:v6+s15+$0x0], $0xffff;
	[tilespmem:s29+$0x0] =	vst v12  }
0x1ef: {  	v13 =	vld [tilespmem:$0x1FF60];
	[tilespmem:s9+$0x5000] =	vst v23  }
0x1f0: {  	v4 =	vld.idx.msk [tilespmem:v4+s15+$0x0], $0xffff;
	[tilespmem:s8+$0x5000] =	vst v26  }
0x1f1: {  	v5 =	vld.idx.msk [tilespmem:v5+s15+$0x0], $0xffff;
	[tilespmem:s6+$0x5000] =	vst v29  }
0x1f2: {  	[tilespmem:s9+$0x80] =	vst v27  }
0x1f3: {  	[tilespmem:s9+$0x100] =	vst v31  }
0x1f4: {  	[tilespmem:s9+$0x180] =	vst v34  }
0x1f5: {  	[tilespmem:s9+$0x200] =	vst v36  }
0x1f6: {  	[tilespmem:s9+$0x280] =	vst v32  }
0x1f7: {  	[tilespmem:s9+$0x300] =	vst v37  }
0x1f8: {  	[tilespmem:s9+$0x380] =	vst v38  }
0x1f9: {  	[tilespmem:s9+$0x5080] =	vst v42  }
0x1fa: {  	[tilespmem:s9+$0x5100] =	vst v43  }
0x1fb: {  	[tilespmem:s9+$0x5180] =	vst v41  }
0x1fc: {  	[tilespmem:s9+$0x5200] =	vst v39  }
0x1fd: {  	[tilespmem:s9+$0x5280] =	vst v35  }
0x1fe: {  	[tilespmem:s9+$0x5300] =	vst v28  }
0x1ff: {  	[tilespmem:s9+$0x5380] =	vst v25  }
0x200: {  	[tilespmem:s8+$0x80] =	vst v20  }
0x201: {  	[tilespmem:s12+$0x0] =	vst v13  }
0x202: {  	v13 =	vld [tilespmem:$0x1FF90]  }
0x203: {  	[tilespmem:s8+$0x180] =	vst v18  }
0x204: {  	[tilespmem:s8+$0x200] =	vst v17  }
0x205: {  	[tilespmem:s8+$0x280] =	vst v14  }
0x206: {  	[tilespmem:s8+$0x300] =	vst v16  }
0x207: {  	[tilespmem:s8+$0x100] =	vst v13  }
0x208: {  	v13 =	vld [tilespmem:$0x1FFA0];
	_ =	sdelay $0x4  }
0x209: {  	[tilespmem:s8+$0x380] =	vst v13  }
0x20a: {  	v13 =	vld [tilespmem:$0x1FFB0];
	_ =	sdelay $0x4  }
0x20b: {  	[tilespmem:s8+$0x5080] =	vst v13  }
0x20c: {  	v13 =	vld [tilespmem:$0x1FFC0];
	_ =	sdelay $0x4  }
0x20d: {  	[tilespmem:s8+$0x5100] =	vst v13  }
0x20e: {  	v13 =	vld [tilespmem:$0x1FFD0];
	_ =	sdelay $0x4  }
0x20f: {  	[tilespmem:s8+$0x5180] =	vst v13  }
0x210: {  	v13 =	vld [tilespmem:$0x1FFE0];
	_ =	sdelay $0x3  }
0x211: {  	[tilespmem:s8+$0x5280] =	vst v62  }
0x212: {  	[tilespmem:s8+$0x5200] =	vst v13  }
0x213: {  	v13 =	vld [tilespmem:$0x1FFF0];
	[tilespmem:s8+$0x5380] =	vst v60  }
0x214: {  	[tilespmem:s6+$0x80] =	vst v15  }
0x215: {  	[tilespmem:s6+$0x100] =	vst v24  }
0x216: {  	[tilespmem:s6+$0x180] =	vst v30  }
0x217: {  	[tilespmem:s6+$0x200] =	vst v40  }
0x218: {  	[tilespmem:s6+$0x280] =	vst v0  }
0x219: {  	[tilespmem:s6+$0x300] =	vst v7  }
0x21a: {  	[tilespmem:s6+$0x380] =	vst v3  }
0x21b: {  	[tilespmem:s6+$0x5080] =	vst v2  }
0x21c: {  	[tilespmem:s6+$0x5100] =	vst v1  }
0x21d: {  	[tilespmem:s6+$0x5180] =	vst v8  }
0x21e: {  	[tilespmem:s6+$0x5200] =	vst v9  }
0x21f: {  	[tilespmem:s6+$0x5280] =	vst v10  }
0x220: {  	[tilespmem:s6+$0x5300] =	vst v11  }
0x221: {  	[tilespmem:s6+$0x5380] =	vst v63  }
0x222: {  	s0 =	smul.u32 $0x5000, s0;
	s1 =	sadd.s32 $0x2, s25;
	[tilespmem:s9+$0x0] =	vst v6  }
0x223: {  	p1 =	sge.u32 s1, s7;
	[tilespmem:s8+$0x0] =	vst v4  }
0x224: {  	s0 =	sshrl.u32 s0, $0x3;
	s1 =	sshll.u32 @!p1 s1, $0x5;
	[tilespmem:s6+$0x0] =	vst v5  }
0x225: {  	s0 =	sadd.s32 s2, s0;
	s1 =	sor.u32 @!p1 s4, s1;
	[tilespmem:s8+$0x5300] =	vst v13  }
0x226: {  	[hbm4b:s0+s3] =	stream.linear.scatter [tilespmem:s16], [sflag:$0x3], $0x5000, $0x38;
	[tilespmem:$0x158D0] =	vst v63  }
0x227: {  	s1 =	smul.u32 @!p1 $0x140, s1;
	s0 =	sadd.s32 $0x30D400, s0  }
0x228: {  	[hbm4b:s0+s3] =	stream.linear.scatter [tilespmem:s17], [sflag:$0x3], $0x5000, $0x38;
	[tilespmem:$0x158D0] =	vst v63  }
0x229: {  	s6 =	simm.s32 @!p1 $0x4D0;
	s0 =	sadd.s32 @!p1 s5, s1;
	s1 =	simm.s32 @!p1 $0x0  }
0x22a: {  	[tilespmem:s6], [sflag:$0x1] =	stream.linear.gather @!p1 [hbm4b:s0+s1], $0xA00, $0x38;
	[tilespmem:$0x158D0] =	vst v63  }
0x22b: {  	s0 =	sor.u32 $0x1, s25  }
0x22c: {  	p1 =	sge.u32 s0, s7  }
.Ltmp5:
0x22d: {  	_ = 	snop;
	(pc) =	sbr.rel @p1 .LBB2_8-.Ltmp5, $1  }
0x22e: {  	_ =	sdelay $0x3  }
0x22f: {  	_ =	swait.ge [sflag:s18], $0xA00  }
0x230: {  	[sflag:s18] =	ssyncset.done $0x0  }
0x231: {  	s1 =	simm.s32 @!p0 $0x4;
	[sflag:s18] =	ssyncadd.s32 $0xFFFFF600  }
0x232: {  	_ =	swait.ge @!p0 [sflag:s1], $0x5000  }
0x233: {  	[sflag:s1] =	ssyncset.done @!p0 $0x0  }
0x234: {  	[sflag:s1] =	ssyncadd.s32 @!p0 $0xFFFFB000  }
0x235: {  	_ =	swait.ge @!p0 [sflag:s1], $0x5000  }
0x236: {  	[sflag:s1] =	ssyncset.done @!p0 $0x0  }
0x237: {  	s10 =	simm.s32 $0xF00;
	[sflag:s1] =	ssyncadd.s32 @!p0 $0xFFFFB000  }
0x238: {  	v0 =	vld [tilespmem:s10+$0x0];
	_ =	sdelay $0x4  }
0x239: {  	v3 =	vand.u32 $0xFF, v0  }
0x23a: {  	v1 =	vld [tilespmem:s10+$0xFFFFFFE0];
	v5 =	vshrl.u32 v0, $0x8;
	v3 =	vmul.u32 $0x6, v3  }
0x23b: {  	v2 =	vld [tilespmem:s10+$0xFFFFFFD0];
	v5 =	vand.u32 $0xFF, v5  }
0x23c: {  	v0 =	vshrl.u32 v0, $0x10;
	v3 =	vadd.s32 v5, v3  }
0x23d: {  	v0 =	vand.u32 $0xFF, v0;
	v3 =	vshll.u32 v3, $0x1  }
0x23e: {  	v0 =	vadd.s32 v0, v3  }
0x23f: {  	v0 =	vmul.u32 $0x11, v0  }
0x240: {  	v6 =	vand.u32 $0xFF, v2;
	v7 =	vshrl.u32 v2, $0x8;
	v8 =	vshrl.u32 v1, $0x8  }
0x241: {  	v4 =	vld [tilespmem:s10+$0xFFFFFFF0];
	v6 =	vmul.u32 $0x6, v6;
	v5 =	vand.u32 $0xFF, v1;
	v10 =	vadd.s32 $0x1, v0  }
0x242: {  	v7 =	vand.u32 $0xFF, v7;
	v5 =	vmul.u32 $0x6, v5;
	v11 =	vadd.s32 $0x2, v0  }
0x243: {  	v8 =	vand.u32 $0xFF, v8;
	v6 =	vadd.s32 v7, v6;
	v7 =	vadd.s32 $0x3, v0  }
0x244: {  	v5 =	vadd.s32 v8, v5;
	v8 =	vadd.s32 $0x4, v0  }
0x245: {  	v2 =	vshrl.u32 v2, $0x10;
	v54 =	vshrl.u32 v1, $0x10;
	v12 =	vadd.s32 $0x5, v0;
	v1 =	vld.idx.msk [tilespmem:v0+s15+$0x0], $0xffff  }
0x246: {  	v9 =	vshrl.u32 v4, $0x8;
	v2 =	vand.u32 $0xFF, v2;
	v55 =	vadd.s32 $0x6, v0;
	v29 =	vld.idx.msk [tilespmem:v10+s15+$0x0], $0xffff  }
0x247: {  	v6 =	vshll.u32 v6, $0x1;
	v3 =	vand.u32 $0xFF, v4;
	v56 =	vadd.s32 $0x7, v0;
	v38 =	vld.idx.msk [tilespmem:v11+s15+$0x0], $0xffff  }
0x248: {  	v4 =	vshrl.u32 v4, $0x10;
	v2 =	vadd.s32 v2, v6;
	v14 =	vadd.s32 $0x9, v0;
	v42 =	vld.idx.msk [tilespmem:v7+s15+$0x0], $0xffff  }
0x249: {  	v3 =	vmul.u32 $0x6, v3;
	v22 =	vmul.u32 $0x11, v2;
	v6 =	vadd.s32 $0xA, v0;
	v43 =	vld.idx.msk [tilespmem:v8+s15+$0x0], $0xffff  }
0x24a: {  	v9 =	vand.u32 $0xFF, v9;
	v4 =	vand.u32 $0xFF, v4;
	v57 =	vadd.s32 $0xD, v0;
	v44 =	vld.idx.msk [tilespmem:v12+s15+$0x0], $0xffff  }
0x24b: {  	v5 =	vshll.u32 v5, $0x1;
	v3 =	vadd.s32 v9, v3;
	v62 =	vadd.s32 $0xB, v22;
	v45 =	vld.idx.msk [tilespmem:v55+s15+$0x0], $0xffff  }
0x24c: {  	v13 =	vadd.s32 $0x8, v0;
	v9 =	vand.u32 $0xFF, v54;
	v63 =	vadd.s32 $0xC, v22;
	v46 =	vld.idx.msk [tilespmem:v56+s15+$0x0], $0xffff  }
0x24d: {  	v49 =	vadd.s32 $0xD, v22;
	v3 =	vshll.u32 v3, $0x1;
	v5 =	vadd.s32 v9, v5;
	v47 =	vld.idx.msk [tilespmem:v14+s15+$0x0], $0xffff  }
0x24e: {  	v7 =	vand.u32 $0x7FFFFFF8, v13;
	v13 =	vand.u32 $0x7, v0;
	v8 =	vadd.s32 $0xB, v0;
	v50 =	vld.idx.msk [tilespmem:v6+s15+$0x0], $0xffff  }
0x24f: {  	v2 =	vadd.s32 v4, v3;
	v3 =	vmul.u32 $0x11, v5;
	v56 =	vld.idx.msk [tilespmem:v57+s15+$0x0], $0xffff;
	v7 =	vor.u32 v13, v7  }
0x250: {  	v4 =	vadd.s32 $0xC, v0;
	v30 =	vld.idx.msk [tilespmem:v62+s15+$0x0], $0xffff  }
0x251: {  	v5 =	vadd.s32 $0x8, v22;
	v2 =	vmul.u32 $0x11, v2;
	v52 =	vadd.s32 $0x3, v3;
	v28 =	vld.idx.msk [tilespmem:v63+s15+$0x0], $0xffff  }
0x252: {  	v5 =	vand.u32 $0x7FFFFFF8, v5;
	v53 =	vadd.s32 $0x4, v3;
	v12 =	vand.u32 $0x7, v22;
	v27 =	vld.idx.msk [tilespmem:v49+s15+$0x0], $0xffff  }
0x253: {  	v59 =	vadd.s32 $0x8, v2;
	v5 =	vor.u32 v12, v5;
	v54 =	vld.idx.msk [tilespmem:v8+s15+$0x0], $0xffff  }
0x254: {  	v61 =	vand.u32 $0x7, v2;
	v8 =	vand.u32 $0x7FFFFFF8, v59;
	v48 =	vld.idx.msk [tilespmem:v7+s15+$0x0], $0xffff;
	v7 =	vadd.s32 $0xE, v0  }
0x255: {  	v58 =	vadd.s32 $0x8, v3;
	v55 =	vld.idx.msk [tilespmem:v4+s15+$0x0], $0xffff;
	v4 =	vor.u32 v61, v8;
	v8 =	vadd.s32 $0x1, v22  }
0x256: {  	v6 =	vand.u32 $0x7FFFFFF8, v58;
	v58 =	vadd.s32 $0x9, v3;
	v24 =	vld.idx.msk [tilespmem:v52+s15+$0x0], $0xffff  }
0x257: {  	v21 =	vld.idx.msk [tilespmem:v53+s15+$0x0], $0xffff;
	v0 =	vadd.s32 $0xF, v0  }
0x258: {  	v40 =	vld.idx.msk [tilespmem:v5+s15+$0x0], $0xffff;
	v5 =	vadd.s32 $0x4, v22  }
0x259: {  	v57 =	vld.idx.msk [tilespmem:v7+s15+$0x0], $0xffff;
	v7 =	vadd.s32 $0x2, v22  }
0x25a: {  	v60 =	vand.u32 $0x7, v3;
	v36 =	vld.idx.msk [tilespmem:v8+s15+$0x0], $0xffff;
	v8 =	vadd.s32 $0x7, v22  }
0x25b: {  	v6 =	vor.u32 v60, v6;
	v17 =	vld.idx.msk [tilespmem:v58+s15+$0x0], $0xffff  }
0x25c: {  	v12 =	vadd.s32 $0x7, v3;
	v41 =	vld.idx.msk [tilespmem:v0+s15+$0x0], $0xffff  }
0x25d: {  	v0 =	vadd.s32 $0x3, v22;
	v33 =	vld.idx.msk [tilespmem:v5+s15+$0x0], $0xffff  }
0x25e: {  	v35 =	vld.idx.msk [tilespmem:v7+s15+$0x0], $0xffff;
	v7 =	vadd.s32 $0x9, v22  }
0x25f: {  	v5 =	vld.idx.msk [tilespmem:v8+s15+$0x0], $0xffff;
	v8 =	vadd.s32 $0xE, v22  }
0x260: {  	v60 =	vadd.s32 $0xB, v3;
	v39 =	vld.idx.msk [tilespmem:v6+s15+$0x0], $0xffff  }
0x261: {  	v59 =	vadd.s32 $0xA, v3;
	v18 =	vld.idx.msk [tilespmem:v12+s15+$0x0], $0xffff  }
0x262: {  	v34 =	vld.idx.msk [tilespmem:v0+s15+$0x0], $0xffff;
	v0 =	vadd.s32 $0xA, v22  }
0x263: {  	v32 =	vld.idx.msk [tilespmem:v7+s15+$0x0], $0xffff;
	v7 =	vadd.s32 $0xF, v22  }
0x264: {  	v26 =	vld.idx.msk [tilespmem:v8+s15+$0x0], $0xffff;
	v8 =	vadd.s32 $0x5, v3  }
0x265: {  	v11 =	vld.idx.msk [tilespmem:v60+s15+$0x0], $0xffff  }
0x266: {  	v6 =	vadd.s32 $0x5, v22;
	v16 =	vld.idx.msk [tilespmem:v59+s15+$0x0], $0xffff  }
0x267: {  	v31 =	vld.idx.msk [tilespmem:v0+s15+$0x0], $0xffff;
	v0 =	vadd.s32 $0x1, v3  }
0x268: {  	v23 =	vld.idx.msk [tilespmem:v7+s15+$0x0], $0xffff;
	v7 =	vadd.s32 $0x6, v3  }
0x269: {  	v20 =	vld.idx.msk [tilespmem:v8+s15+$0x0], $0xffff;
	v8 =	vadd.s32 $0xC, v3  }
0x26a: {  	v62 =	vadd.s32 $0x1, v2;
	v37 =	vld.idx.msk [tilespmem:v4+s15+$0x0], $0xffff  }
0x26b: {  	v51 =	vadd.s32 $0x2, v3;
	v6 =	vld.idx.msk [tilespmem:v6+s15+$0x0], $0xffff  }
0x26c: {  	v12 =	vadd.s32 $0xE, v3;
	v25 =	vld.idx.msk [tilespmem:v0+s15+$0x0], $0xffff  }
0x26d: {  	v4 =	vadd.s32 $0x6, v22;
	v19 =	vld.idx.msk [tilespmem:v7+s15+$0x0], $0xffff  }
0x26e: {  	v7 =	vadd.s32 $0xD, v3;
	v14 =	vld.idx.msk [tilespmem:v8+s15+$0x0], $0xffff  }
0x26f: {  	v61 =	vadd.s32 $0xF, v3;
	v8 =	vld.idx.msk [tilespmem:v62+s15+$0x0], $0xffff  }
0x270: {  	v0 =	vld.idx.msk [tilespmem:v51+s15+$0x0], $0xffff;
	v51 =	vadd.s32 $0x3, v2  }
0x271: {  	v12 =	vld.idx.msk [tilespmem:v12+s15+$0x0], $0xffff  }
0x272: {  	v4 =	vld.idx.msk [tilespmem:v4+s15+$0x0], $0xffff  }
0x273: {  	v13 =	vld.idx.msk [tilespmem:v7+s15+$0x0], $0xffff  }
0x274: {  	v7 =	vld.idx.msk [tilespmem:v61+s15+$0x0], $0xffff;
	[tilespmem:$0x1FD80] =	vst v8  }
0x275: {  	v49 =	vadd.s32 $0x2, v2;
	v63 =	vld.idx.msk [tilespmem:v51+s15+$0x0], $0xffff;
	_ =	sdelay $0x1  }
0x276: {  	s11 =	simm.s32 $0x0;
	v52 =	vadd.s32 $0x4, v2  }
0x277: {  	s6 =	simm.s32 $0x30;
	s1 =	sand.u32 $0x7C00, s11  }
0x278: {  	s6 =	sand.u32 $0x70, s6;
	s1 =	sadd.s32 $0xB8D0, s1  }
0x279: {  	s6 =	sadd.s32 s6, s1;
	v8 =	vld.idx.msk [tilespmem:v49+s15+$0x0], $0xffff;
	[tilespmem:$0x1FD90] =	vst v63  }
0x27a: {  	[tilespmem:s6+$0x5000] =	vst v48  }
0x27b: {  	s8 =	simm.s32 $0xF40;
	v49 =	vadd.s32 $0x5, v2;
	v10 =	vld.idx.msk [tilespmem:v52+s15+$0x0], $0xffff;
	[tilespmem:s6+$0x80] =	vst v29  }
0x27c: {  	v48 =	vadd.s32 $0x6, v2;
	v52 =	vld [tilespmem:s8+$0x0];
	[tilespmem:s6+$0x100] =	vst v38  }
0x27d: {  	v60 =	vadd.s32 $0xA, v2;
	v58 =	vld [tilespmem:s8+$0xFFFFFFE0];
	[tilespmem:s6+$0x180] =	vst v42  }
0x27e: {  	v59 =	vld [tilespmem:s8+$0xFFFFFFF0];
	[tilespmem:s6+$0x200] =	vst v43;
	v43 =	vadd.s32 $0xC, v2  }
0x27f: {  	v42 =	vld [tilespmem:s8+$0xFFFFFFD0];
	[tilespmem:s6+$0x380] =	vst v46;
	v46 =	vadd.s32 $0xE, v2  }
0x280: {  	v29 =	vld.idx.msk [tilespmem:v49+s15+$0x0], $0xffff;
	[tilespmem:s6+$0x280] =	vst v44  }
0x281: {  	v53 =	vadd.s32 $0x9, v2;
	v51 =	vadd.s32 $0x7, v2;
	[tilespmem:s6+$0x300] =	vst v45;
	v9 =	vand.u32 $0xFF, v52;
	v38 =	vld.idx.msk [tilespmem:v48+s15+$0x0], $0xffff  }
0x282: {  	[tilespmem:s6+$0x5080] =	vst v47;
	v49 =	vshrl.u32 v52, $0x8;
	v62 =	vshrl.u32 v52, $0x10;
	v52 =	vld.idx.msk [tilespmem:v60+s15+$0x0], $0xffff;
	v44 =	vmul.u32 $0x6, v9  }
0x283: {  	v61 =	vadd.s32 $0xB, v2;
	[tilespmem:s6+$0x5180] =	vst v54;
	v54 =	vld.idx.msk [tilespmem:v43+s15+$0x0], $0xffff;
	v45 =	vand.u32 $0xFF, v49  }
0x284: {  	v47 =	vadd.s32 $0xF, v2;
	[tilespmem:s6+$0x5280] =	vst v56;
	v56 =	vld.idx.msk [tilespmem:v46+s15+$0x0], $0xffff;
	v44 =	vadd.s32 v45, v44  }
0x285: {  	v48 =	vadd.s32 $0xD, v2;
	v2 =	vld.idx.msk [tilespmem:v2+s15+$0x0], $0xffff;
	v63 =	vand.u32 $0xFF, v62;
	v44 =	vshll.u32 v44, $0x1  }
0x286: {  	[tilespmem:s6+$0x5100] =	vst v50;
	v9 =	vld.idx.msk [tilespmem:v51+s15+$0x0], $0xffff;
	v44 =	vadd.s32 v63, v44  }
0x287: {  	[tilespmem:s6+$0x5200] =	vst v55;
	v51 =	vld.idx.msk [tilespmem:v53+s15+$0x0], $0xffff;
	v44 =	vmul.u32 $0x11, v44  }
0x288: {  	s12 =	simm.s32 $0x0;
	[tilespmem:s6+$0x5300] =	vst v57;
	v53 =	vld.idx.msk [tilespmem:v61+s15+$0x0], $0xffff  }
0x289: {  	s8 =	sand.u32 $0x40, s12;
	[tilespmem:s6+$0x5380] =	vst v41;
	v62 =	vand.u32 $0xFF, v59;
	v49 =	vld.idx.msk [tilespmem:v22+s15+$0x0], $0xffff  }
0x28a: {  	[tilespmem:s6+$0x0] =	vst v1;
	s26 =	sadd.s32 s8, s1;
	v46 =	vmul.u32 $0x6, v62;
	v62 =	vld.idx.msk [tilespmem:v47+s15+$0x0], $0xffff  }
0x28b: {  	[tilespmem:s26+$0x5000] =	vst v40;
	v55 =	vld.idx.msk [tilespmem:v48+s15+$0x0], $0xffff;
	v63 =	vshrl.u32 v59, $0x8  }
0x28c: {  	v22 =	vand.u32 $0xFF, v63;
	v63 =	vld.idx.msk [tilespmem:v3+s15+$0x0], $0xffff;
	[tilespmem:$0x1FD60] =	vst v2  }
0x28d: {  	v15 =	vld.idx.msk [tilespmem:v44+s15+$0x0], $0xffff  }
0x28e: {  	s9 =	simm.s32 $0x10  }
0x28f: {  	s9 =	sand.u32 $0x50, s9;
	v61 =	vand.u32 $0xFF, v42  }
0x290: {  	s10 =	simm.s32 $0x20;
	s28 =	sadd.s32 s9, s1;
	v60 =	vand.u32 $0xFF, v58;
	v50 =	vshrl.u32 v42, $0x8;
	v45 =	vmul.u32 $0x6, v61  }
0x291: {  	s13 =	sand.u32 $0x60, s10;
	v43 =	vmul.u32 $0x6, v60;
	v57 =	vand.u32 $0xFF, v50;
	v48 =	vshrl.u32 v58, $0x8;
	[tilespmem:s28+$0x5000] =	vst v39  }
0x292: {  	s29 =	sadd.s32 s13, s1;
	v1 =	vand.u32 $0xFF, v48;
	v3 =	vadd.s32 v57, v45;
	v2 =	vshrl.u32 v42, $0x10;
	[tilespmem:$0x1FD70] =	vst v15  }
0x293: {  	v57 =	vshrl.u32 v58, $0x10;
	v1 =	vadd.s32 v1, v43;
	v60 =	vadd.s32 $0x1, v44;
	[tilespmem:s29+$0x5000] =	vst v37  }
0x294: {  	v22 =	vadd.s32 v22, v46;
	v46 =	vshrl.u32 v59, $0x10;
	v50 =	vadd.s32 $0x2, v44;
	[tilespmem:s26+$0x80] =	vst v36  }
0x295: {  	v3 =	vshll.u32 v3, $0x1;
	v2 =	vand.u32 $0xFF, v2;
	v48 =	vadd.s32 $0x3, v44;
	[tilespmem:s26+$0x100] =	vst v35  }
0x296: {  	v42 =	vand.u32 $0xFF, v57;
	v40 =	vadd.s32 $0x4, v44;
	v39 =	vadd.s32 $0x5, v44;
	[tilespmem:s26+$0x180] =	vst v34  }
0x297: {  	v58 =	vadd.s32 $0x8, v44;
	v61 =	vand.u32 $0x7, v44;
	v1 =	vshll.u32 v1, $0x1;
	[tilespmem:s26+$0x200] =	vst v33  }
0x298: {  	v22 =	vshll.u32 v22, $0x1;
	v2 =	vadd.s32 v2, v3;
	v3 =	vadd.s32 $0xB, v44;
	v15 =	vld.idx.msk [tilespmem:v60+s15+$0x0], $0xffff;
	[tilespmem:s26+$0x280] =	vst v6  }
0x299: {  	v45 =	vadd.s32 $0xA, v44;
	v43 =	vand.u32 $0x7FFFFFF8, v58;
	v60 =	vld.idx.msk [tilespmem:v50+s15+$0x0], $0xffff;
	v36 =	vadd.s32 $0x7, v44;
	[tilespmem:s26+$0x300] =	vst v4  }
0x29a: {  	v1 =	vadd.s32 v42, v1;
	v47 =	vor.u32 v61, v43;
	v50 =	vld.idx.msk [tilespmem:v48+s15+$0x0], $0xffff;
	v48 =	vadd.s32 $0x9, v44;
	[tilespmem:s26+$0x380] =	vst v5  }
0x29b: {  	v37 =	vadd.s32 $0x6, v44;
	v35 =	vand.u32 $0xFF, v46;
	v4 =	vmul.u32 $0x11, v1;
	[tilespmem:s26+$0x5080] =	vst v32  }
0x29c: {  	v61 =	vld.idx.msk [tilespmem:v40+s15+$0x0], $0xffff;
	v1 =	vadd.s32 $0xD, v44;
	v32 =	vadd.s32 $0xE, v44;
	[tilespmem:s26+$0x5100] =	vst v31;
	v46 =	vadd.s32 v35, v22  }
0x29d: {  	v31 =	vadd.s32 $0xF, v44;
	[tilespmem:s26+$0x5180] =	vst v30;
	v35 =	vadd.s32 $0xC, v44;
	v44 =	vld.idx.msk [tilespmem:v3+s15+$0x0], $0xffff;
	v5 =	vmul.u32 $0x11, v46  }
0x29e: {  	[tilespmem:s26+$0x5200] =	vst v28;
	v42 =	vld.idx.msk [tilespmem:v36+s15+$0x0], $0xffff;
	v36 =	vadd.s32 $0x8, v4  }
0x29f: {  	[tilespmem:s26+$0x5280] =	vst v27;
	v30 =	vand.u32 $0x7, v4;
	v22 =	vld.idx.msk [tilespmem:v48+s15+$0x0], $0xffff;
	v48 =	vadd.s32 $0x8, v5;
	v3 =	vand.u32 $0x7FFFFFF8, v36  }
0x2a0: {  	v59 =	vld.idx.msk [tilespmem:v39+s15+$0x0], $0xffff;
	[tilespmem:s26+$0x5300] =	vst v26;
	v28 =	vand.u32 $0x7FFFFFF8, v48;
	v3 =	vor.u32 v30, v3;
	v30 =	vand.u32 $0x7, v5  }
0x2a1: {  	[tilespmem:s26+$0x5380] =	vst v23;
	v46 =	vld.idx.msk [tilespmem:v1+s15+$0x0], $0xffff;
	v1 =	vor.u32 v30, v28  }
0x2a2: {  	v6 =	vmul.u32 $0x11, v2;
	v2 =	vld.idx.msk [tilespmem:v47+s15+$0x0], $0xffff;
	[tilespmem:s28+$0x80] =	vst v25  }
0x2a3: {  	v33 =	vld.idx.msk [tilespmem:v45+s15+$0x0], $0xffff;
	[tilespmem:s28+$0x100] =	vst v0  }
0x2a4: {  	[tilespmem:s28+$0x180] =	vst v24;
	v47 =	vadd.s32 $0x8, v6;
	v27 =	vadd.s32 $0x1, v6;
	v57 =	vld.idx.msk [tilespmem:v37+s15+$0x0], $0xffff  }
0x2a5: {  	s30 =	simm.s32 $0x200;
	[tilespmem:s28+$0x200] =	vst v21;
	v25 =	vadd.s32 $0x4, v6;
	v34 =	vand.u32 $0x7FFFFFF8, v47;
	v47 =	vld.idx.msk [tilespmem:v32+s15+$0x0], $0xffff  }
0x2a6: {  	s31 =	simm.s32 $0x70;
	s8 =	sand.u32 $0x7C00, s30;
	[tilespmem:s28+$0x280] =	vst v20;
	v30 =	vld.idx.msk [tilespmem:v1+s15+$0x0], $0xffff;
	v1 =	vadd.s32 $0x6, v6  }
0x2a7: {  	s9 =	sand.u32 $0x70, s31;
	s6 =	sadd.s32 $0xB8D0, s8;
	[tilespmem:s28+$0x300] =	vst v19;
	v58 =	vand.u32 $0x7, v6;
	v0 =	vadd.s32 $0x5, v6;
	v45 =	vld.idx.msk [tilespmem:v35+s15+$0x0], $0xffff  }
0x2a8: {  	s12 =	sadd.s32 s9, s6;
	[tilespmem:s28+$0x380] =	vst v18;
	v34 =	vor.u32 v58, v34;
	v48 =	vld.idx.msk [tilespmem:v31+s15+$0x0], $0xffff  }
0x2a9: {  	[tilespmem:s12+$0x5000] =	vst v2;
	v2 =	vadd.s32 $0x3, v6;
	v24 =	vld.idx.msk [tilespmem:v27+s15+$0x0], $0xffff  }
0x2aa: {  	[tilespmem:s28+$0x5080] =	vst v17;
	v36 =	vld.idx.msk [tilespmem:v25+s15+$0x0], $0xffff  }
0x2ab: {  	[tilespmem:s28+$0x5100] =	vst v16;
	v37 =	vld.idx.msk [tilespmem:v1+s15+$0x0], $0xffff;
	v1 =	vadd.s32 $0xD, v6  }
0x2ac: {  	[tilespmem:s28+$0x5180] =	vst v11;
	v32 =	vld.idx.msk [tilespmem:v0+s15+$0x0], $0xffff  }
0x2ad: {  	[tilespmem:s28+$0x5200] =	vst v14;
	v0 =	vadd.s32 $0xC, v6;
	v23 =	vld.idx.msk [tilespmem:v34+s15+$0x0], $0xffff  }
0x2ae: {  	[tilespmem:s28+$0x5280] =	vst v13;
	v28 =	vadd.s32 $0x2, v6;
	v34 =	vld.idx.msk [tilespmem:v2+s15+$0x0], $0xffff  }
0x2af: {  	[tilespmem:s28+$0x5300] =	vst v12;
	v2 =	vadd.s32 $0xA, v6;
	v26 =	vld.idx.msk [tilespmem:v3+s15+$0x0], $0xffff  }
0x2b0: {  	[tilespmem:s28+$0x5380] =	vst v7;
	v20 =	vadd.s32 $0x9, v6;
	v35 =	vld.idx.msk [tilespmem:v1+s15+$0x0], $0xffff  }
0x2b1: {  	v3 =	vadd.s32 $0x7, v6;
	v1 =	vld [tilespmem:$0x1FD80]  }
0x2b2: {  	v40 =	vld.idx.msk [tilespmem:v0+s15+$0x0], $0xffff  }
0x2b3: {  	v0 =	vadd.s32 $0x3, v4;
	v31 =	vld.idx.msk [tilespmem:v28+s15+$0x0], $0xffff  }
0x2b4: {  	v43 =	vld.idx.msk [tilespmem:v2+s15+$0x0], $0xffff;
	v2 =	vadd.s32 $0x1, v4  }
0x2b5: {  	v18 =	vadd.s32 $0xB, v6;
	v28 =	vld.idx.msk [tilespmem:v20+s15+$0x0], $0xffff;
	[tilespmem:s29+$0x100] =	vst v8  }
0x2b6: {  	v14 =	vadd.s32 $0xF, v6;
	v39 =	vld.idx.msk [tilespmem:v3+s15+$0x0], $0xffff;
	[tilespmem:s29+$0x80] =	vst v1  }
0x2b7: {  	v12 =	vadd.s32 $0x2, v4;
	v7 =	vld [tilespmem:$0x1FD90]  }
0x2b8: {  	v3 =	vadd.s32 $0xE, v6;
	v0 =	vld.idx.msk [tilespmem:v0+s15+$0x0], $0xffff  }
0x2b9: {  	v20 =	vld.idx.msk [tilespmem:v2+s15+$0x0], $0xffff;
	v2 =	vadd.s32 $0x7, v4  }
0x2ba: {  	v41 =	vld.idx.msk [tilespmem:v18+s15+$0x0], $0xffff;
	[tilespmem:s29+$0x200] =	vst v10  }
0x2bb: {  	v25 =	vld.idx.msk [tilespmem:v14+s15+$0x0], $0xffff;
	[tilespmem:s29+$0x280] =	vst v29  }
0x2bc: {  	v19 =	vld.idx.msk [tilespmem:v12+s15+$0x0], $0xffff;
	v1 =	vadd.s32 $0x4, v4;
	[tilespmem:s29+$0x180] =	vst v7  }
0x2bd: {  	v58 =	vld.idx.msk [tilespmem:v3+s15+$0x0], $0xffff;
	v3 =	vadd.s32 $0x5, v4;
	[tilespmem:$0x1FDA0] =	vst v0  }
0x2be: {  	v7 =	vadd.s32 $0x6, v4;
	v2 =	vld.idx.msk [tilespmem:v2+s15+$0x0], $0xffff  }
0x2bf: {  	v8 =	vadd.s32 $0x9, v4;
	[tilespmem:s29+$0x300] =	vst v38  }
0x2c0: {  	[tilespmem:s29+$0x380] =	vst v9  }
0x2c1: {  	v17 =	vld.idx.msk [tilespmem:v1+s15+$0x0], $0xffff;
	[tilespmem:s29+$0x5080] =	vst v51  }
0x2c2: {  	v14 =	vld.idx.msk [tilespmem:v3+s15+$0x0], $0xffff;
	[tilespmem:s29+$0x5100] =	vst v52  }
0x2c3: {  	v16 =	vld.idx.msk [tilespmem:v7+s15+$0x0], $0xffff;
	[tilespmem:$0x1FDB0] =	vst v2  }
0x2c4: {  	v7 =	vld.idx.msk [tilespmem:v8+s15+$0x0], $0xffff  }
0x2c5: {  	v0 =	vadd.s32 $0xA, v4;
	_ =	sdelay $0x2  }
0x2c6: {  	[tilespmem:s29+$0x5180] =	vst v53  }
0x2c7: {  	[tilespmem:$0x1FDC0] =	vst v7  }
0x2c8: {  	v0 =	vld.idx.msk [tilespmem:v0+s15+$0x0], $0xffff  }
0x2c9: {  	v1 =	vadd.s32 $0xB, v4;
	_ =	sdelay $0x2  }
0x2ca: {  	[tilespmem:s29+$0x5200] =	vst v54  }
0x2cb: {  	[tilespmem:$0x1FDD0] =	vst v0  }
0x2cc: {  	v1 =	vld.idx.msk [tilespmem:v1+s15+$0x0], $0xffff  }
0x2cd: {  	v3 =	vadd.s32 $0xC, v4;
	_ =	sdelay $0x2  }
0x2ce: {  	[tilespmem:s29+$0x5280] =	vst v55  }
0x2cf: {  	[tilespmem:$0x1FDE0] =	vst v1  }
0x2d0: {  	v3 =	vld.idx.msk [tilespmem:v3+s15+$0x0], $0xffff  }
0x2d1: {  	v2 =	vadd.s32 $0xE, v4;
	_ =	sdelay $0x2  }
0x2d2: {  	[tilespmem:s29+$0x5300] =	vst v56  }
0x2d3: {  	[tilespmem:$0x1FDF0] =	vst v3  }
0x2d4: {  	v12 =	vadd.s32 $0xD, v4;
	v2 =	vld.idx.msk [tilespmem:v2+s15+$0x0], $0xffff;
	_ =	sdelay $0x1  }
0x2d5: {  	v18 =	vadd.s32 $0xF, v4  }
0x2d6: {  	v0 =	vadd.s32 $0x1, v5;
	[tilespmem:s29+$0x5380] =	vst v62  }
0x2d7: {  	v1 =	vadd.s32 $0x2, v5;
	[tilespmem:s12+$0x80] =	vst v15  }
0x2d8: {  	v29 =	vadd.s32 $0x3, v5;
	v62 =	vld.idx.msk [tilespmem:v12+s15+$0x0], $0xffff;
	[tilespmem:$0x1FE00] =	vst v2  }
0x2d9: {  	v11 =	vadd.s32 $0x4, v5;
	[tilespmem:s12+$0x100] =	vst v60  }
0x2da: {  	s0 =	sshll.u32 s0, $0x5;
	s11 =	simm.s32 $0x50;
	v60 =	vld.idx.msk [tilespmem:v18+s15+$0x0], $0xffff;
	[tilespmem:s12+$0x180] =	vst v50  }
0x2db: {  	s0 =	sor.u32 s4, s0;
	s11 =	sand.u32 $0x50, s11;
	v52 =	vadd.s32 $0xE, v5;
	v15 =	vld.idx.msk [tilespmem:v0+s15+$0x0], $0xffff;
	[tilespmem:s12+$0x200] =	vst v61  }
0x2dc: {  	s10 =	simm.s32 $0x40;
	s13 =	simm.s32 $0x60;
	s1 =	simm.s32 $0x4;
	v51 =	vadd.s32 $0xF, v5;
	v53 =	vadd.s32 $0xD, v5;
	v54 =	vadd.s32 $0xB, v5;
	v21 =	vld.idx.msk [tilespmem:v1+s15+$0x0], $0xffff;
	[tilespmem:s12+$0x280] =	vst v59  }
0x2dd: {  	s8 =	sand.u32 $0x40, s10;
	s10 =	sand.u32 $0x60, s13;
	s13 =	simm.s32 $0xF80;
	v55 =	vadd.s32 $0x7, v5;
	v56 =	vadd.s32 $0x6, v5;
	v3 =	vadd.s32 $0x5, v5;
	v27 =	vld.idx.msk [tilespmem:v29+s15+$0x0], $0xffff;
	[tilespmem:s12+$0x300] =	vst v57  }
0x2de: {  	s9 =	sadd.s32 s8, s6;
	s8 =	sadd.s32 s11, s6;
	s6 =	sadd.s32 s10, s6;
	v2 =	vadd.s32 $0x9, v5;
	v1 =	vadd.s32 $0xA, v5;
	v50 =	vadd.s32 $0xC, v5;
	[tilespmem:s12+$0x380] =	vst v42;
	v18 =	vld.idx.msk [tilespmem:v11+s15+$0x0], $0xffff  }
.LBB2_6:
0x2df: {  	_ =	sdelay $0x1  }
0x2e0: {  	v0 =	vld [tilespmem:s13+$0x0]  }
0x2e1: {  	v3 =	vld.idx.msk [tilespmem:v3+s15+$0x0], $0xffff;
	_ =	sdelay $0x1  }
0x2e2: {  	v38 =	vld [tilespmem:s13+$0xFFFFFFD0]  }
0x2e3: {  	v2 =	vld.idx.msk [tilespmem:v2+s15+$0x0], $0xffff  }
0x2e4: {  	v1 =	vld.idx.msk [tilespmem:v1+s15+$0x0], $0xffff  }
0x2e5: {  	[tilespmem:$0x1FC30] =	vst v3;
	v3 =	vand.u32 $0xFF, v0  }
0x2e6: {  	v57 =	vshrl.u32 v0, $0x8;
	v3 =	vmul.u32 $0x6, v3  }
0x2e7: {  	[tilespmem:s12+$0x5280] =	vst v46;
	v46 =	vand.u32 $0xFF, v57  }
0x2e8: {  	[tilespmem:$0x1FC70] =	vst v2;
	v2 =	vand.u32 $0xFF, v38;
	v3 =	vadd.s32 v46, v3  }
0x2e9: {  	[tilespmem:$0x1FC80] =	vst v1;
	v1 =	vmul.u32 $0x6, v2;
	v2 =	vshll.u32 v3, $0x1;
	v3 =	vld.idx.msk [tilespmem:v54+s15+$0x0], $0xffff;
	_ =	sdelay $0x1  }
0x2ea: {  	[tilespmem:s12+$0x5080] =	vst v22  }
0x2eb: {  	[tilespmem:s12+$0x5100] =	vst v33  }
0x2ec: {  	[tilespmem:s12+$0x5180] =	vst v44;
	v7 =	vld.idx.msk [tilespmem:v56+s15+$0x0], $0xffff  }
0x2ed: {  	[tilespmem:$0x1FCA0] =	vst v3;
	v3 =	vld [tilespmem:$0x1FD60]  }
0x2ee: {  	[tilespmem:s12+$0x5200] =	vst v45  }
0x2ef: {  	[tilespmem:s12+$0x5300] =	vst v47  }
0x2f0: {  	[tilespmem:s12+$0x5380] =	vst v48  }
0x2f1: {  	v11 =	vld [tilespmem:s13+$0xFFFFFFF0];
	[tilespmem:$0x1FC40] =	vst v7;
	v0 =	vshrl.u32 v0, $0x10  }
0x2f2: {  	v7 =	vld.idx.msk [tilespmem:v55+s15+$0x0], $0xffff;
	v0 =	vand.u32 $0xFF, v0;
	[tilespmem:s29+$0x0] =	vst v3  }
0x2f3: {  	[tilespmem:$0x1FC20] =	vst v27;
	v0 =	vadd.s32 v0, v2;
	v2 =	vld.idx.msk [tilespmem:v50+s15+$0x0], $0xffff  }
0x2f4: {  	[tilespmem:s26+$0x0] =	vst v49  }
0x2f5: {  	v22 =	vld [tilespmem:s13+$0xFFFFFFE0];
	s26 =	smov.u32 s9;
	[tilespmem:s28+$0x0] =	vst v63  }
0x2f6: {  	s28 =	smov.u32 s8;
	v6 =	vld.idx.msk [tilespmem:v6+s15+$0x0], $0xffff;
	[tilespmem:s26+$0x5000] =	vst v23  }
0x2f7: {  	v4 =	vld.idx.msk [tilespmem:v4+s15+$0x0], $0xffff;
	[tilespmem:s28+$0x5000] =	vst v26  }
0x2f8: {  	[tilespmem:$0x1FCB0] =	vst v2;
	v2 =	vld [tilespmem:$0x1FD70]  }
0x2f9: {  	[tilespmem:s26+$0x80] =	vst v24;
	v9 =	vmul.u32 $0x11, v0;
	v0 =	vld.idx.msk [tilespmem:v53+s15+$0x0], $0xffff  }
0x2fa: {  	[tilespmem:s26+$0x100] =	vst v31  }
0x2fb: {  	[tilespmem:s26+$0x180] =	vst v34  }
0x2fc: {  	v56 =	vand.u32 $0xFF, v22;
	[tilespmem:$0x1FC60] =	vst v4  }
0x2fd: {  	v45 =	vmul.u32 $0x6, v56;
	v3 =	vshrl.u32 v38, $0x8;
	[tilespmem:s12+$0x0] =	vst v2;
	v2 =	vshrl.u32 v22, $0x8  }
0x2fe: {  	v4 =	vadd.s32 $0x4, v9;
	[tilespmem:$0x1FCC0] =	vst v0;
	v0 =	vand.u32 $0xFF, v3;
	v2 =	vand.u32 $0xFF, v2  }
0x2ff: {  	[tilespmem:s26+$0x200] =	vst v36;
	v0 =	vadd.s32 v0, v1;
	v1 =	vadd.s32 v2, v45;
	v2 =	vadd.s32 $0x1, v9  }
0x300: {  	[tilespmem:s26+$0x280] =	vst v32  }
0x301: {  	[tilespmem:$0x1FC50] =	vst v7;
	v7 =	vld.idx.msk [tilespmem:v52+s15+$0x0], $0xffff  }
0x302: {  	[tilespmem:s26+$0x300] =	vst v37;
	v5 =	vld.idx.msk [tilespmem:v5+s15+$0x0], $0xffff  }
0x303: {  	[tilespmem:s26+$0x380] =	vst v39;
	v4 =	vld.idx.msk [tilespmem:v4+s15+$0x0], $0xffff  }
0x304: {  	[tilespmem:s26+$0x5080] =	vst v28;
	v26 =	vadd.s32 $0x5, v9;
	v2 =	vld.idx.msk [tilespmem:v2+s15+$0x0], $0xffff  }
0x305: {  	[tilespmem:$0x1FC90] =	vst v6;
	v6 =	vshrl.u32 v22, $0x10  }
0x306: {  	v44 =	vshrl.u32 v38, $0x10;
	v6 =	vand.u32 $0xFF, v6;
	[tilespmem:$0x1FCD0] =	vst v7;
	v1 =	vshll.u32 v1, $0x1  }
0x307: {  	[tilespmem:$0x1FD60] =	vst v5;
	v5 =	vand.u32 $0xFF, v44;
	v0 =	vshll.u32 v0, $0x1;
	v1 =	vadd.s32 v6, v1  }
0x308: {  	v7 =	vld.idx.msk [tilespmem:v51+s15+$0x0], $0xffff;
	v0 =	vadd.s32 v5, v0;
	[tilespmem:$0x1FD20] =	vst v4;
	v4 =	vmul.u32 $0x11, v1  }
0x309: {  	v6 =	vmul.u32 $0x11, v0;
	v0 =	vld.idx.msk [tilespmem:v26+s15+$0x0], $0xffff;
	[tilespmem:$0x1FCF0] =	vst v2;
	v2 =	vadd.s32 $0x6, v9  }
0x30a: {  	[tilespmem:s26+$0x5100] =	vst v43;
	v10 =	vadd.s32 $0x2, v9;
	v26 =	vadd.s32 $0x8, v4  }
0x30b: {  	[tilespmem:s26+$0x5180] =	vst v41;
	v1 =	vadd.s32 $0xA, v9;
	v50 =	vand.u32 $0x7, v4;
	v26 =	vand.u32 $0x7FFFFFF8, v26  }
0x30c: {  	[tilespmem:s26+$0x5200] =	vst v40;
	v26 =	vor.u32 v50, v26  }
0x30d: {  	[tilespmem:$0x1FCE0] =	vst v7;
	v7 =	vld.idx.msk [tilespmem:v9+s15+$0x0], $0xffff  }
0x30e: {  	v27 =	vadd.s32 $0x7, v9;
	[tilespmem:$0x1FD30] =	vst v0;
	v0 =	vld.idx.msk [tilespmem:v2+s15+$0x0], $0xffff  }
0x30f: {  	[tilespmem:s26+$0x5280] =	vst v35;
	v23 =	vadd.s32 $0x3, v9;
	v5 =	vld.idx.msk [tilespmem:v10+s15+$0x0], $0xffff  }
0x310: {  	v59 =	vand.u32 $0xFF, v11;
	[tilespmem:s28+$0x80] =	vst v20;
	v33 =	vld.idx.msk [tilespmem:v1+s15+$0x0], $0xffff;
	v1 =	vadd.s32 $0xF, v9  }
0x311: {  	v63 =	vshrl.u32 v11, $0x8;
	[tilespmem:s26+$0x5300] =	vst v58;
	v61 =	vmul.u32 $0x6, v59;
	v29 =	vld.idx.msk [tilespmem:v26+s15+$0x0], $0xffff  }
0x312: {  	v3 =	vand.u32 $0xFF, v63;
	[tilespmem:s28+$0x100] =	vst v19;
	v19 =	vld [tilespmem:$0x1FDD0]  }
0x313: {  	v3 =	vadd.s32 v3, v61;
	[tilespmem:$0x1FD40] =	vst v0;
	v0 =	vld.idx.msk [tilespmem:v27+s15+$0x0], $0xffff  }
0x314: {  	v3 =	vshll.u32 v3, $0x1;
	v22 =	vshrl.u32 v11, $0x10;
	[tilespmem:$0x1FD70] =	vst v7;
	v7 =	vld.idx.msk [tilespmem:v23+s15+$0x0], $0xffff;
	v28 =	vadd.s32 $0x6, v6  }
0x315: {  	v22 =	vand.u32 $0xFF, v22;
	[tilespmem:$0x1FD00] =	vst v5;
	v5 =	vadd.s32 $0x8, v9;
	v40 =	vadd.s32 $0x9, v6;
	v48 =	vld.idx.msk [tilespmem:v1+s15+$0x0], $0xffff  }
0x316: {  	[tilespmem:s26+$0x5380] =	vst v25;
	v3 =	vadd.s32 v22, v3;
	v23 =	vand.u32 $0x7, v9;
	v5 =	vand.u32 $0x7FFFFFF8, v5;
	v1 =	vld [tilespmem:$0x1FDA0]  }
0x317: {  	v23 =	vor.u32 v23, v5;
	v5 =	vmul.u32 $0x11, v3;
	[tilespmem:s28+$0x5100] =	vst v19;
	v19 =	vld [tilespmem:$0x1FDE0]  }
0x318: {  	[tilespmem:$0x1FD50] =	vst v0;
	v0 =	vadd.s32 $0xC, v6  }
0x319: {  	v31 =	vadd.s32 $0x8, v5;
	v37 =	vld.idx.msk [tilespmem:v28+s15+$0x0], $0xffff  }
0x31a: {  	v51 =	vand.u32 $0x7, v5;
	v31 =	vand.u32 $0x7FFFFFF8, v31;
	v28 =	vld.idx.msk [tilespmem:v40+s15+$0x0], $0xffff  }
0x31b: {  	v31 =	vor.u32 v51, v31;
	[tilespmem:s28+$0x180] =	vst v1;
	v1 =	vld [tilespmem:$0x1FDB0]  }
0x31c: {  	s29 =	smov.u32 s6;
	[tilespmem:s28+$0x5180] =	vst v19;
	v19 =	vld [tilespmem:$0x1FDF0]  }
0x31d: {  	[tilespmem:s29+$0x5000] =	vst v30;
	v40 =	vld.idx.msk [tilespmem:v0+s15+$0x0], $0xffff  }
0x31e: {  	[tilespmem:s28+$0x200] =	vst v17;
	v0 =	vld [tilespmem:$0x1FC20]  }
0x31f: {  	[tilespmem:s28+$0x280] =	vst v14  }
0x320: {  	[tilespmem:s28+$0x300] =	vst v16;
	v42 =	vld.idx.msk [tilespmem:v31+s15+$0x0], $0xffff  }
0x321: {  	[tilespmem:s28+$0x380] =	vst v1;
	v1 =	vld [tilespmem:$0x1FDC0]  }
0x322: {  	[tilespmem:s28+$0x5200] =	vst v19;
	v19 =	vld [tilespmem:$0x1FE00]  }
0x323: {  	v61 =	vadd.s32 $0x3, v4;
	[tilespmem:s29+$0x180] =	vst v0;
	v0 =	vld [tilespmem:$0x1FC30]  }
0x324: {  	[tilespmem:s28+$0x5280] =	vst v62  }
0x325: {  	[tilespmem:s28+$0x5380] =	vst v60  }
0x326: {  	[tilespmem:s28+$0x5080] =	vst v1  }
0x327: {  	[tilespmem:s28+$0x5300] =	vst v19  }
0x328: {  	[tilespmem:s29+$0x280] =	vst v0;
	v0 =	vld.idx.msk [tilespmem:v61+s15+$0x0], $0xffff;
	_ =	sdelay $0x4  }
0x329: {  	[tilespmem:$0x1FDA0] =	vst v0;
	v0 =	vld [tilespmem:$0x1FC40];
	_ =	sdelay $0x4  }
0x32a: {  	[tilespmem:s29+$0x300] =	vst v0;
	v0 =	vld [tilespmem:$0x1FC50];
	_ =	sdelay $0x4  }
0x32b: {  	[tilespmem:s29+$0x380] =	vst v0;
	v0 =	vld [tilespmem:$0x1FC70];
	_ =	sdelay $0x2  }
0x32c: {  	v3 =	vadd.s32 $0x8, v6  }
0x32d: {  	v49 =	vand.u32 $0x7, v6;
	v3 =	vand.u32 $0x7FFFFFF8, v3  }
0x32e: {  	v3 =	vor.u32 v49, v3;
	v49 =	vadd.s32 $0x7, v4;
	[tilespmem:s29+$0x5080] =	vst v0;
	v0 =	vld [tilespmem:$0x1FC80];
	_ =	sdelay $0x4  }
0x32f: {  	[tilespmem:s29+$0x5100] =	vst v0;
	v0 =	vld.idx.msk [tilespmem:v49+s15+$0x0], $0xffff;
	_ =	sdelay $0x4  }
0x330: {  	v8 =	vadd.s32 $0x9, v4;
	[tilespmem:$0x1FDB0] =	vst v0;
	v0 =	vld [tilespmem:$0x1FCA0];
	_ =	sdelay $0x3  }
0x331: {  	v30 =	vadd.s32 $0x9, v9  }
0x332: {  	[tilespmem:s29+$0x5180] =	vst v0;
	v0 =	vld.idx.msk [tilespmem:v8+s15+$0x0], $0xffff;
	_ =	sdelay $0x3  }
0x333: {  	v11 =	vadd.s32 $0xE, v9;
	v38 =	vld.idx.msk [tilespmem:v30+s15+$0x0], $0xffff;
	v30 =	vadd.s32 $0xD, v9  }
0x334: {  	v2 =	vadd.s32 $0xB, v9;
	v27 =	vadd.s32 $0xC, v9;
	v9 =	vadd.s32 $0xA, v4;
	[tilespmem:$0x1FDC0] =	vst v0;
	v0 =	vld [tilespmem:$0x1FCB0];
	_ =	sdelay $0x4  }
0x335: {  	[tilespmem:s29+$0x5200] =	vst v0;
	v0 =	vld.idx.msk [tilespmem:v9+s15+$0x0], $0xffff;
	_ =	sdelay $0x4  }
0x336: {  	v10 =	vadd.s32 $0xB, v4;
	[tilespmem:$0x1FDD0] =	vst v0;
	v0 =	vld [tilespmem:$0x1FCC0];
	_ =	sdelay $0x4  }
0x337: {  	[tilespmem:s29+$0x5280] =	vst v0;
	v0 =	vld.idx.msk [tilespmem:v10+s15+$0x0], $0xffff;
	_ =	sdelay $0x3  }
0x338: {  	v47 =	vld.idx.msk [tilespmem:v11+s15+$0x0], $0xffff  }
0x339: {  	v11 =	vadd.s32 $0xC, v4;
	[tilespmem:$0x1FDE0] =	vst v0;
	v0 =	vld [tilespmem:$0x1FCD0];
	_ =	sdelay $0x4  }
0x33a: {  	[tilespmem:s29+$0x5300] =	vst v0;
	v0 =	vld.idx.msk [tilespmem:v11+s15+$0x0], $0xffff;
	_ =	sdelay $0x4  }
0x33b: {  	[tilespmem:$0x1FDF0] =	vst v0;
	v0 =	vld [tilespmem:$0x1FCE0];
	_ =	sdelay $0x4  }
0x33c: {  	v13 =	vadd.s32 $0xE, v4;
	[tilespmem:s29+$0x5380] =	vst v0;
	v0 =	vld [tilespmem:$0x1FCF0]  }
0x33d: {  	s30 =	sadd.s32 $0x200, s30;
	v46 =	vld.idx.msk [tilespmem:v30+s15+$0x0], $0xffff  }
0x33e: {  	s31 =	sadd.s32 $0x40, s31;
	s11 =	sand.u32 $0x7C00, s30;
	v23 =	vld.idx.msk [tilespmem:v23+s15+$0x0], $0xffff  }
0x33f: {  	s6 =	sadd.s32 $0xB8D0, s11;
	s12 =	sand.u32 $0x70, s31;
	v44 =	vld.idx.msk [tilespmem:v2+s15+$0x0], $0xffff  }
0x340: {  	s12 =	sadd.s32 s12, s6;
	v45 =	vld.idx.msk [tilespmem:v27+s15+$0x0], $0xffff  }
0x341: {  	[tilespmem:s12+$0x80] =	vst v0;
	v0 =	vld.idx.msk [tilespmem:v13+s15+$0x0], $0xffff  }
0x342: {  	v53 =	vadd.s32 $0x3, v6  }
0x343: {  	v54 =	vadd.s32 $0x4, v6  }
0x344: {  	v55 =	vadd.s32 $0x5, v6  }
0x345: {  	v39 =	vadd.s32 $0x7, v6  }
0x346: {  	[tilespmem:$0x1FE00] =	vst v0;
	v0 =	vld [tilespmem:$0x1FD00]  }
0x347: {  	v25 =	vadd.s32 $0xA, v6;
	v34 =	vld.idx.msk [tilespmem:v53+s15+$0x0], $0xffff  }
0x348: {  	v41 =	vadd.s32 $0xB, v6;
	v36 =	vld.idx.msk [tilespmem:v54+s15+$0x0], $0xffff  }
0x349: {  	v58 =	vadd.s32 $0xE, v6;
	v32 =	vld.idx.msk [tilespmem:v55+s15+$0x0], $0xffff  }
0x34a: {  	v59 =	vadd.s32 $0xF, v6;
	[tilespmem:$0x1FD10] =	vst v7;
	v39 =	vld.idx.msk [tilespmem:v39+s15+$0x0], $0xffff  }
0x34b: {  	[tilespmem:s12+$0x100] =	vst v0;
	v0 =	vld [tilespmem:$0x1FD10]  }
0x34c: {  	v7 =	vadd.s32 $0xD, v6;
	v43 =	vld.idx.msk [tilespmem:v25+s15+$0x0], $0xffff  }
0x34d: {  	v52 =	vadd.s32 $0x2, v6;
	v41 =	vld.idx.msk [tilespmem:v41+s15+$0x0], $0xffff  }
0x34e: {  	v58 =	vld.idx.msk [tilespmem:v58+s15+$0x0], $0xffff  }
0x34f: {  	v25 =	vld.idx.msk [tilespmem:v59+s15+$0x0], $0xffff;
	v2 =	vadd.s32 $0x1, v6  }
0x350: {  	[tilespmem:s12+$0x180] =	vst v0;
	v0 =	vld [tilespmem:$0x1FD20]  }
0x351: {  	v20 =	vadd.s32 $0x1, v4;
	v35 =	vld.idx.msk [tilespmem:v7+s15+$0x0], $0xffff  }
0x352: {  	v22 =	vadd.s32 $0x2, v4;
	v31 =	vld.idx.msk [tilespmem:v52+s15+$0x0], $0xffff  }
0x353: {  	v26 =	vadd.s32 $0x4, v4;
	v27 =	vld.idx.msk [tilespmem:v3+s15+$0x0], $0xffff  }
0x354: {  	v63 =	vadd.s32 $0x5, v4;
	v24 =	vld.idx.msk [tilespmem:v2+s15+$0x0], $0xffff  }
0x355: {  	[tilespmem:s12+$0x200] =	vst v0;
	v0 =	vld [tilespmem:$0x1FD30]  }
0x356: {  	v20 =	vld.idx.msk [tilespmem:v20+s15+$0x0], $0xffff  }
0x357: {  	v57 =	vadd.s32 $0x6, v4;
	v19 =	vld.idx.msk [tilespmem:v22+s15+$0x0], $0xffff  }
0x358: {  	v12 =	vadd.s32 $0xD, v4;
	v59 =	vld.idx.msk [tilespmem:v26+s15+$0x0], $0xffff  }
0x359: {  	v14 =	vadd.s32 $0xF, v4;
	[tilespmem:s29+$0x100] =	vst v21;
	v21 =	vld.idx.msk [tilespmem:v63+s15+$0x0], $0xffff  }
0x35a: {  	[tilespmem:s12+$0x280] =	vst v0;
	v0 =	vld [tilespmem:$0x1FD40]  }
0x35b: {  	v63 =	vld [tilespmem:$0x1FC60]  }
0x35c: {  	[tilespmem:s12+$0x5000] =	vst v23;
	v23 =	vadd.s32 $0x1, v5;
	v7 =	vld.idx.msk [tilespmem:v57+s15+$0x0], $0xffff  }
0x35d: {  	v16 =	vadd.s32 $0x2, v5;
	v62 =	vld.idx.msk [tilespmem:v12+s15+$0x0], $0xffff  }
0x35e: {  	s1 =	sadd.s32 $0x4, s1;
	v17 =	vadd.s32 $0x3, v5;
	[tilespmem:s29+$0x80] =	vst v15;
	v60 =	vld.idx.msk [tilespmem:v14+s15+$0x0], $0xffff  }
0x35f: {  	p0 =	slt.u32 s1, $0x9C;
	v30 =	vadd.s32 $0x4, v5;
	[tilespmem:s12+$0x300] =	vst v0;
	v0 =	vld [tilespmem:$0x1FD50]  }
.Ltmp6:
0x360: {  	v56 =	vadd.s32 $0x6, v5;
	[tilespmem:s29+$0x200] =	vst v18;
	v49 =	vld [tilespmem:$0x1FC90];
	(pc) =	sbr.rel @p0 .LBB2_6-.Ltmp6, $4  }
0x361: {  	s13 =	sadd.s32 $0x40, s13;
	v50 =	vadd.s32 $0xC, v5;
	v55 =	vadd.s32 $0x7, v5;
	v54 =	vadd.s32 $0xB, v5;
	v15 =	vld.idx.msk [tilespmem:v23+s15+$0x0], $0xffff  }
0x362: {  	s10 =	sadd.s32 $0xFFFFFFE0, s31;
	s8 =	sadd.s32 $0xFFFFFFD0, s31;
	s11 =	sadd.s32 $0xFFFFFFF0, s31;
	v53 =	vadd.s32 $0xD, v5;
	v51 =	vadd.s32 $0xF, v5;
	v52 =	vadd.s32 $0xE, v5;
	v14 =	vmovc v21;
	v21 =	vld.idx.msk [tilespmem:v16+s15+$0x0], $0xffff  }
0x363: {  	s10 =	sand.u32 $0x50, s10;
	s8 =	sand.u32 $0x40, s8;
	s11 =	sand.u32 $0x60, s11;
	v3 =	vadd.s32 $0x5, v5;
	v2 =	vadd.s32 $0x9, v5;
	v1 =	vadd.s32 $0xA, v5;
	v23 =	vmovc v27;
	v27 =	vld.idx.msk [tilespmem:v17+s15+$0x0], $0xffff  }
0x364: {  	s9 =	sadd.s32 s8, s6;
	s8 =	sadd.s32 s10, s6;
	s6 =	sadd.s32 s11, s6;
	v22 =	vmovc v38;
	v26 =	vmovc v29;
	v16 =	vmov v7;
	v17 =	vmov v59;
	v18 =	vld.idx.msk [tilespmem:v30+s15+$0x0], $0xffff;
	v30 =	vmov v42;
	[tilespmem:s12+$0x380] =	vst v0  }
0x365: {  	_ = 	snop  }
0x366: {  	[tilespmem:s12+$0x5080] =	vst v22  }
0x367: {  	[tilespmem:s12+$0x5100] =	vst v33  }
0x368: {  	[tilespmem:s12+$0x5180] =	vst v44  }
0x369: {  	v0 =	vld.idx.msk [tilespmem:v3+s15+$0x0], $0xffff;
	[tilespmem:s12+$0x5200] =	vst v45  }
0x36a: {  	v61 =	vld.idx.msk [tilespmem:v56+s15+$0x0], $0xffff;
	[tilespmem:s12+$0x5280] =	vst v46  }
0x36b: {  	v7 =	vld.idx.msk [tilespmem:v55+s15+$0x0], $0xffff;
	[tilespmem:s12+$0x5300] =	vst v47  }
0x36c: {  	v2 =	vld.idx.msk [tilespmem:v2+s15+$0x0], $0xffff;
	[tilespmem:s12+$0x5380] =	vst v48  }
0x36d: {  	v1 =	vld.idx.msk [tilespmem:v1+s15+$0x0], $0xffff;
	[tilespmem:s26+$0x0] =	vst v49  }
0x36e: {  	v8 =	vld.idx.msk [tilespmem:v54+s15+$0x0], $0xffff;
	[tilespmem:s28+$0x0] =	vst v63  }
0x36f: {  	v12 =	vld [tilespmem:$0x1FD60]  }
0x370: {  	v9 =	vld.idx.msk [tilespmem:v50+s15+$0x0], $0xffff  }
0x371: {  	v10 =	vld.idx.msk [tilespmem:v53+s15+$0x0], $0xffff  }
0x372: {  	v11 =	vld.idx.msk [tilespmem:v52+s15+$0x0], $0xffff  }
0x373: {  	v63 =	vld.idx.msk [tilespmem:v51+s15+$0x0], $0xffff  }
0x374: {  	v6 =	vld.idx.msk [tilespmem:v6+s15+$0x0], $0xffff;
	[tilespmem:s29+$0x0] =	vst v12  }
0x375: {  	v13 =	vld [tilespmem:$0x1FD70];
	[tilespmem:s9+$0x5000] =	vst v23  }
0x376: {  	v4 =	vld.idx.msk [tilespmem:v4+s15+$0x0], $0xffff;
	[tilespmem:s8+$0x5000] =	vst v26  }
0x377: {  	v5 =	vld.idx.msk [tilespmem:v5+s15+$0x0], $0xffff;
	[tilespmem:s6+$0x5000] =	vst v30  }
0x378: {  	[tilespmem:s9+$0x80] =	vst v24  }
0x379: {  	[tilespmem:s9+$0x100] =	vst v31  }
0x37a: {  	[tilespmem:s9+$0x180] =	vst v34  }
0x37b: {  	[tilespmem:s9+$0x200] =	vst v36  }
0x37c: {  	[tilespmem:s9+$0x280] =	vst v32  }
0x37d: {  	[tilespmem:s9+$0x300] =	vst v37  }
0x37e: {  	[tilespmem:s9+$0x380] =	vst v39  }
0x37f: {  	[tilespmem:s9+$0x5080] =	vst v28  }
0x380: {  	[tilespmem:s9+$0x5100] =	vst v43  }
0x381: {  	[tilespmem:s9+$0x5180] =	vst v41  }
0x382: {  	[tilespmem:s9+$0x5200] =	vst v40  }
0x383: {  	[tilespmem:s9+$0x5280] =	vst v35  }
0x384: {  	[tilespmem:s9+$0x5300] =	vst v58  }
0x385: {  	[tilespmem:s9+$0x5380] =	vst v25  }
0x386: {  	[tilespmem:s8+$0x80] =	vst v20  }
0x387: {  	[tilespmem:s8+$0x100] =	vst v19  }
0x388: {  	[tilespmem:s12+$0x0] =	vst v13  }
0x389: {  	v13 =	vld [tilespmem:$0x1FDA0];
	_ =	sdelay $0x1  }
0x38a: {  	[tilespmem:s8+$0x200] =	vst v17  }
0x38b: {  	[tilespmem:s8+$0x280] =	vst v14  }
0x38c: {  	[tilespmem:s8+$0x300] =	vst v16  }
0x38d: {  	[tilespmem:s8+$0x180] =	vst v13  }
0x38e: {  	v13 =	vld [tilespmem:$0x1FDB0];
	_ =	sdelay $0x4  }
0x38f: {  	[tilespmem:s8+$0x380] =	vst v13  }
0x390: {  	v13 =	vld [tilespmem:$0x1FDC0];
	_ =	sdelay $0x4  }
0x391: {  	[tilespmem:s8+$0x5080] =	vst v13  }
0x392: {  	v13 =	vld [tilespmem:$0x1FDD0];
	_ =	sdelay $0x4  }
0x393: {  	[tilespmem:s8+$0x5100] =	vst v13  }
0x394: {  	v13 =	vld [tilespmem:$0x1FDE0];
	_ =	sdelay $0x4  }
0x395: {  	[tilespmem:s8+$0x5180] =	vst v13  }
0x396: {  	v13 =	vld [tilespmem:$0x1FDF0];
	_ =	sdelay $0x3  }
0x397: {  	[tilespmem:s8+$0x5280] =	vst v62  }
0x398: {  	[tilespmem:s8+$0x5200] =	vst v13  }
0x399: {  	v13 =	vld [tilespmem:$0x1FE00];
	[tilespmem:s8+$0x5380] =	vst v60  }
0x39a: {  	[tilespmem:s6+$0x80] =	vst v15  }
0x39b: {  	[tilespmem:s6+$0x100] =	vst v21  }
0x39c: {  	[tilespmem:s6+$0x180] =	vst v27  }
0x39d: {  	[tilespmem:s6+$0x200] =	vst v18  }
0x39e: {  	[tilespmem:s6+$0x280] =	vst v0  }
0x39f: {  	[tilespmem:s6+$0x300] =	vst v61  }
0x3a0: {  	[tilespmem:s6+$0x380] =	vst v7  }
0x3a1: {  	[tilespmem:s6+$0x5080] =	vst v2  }
0x3a2: {  	[tilespmem:s6+$0x5100] =	vst v1  }
0x3a3: {  	[tilespmem:s6+$0x5180] =	vst v8  }
0x3a4: {  	[tilespmem:s6+$0x5200] =	vst v9  }
0x3a5: {  	[tilespmem:s6+$0x5280] =	vst v10  }
0x3a6: {  	[tilespmem:s6+$0x5300] =	vst v11  }
0x3a7: {  	[tilespmem:s6+$0x5380] =	vst v63  }
0x3a8: {  	s0 =	smul.u32 $0x5000, s0;
	[tilespmem:s9+$0x0] =	vst v6  }
0x3a9: {  	s1 =	sadd.s32 $0x3, s25;
	[tilespmem:s8+$0x0] =	vst v4  }
0x3aa: {  	p0 =	sge.u32 s1, s7;
	s0 =	sshrl.u32 s0, $0x3;
	[tilespmem:s6+$0x0] =	vst v5  }
0x3ab: {  	s1 =	sshll.u32 @!p0 s1, $0x5;
	s0 =	sadd.s32 s2, s0;
	[tilespmem:s8+$0x5300] =	vst v13  }
0x3ac: {  	[hbm4b:s0+s3] =	stream.linear.scatter [tilespmem:s19], [sflag:$0x4], $0x5000, $0x38;
	[tilespmem:$0x158D0] =	vst v63  }
.Ltmp7:
0x3ad: {  	s1 =	sor.u32 @!p0 s4, s1;
	(pc) =	sbr.rel .LBB2_8-.Ltmp7, $4  }
0x3ae: {  	s1 =	smul.u32 @!p0 $0x140, s1;
	s0 =	sadd.s32 $0x30D400, s0  }
0x3af: {  	[hbm4b:s0+s3] =	stream.linear.scatter [tilespmem:s20], [sflag:$0x4], $0x5000, $0x38;
	[tilespmem:$0x158D0] =	vst v63  }
0x3b0: {  	s6 =	simm.s32 @!p0 $0xED0;
	s0 =	sadd.s32 @!p0 s5, s1;
	s1 =	simm.s32 @!p0 $0x0  }
0x3b1: {  	[tilespmem:s6], [sflag:$0x2] =	stream.linear.gather @!p0 [hbm4b:s0+s1], $0xA00, $0x38;
	[tilespmem:$0x158D0] =	vst v63  }
.LBB2_10:
0x3b2: {  	_ =	sfence.sel $0x180000  }
0x3b3: {  	[bflag:$0x0] =	sbarrier.arrive $0xFFFF  }
0x3b4: {  	_ =	strace $0x90000047  }
0x3b5: {  	s0 =	stileid.u32;
	[bflag:$0x2] =	sbarrier.arrive $0xFFFF  }
0x3b6: {  	p0 =	sne.s32 s0, $0x0;
	s0 =	rddreg [dreg:$0x2]  }
0x3b7: {  	s0 =	sadd.s32 @!p0 $0x100000, s0  }
0x3b8: {  	[sflag:s0] =	ssyncadd.tile.s32 @!p0 $0x1;
	_ =	shalt  }
.Lfunc_end2:
_tile_overlayer_lowered:
.L_overlay_start_2:
0x3b9: {  	(tag) =	ssettag $0x2  }
0x3ba: {  	s0 =	rddreg [dreg:$0x0];
	s2 =	stileid.u32  }
0x3bb: {  	s1 =	rddreg [dreg:$0x1];
	p0 =	sne.s32 s2, $0x0  }
0x3bc: {  	s3 =	rddreg [dreg:$0x2];
	[bflag:$0x3] =	sbarrier.arrive $0xFFFF;
	s2 =	simm.s32 @!p0 $0x1C05  }
0x3bd: {  	[timem:s3], [sflag:s2] =	dma.local @!p0 [hbm:s0], s1  }
0x3be: {  	s0 =	simm.s32 @!p0 $0x5  }
0x3bf: {  	_ =	swait.ge @!p0 [sflag:s0], s1  }
0x3c0: {  	s1 =	ssub.s32 @!p0 $0x0, s1;
	[sflag:s0] =	ssyncset.done @!p0 $0x0  }
0x3c1: {  	[sflag:s0] =	ssyncadd.s32 @!p0 s1  }
0x3c2: {  	[bflag:$0x3] =	sbarrier.arrive $0xFFFF  }
0x3c3: {  	_ =	shalt  }

</sc_bundles>
